<compile_context>
chip_gen: v7x
topology: tpu7x:2x2x1
jax: 0.10.2.dev20260603
libtpu: 0.0.44.dev20260713+nightly
codegen_flags: <defaults>
</compile_context>

<pallas_src>
import functools

import jax
import jax.numpy as jnp
from jax import lax
from jax.experimental import pallas as pl
from jax.experimental.pallas import tpu as pltpu
from jax.experimental.pallas import tpu_sc as plsc

N = 16384
K = 2048

NSC = 5120
NTC = N - NSC

NSUB = 32
RP = NSC // NSUB
CH = K // 16
G = 4

BNT = 1024


def _prep_body(pt_ref, th_ref, c_ref,
               rd1_ref, rd2_ref, rd3_ref, rd4_ref, rd5_ref, cb_ref):
    pt = pt_ref[...]
    th = th_ref[...]
    cos = jnp.cos(th)
    sin = jnp.sin(th)
    dx1 = pt[2:3, :] - pt[0:1, :]
    dy1 = pt[3:4, :] - pt[1:2, :]
    dx2 = pt[4:5, :] - pt[0:1, :]
    dy2 = pt[5:6, :] - pt[1:2, :]
    px1 = dx1 * cos + dy1 * sin
    py1 = dy1 * cos - dx1 * sin
    px2 = dx2 * cos + dy2 * sin
    py2 = dy2 * cos - dx2 * sin
    pn = dx1 * dx1 + dy1 * dy1 + dx2 * dx2 + dy2 * dy2
    rd_refs = (rd1_ref, rd2_ref, rd3_ref, rd4_ref, rd5_ref)
    for ref, val in zip(rd_refs, (px1, py1, px2, py2, pn)):
        ref[...] = val[0]

    c = c_ref[...]
    cx1 = c[2:3, :]
    cy1 = c[3:4, :]
    cx2 = c[4:5, :]
    cy2 = c[5:6, :]
    e = (c[0:1, :] * c[0:1, :] + c[1:2, :] * c[1:2, :]
         + cx1 * cx1 + cy1 * cy1 + cx2 * cx2 + cy2 * cy2)
    zk3 = jnp.zeros((3, K), jnp.float32)
    cb_ref[...] = jnp.concatenate(
        [2.0 * cx1, 2.0 * cy1, 2.0 * cx2, 2.0 * cy2, e, zk3], axis=0)


def _tc_prep(p6, th, c):
    rdt = jax.ShapeDtypeStruct((NSC,), jnp.float32)
    return pl.pallas_call(
        _prep_body,
        grid=(1,),
        in_specs=[
            pl.BlockSpec((6, NSC), lambda i: (0, 0)),
            pl.BlockSpec((1, NSC), lambda i: (0, 0)),
            pl.BlockSpec((6, K), lambda i: (0, 0)),
        ],
        out_specs=[pl.BlockSpec((NSC,), lambda i: (0,))] * 5
        + [pl.BlockSpec((8, K), lambda i: (0, 0))],
        out_shape=[rdt, rdt, rdt, rdt, rdt,
                   jax.ShapeDtypeStruct((8, K), jnp.float32)],
    )(p6, th, c)


def _sc_body(cb_hbm, rd1_hbm, rd2_hbm, rd3_hbm, rd4_hbm, rd5_hbm,
             idx_hbm, md_hbm, cb_v, rd_v, idx_v, md_v):
    wid = lax.axis_index("s") * 2 + lax.axis_index("c")
    base = wid * RP
    pltpu.sync_copy(cb_hbm, cb_v)
    for comp, rd_hbm in enumerate((rd1_hbm, rd2_hbm, rd3_hbm, rd4_hbm, rd5_hbm)):
        pltpu.sync_copy(rd_hbm.at[pl.ds(base, RP)],
                        rd_v.at[pl.ds(comp * RP, RP)])
    kiota = lax.iota(jnp.int32, 16)
    lane0 = kiota == 0

    def macro_body(mb, _):
        rbase = mb * 16
        av1 = rd_v[pl.ds(0 * RP + rbase, 16)]
        av2 = rd_v[pl.ds(1 * RP + rbase, 16)]
        av3 = rd_v[pl.ds(2 * RP + rbase, 16)]
        av4 = rd_v[pl.ds(3 * RP + rbase, 16)]
        apn = rd_v[pl.ds(4 * RP + rbase, 16)]

        for sub in range(16 // G):
            s1, s2, s3, s4 = [], [], [], []
            for i in range(G):
                li = jnp.full((16,), sub * G + i, jnp.int32)
                s1.append(jnp.take_along_axis(av1, li, axis=0))
                s2.append(jnp.take_along_axis(av2, li, axis=0))
                s3.append(jnp.take_along_axis(av3, li, axis=0))
                s4.append(jnp.take_along_axis(av4, li, axis=0))

            def chunk_body(t, carry, s1=s1, s2=s2, s3=s3, s4=s4):
                bestA, bidxA, bestB, bidxB = carry
                ja = t * 2
                jb = ja + 1
                oa = ja * 16
                ob = oa + 16
                c1a = cb_v[0, pl.ds(oa, 16)]
                c2a = cb_v[1, pl.ds(oa, 16)]
                c3a = cb_v[2, pl.ds(oa, 16)]
                c4a = cb_v[3, pl.ds(oa, 16)]
                eva = cb_v[4, pl.ds(oa, 16)]
                c1b = cb_v[0, pl.ds(ob, 16)]
                c2b = cb_v[1, pl.ds(ob, 16)]
                c3b = cb_v[2, pl.ds(ob, 16)]
                c4b = cb_v[3, pl.ds(ob, 16)]
                evb = cb_v[4, pl.ds(ob, 16)]
                jva = jnp.full((16,), ja, jnp.int32)
                jvb = jnp.full((16,), jb, jnp.int32)
                nbA, niA, nbB, niB = [], [], [], []
                for i in range(G):
                    da = eva - (c1a * s1[i] + c2a * s2[i]
                                + c3a * s3[i] + c4a * s4[i])
                    lta = da < bestA[i]
                    nbA.append(jnp.where(lta, da, bestA[i]))
                    niA.append(jnp.where(lta, jva, bidxA[i]))
                    db = evb - (c1b * s1[i] + c2b * s2[i]
                                + c3b * s3[i] + c4b * s4[i])
                    ltb = db < bestB[i]
                    nbB.append(jnp.where(ltb, db, bestB[i]))
                    niB.append(jnp.where(ltb, jvb, bidxB[i]))
                return tuple(nbA), tuple(niA), tuple(nbB), tuple(niB)

            best0 = tuple(jnp.full((16,), jnp.inf, jnp.float32) for _ in range(G))
            bidx0 = tuple(jnp.zeros((16,), jnp.int32) for _ in range(G))
            bestA, bidxA, bestB, bidxB = lax.fori_loop(
                0, CH // 2, chunk_body, (best0, bidx0, best0, bidx0))

            for i in range(G):
                ltb = bestB[i] < bestA[i]
                eq = bestB[i] == bestA[i]
                best_i = jnp.where(ltb, bestB[i], bestA[i])
                bidx_i = jnp.where(ltb, bidxB[i], bidxA[i])
                bidx_i = jnp.where(eq, jnp.minimum(bidxA[i], bidxB[i]), bidx_i)
                mv = jnp.min(best_i)
                bi = jnp.min(jnp.where(best_i == mv,
                                       bidx_i * 16 + kiota, jnp.int32(K)))
                r = rbase + sub * G + i
                rv = jnp.full((16,), r, jnp.int32)
                plsc.store_scatter(idx_v, [rv], jnp.full((16,), bi, jnp.int32),
                                   mask=lane0)
                plsc.store_scatter(md_v, [rv], jnp.full((16,), mv + apn[sub * G + i],
                                                        jnp.float32), mask=lane0)
        return 0

    lax.fori_loop(0, RP // 16, macro_body, 0)
    pltpu.sync_copy(idx_v, idx_hbm.at[pl.ds(base, RP)])
    pltpu.sync_copy(md_v, md_hbm.at[pl.ds(base, RP)])


_sc_call = functools.partial(
    pl.kernel,
    mesh=plsc.VectorSubcoreMesh(core_axis_name="c", subcore_axis_name="s"),
    compiler_params=pltpu.CompilerParams(needs_layout_passes=False),
    out_type=[
        jax.ShapeDtypeStruct((NSC,), jnp.int32),
        jax.ShapeDtypeStruct((NSC,), jnp.float32),
    ],
    scratch_types=[
        pltpu.VMEM((8, K), jnp.float32),
        pltpu.VMEM((5 * RP,), jnp.float32),
        pltpu.VMEM((RP,), jnp.int32),
        pltpu.VMEM((RP,), jnp.float32),
    ],
)(_sc_body)


KB = 512


def _tc_match_body(pt_ref, th_ref, ct_ref, idx_ref, md_ref):
    pt = pt_ref[...]
    th = th_ref[...]
    cos = jnp.cos(th)
    sin = jnp.sin(th)
    dx1 = pt[2:3, :] - pt[0:1, :]
    dy1 = pt[3:4, :] - pt[1:2, :]
    dx2 = pt[4:5, :] - pt[0:1, :]
    dy2 = pt[5:6, :] - pt[1:2, :]
    px1 = dx1 * cos + dy1 * sin
    py1 = dy1 * cos - dx1 * sin
    px2 = dx2 * cos + dy2 * sin
    py2 = dy2 * cos - dx2 * sin
    pn = dx1 * dx1 + dy1 * dy1 + dx2 * dx2 + dy2 * dy2

    ct = ct_ref[...]
    e_all = jnp.sum(ct * ct, axis=1, keepdims=True)

    m = jnp.full((1, BNT), jnp.inf, jnp.float32)
    am = jnp.full((1, BNT), K, jnp.int32)
    iota0 = lax.broadcasted_iota(jnp.int32, (KB, BNT), 0)
    for b in range(K // KB):
        sl = slice(b * KB, (b + 1) * KB)
        cx1 = ct[sl, 2:3]
        cy1 = ct[sl, 3:4]
        cx2 = ct[sl, 4:5]
        cy2 = ct[sl, 5:6]
        d = e_all[sl] - ((cx1 + cx1) * px1 + (cy1 + cy1) * py1
                         + (cx2 + cx2) * px2 + (cy2 + cy2) * py2)
        mc = jnp.min(d, axis=0, keepdims=True)
        cand = jnp.where(d <= mc, iota0, jnp.int32(K))
        amc = jnp.min(cand, axis=0, keepdims=True) + b * KB
        upd = mc < m
        m = jnp.where(upd, mc, m)
        am = jnp.where(upd, amc, am)

    idx_ref[...] = am
    md_ref[...] = m + pn


def _tc_match(p6, th, ct):
    off = NSC // BNT
    nb = NTC // BNT
    idx2, md2 = pl.pallas_call(
        _tc_match_body,
        grid=(nb,),
        in_specs=[
            pl.BlockSpec((6, BNT), lambda i: (0, i + off)),
            pl.BlockSpec((1, BNT), lambda i: (0, i + off)),
            pl.BlockSpec((K, 6), lambda i: (0, 0)),
        ],
        out_specs=[
            pl.BlockSpec((1, BNT), lambda i: (0, i)),
            pl.BlockSpec((1, BNT), lambda i: (0, i)),
        ],
        out_shape=[
            jax.ShapeDtypeStruct((1, NTC), jnp.int32),
            jax.ShapeDtypeStruct((1, NTC), jnp.float32),
        ],
    )(p6, th, ct)
    return idx2.reshape(NTC), md2.reshape(NTC)


@jax.jit
def kernel(traj_pos, traj_theta, map_token_sample_pt):
    p6 = traj_pos.reshape(N, 6).T
    th = traj_theta.reshape(1, N)
    c = map_token_sample_pt.reshape(K, 6).T

    r1, r2, r3, r4, r5, cb = _tc_prep(p6, th, c)
    idx_sc, md_sc = _sc_call(cb, r1, r2, r3, r4, r5)

    idx_tc, md_tc = _tc_match(p6, th, map_token_sample_pt.reshape(K, 6))

    idx = jnp.concatenate([idx_sc, idx_tc])
    md = jnp.concatenate([md_sc, md_tc])
    return (traj_pos[:, 0], traj_theta, idx, md)

# --- scband reference (transcript-rebuilt; emitter-appended) ---
"""Pipeline reference for scband-token-processor-50354196579047 (READ-ONLY COPY).

The authoritative reference and input builder live on the scoring server;
editing this copy changes nothing except your own understanding.
"""

import jax, jax.numpy as jnp
import numpy as np


def transform_to_local(pos_global, pos_now, head_now):
    # pos_global: [N, S, 2]; pos_now: [N, 2]; head_now: [N]
    cos_h = jnp.cos(head_now)
    sin_h = jnp.sin(head_now)
    d = pos_global - pos_now[:, None, :]
    x = d[..., 0] * cos_h[:, None] + d[..., 1] * sin_h[:, None]
    y = -d[..., 0] * sin_h[:, None] + d[..., 1] * cos_h[:, None]
    return jnp.stack([x, y], axis=-1)


def setup_inputs(seed: int = 0) -> dict:
    key = jax.random.key(seed)
    k1, k2, k3 = jax.random.split(key, 3)
    N = 16384   # number of map polyline trajectories
    K = 2048    # map token codebook size
    S = 3       # argmin_sample_len
    traj_pos = jax.random.normal(k1, (N, S, 2), dtype=jnp.float32) * 10.0
    traj_theta = jax.random.uniform(k2, (N,), dtype=jnp.float32, minval=-np.pi, maxval=np.pi)
    # learned/buffer codebook of sampled token trajectory points: [1, K, S, 2]
    map_token_sample_pt = jax.random.normal(k3, (1, K, S, 2), dtype=jnp.float32) * 5.0
    return {"traj_pos": traj_pos, "traj_theta": traj_theta, "map_token_sample_pt": map_token_sample_pt}


def reference(traj_pos, traj_theta, map_token_sample_pt):
    # tokenize_map (inference path, num_k == 1): transform trajectories to
    # local frame anchored at the first point, then match to nearest codebook token.
    traj_pos_local = transform_to_local(traj_pos, traj_pos[:, 0], traj_theta)  # [N, S, 2]
    diff = map_token_sample_pt - traj_pos_local[:, None]  # [N, K, S, 2]
    dist = jnp.sum(diff ** 2, axis=(-2, -1))               # [N, K]
    token_idx = jnp.argmin(dist, axis=-1)                  # [N]
    position = traj_pos[:, 0]                              # [N, 2]
    orientation = traj_theta                               # [N]
    min_dist = jnp.min(dist, axis=-1)                      # [N] (VQ match quality)
    return (position, orientation, token_idx, min_dist)

if __name__ == "__main__":
    import jax
    _d = setup_inputs()
    print(jax.jit(kernel)(*tuple(_d.values())))

</pallas_src>

<mosaic_0001>
#map = affine_map<(d0, d1) -> (0, 0)>
#map1 = affine_map<(d0, d1) -> (0)>
module attributes {stable_mosaic.version = 14 : i64} {
  func.func @_sc_body(%arg0: i32, %arg1: i32, %arg2: memref<8x2048xf32, #tpu.memory_space<hbm>>, %arg3: memref<5120xf32, #tpu.memory_space<hbm>>, %arg4: memref<5120xf32, #tpu.memory_space<hbm>>, %arg5: memref<5120xf32, #tpu.memory_space<hbm>>, %arg6: memref<5120xf32, #tpu.memory_space<hbm>>, %arg7: memref<5120xf32, #tpu.memory_space<hbm>>, %arg8: memref<5120xi32, #tpu.memory_space<hbm>>, %arg9: memref<5120xf32, #tpu.memory_space<hbm>>, %arg10: memref<8x2048xf32, #tpu.memory_space<vmem>>, %arg11: memref<800xf32, #tpu.memory_space<vmem>>, %arg12: memref<160xi32, #tpu.memory_space<vmem>>, %arg13: memref<160xf32, #tpu.memory_space<vmem>>) attributes {dimension_semantics = [#tpu.dimension_semantics<core_parallel>, #tpu.dimension_semantics<subcore_parallel>], iteration_bounds = array<i64: 2, 16>, scalar_prefetch = 0 : i64, scratch_operands = 4 : i64, tpu.core_type = #tpu.core_type<sc_vector_subcore>, window_params = [{transform_indices = #map}, {transform_indices = #map1}, {transform_indices = #map1}, {transform_indices = #map1}, {transform_indices = #map1}, {transform_indices = #map1}, {transform_indices = #map1}, {transform_indices = #map1}]} {
    %mul3A = arith.constant 2 : i32
    %mul3A_0 = arith.muli %arg1, %mul3A : i32
    %add3A = arith.addi %mul3A_0, %arg0 : i32
    %mul3A_1 = arith.constant 160 : i32
    %mul3A_2 = arith.muli %add3A, %mul3A_1 : i32
    "tpu.region"() ({
      %run_scoped3A = tpu.sem_alloc : memref<!tpu.dma_semaphore, #tpu.memory_space<semaphore_mem>>
      tpu.enqueue_dma source(%arg2 : memref<8x2048xf32, #tpu.memory_space<hbm>>) target(%arg10 : memref<8x2048xf32, #tpu.memory_space<vmem>>) target_semaphore(%run_scoped3A : memref<!tpu.dma_semaphore, #tpu.memory_space<semaphore_mem>>)
      tpu.wait_dma2 semaphore(%run_scoped3A : memref<!tpu.dma_semaphore, #tpu.memory_space<semaphore_mem>>) src(%arg2 : memref<8x2048xf32, #tpu.memory_space<hbm>>) dst(%arg10 : memref<8x2048xf32, #tpu.memory_space<vmem>>)
      tpu.yield
    }) : () -> ()
    "tpu.region"() ({
      %run_scoped3A = tpu.sem_alloc : memref<!tpu.dma_semaphore, #tpu.memory_space<semaphore_mem>>
      %dma_start3A = arith.constant 0 : i32
      %dma_start3A_11 = tpu.memref_slice %arg11[%dma_start3A] : memref<800xf32, #tpu.memory_space<vmem>> -> memref<160xf32, #tpu.memory_space<vmem>>
      %dma_start3A_12 = tpu.memref_slice %arg3[%mul3A_2] : memref<5120xf32, #tpu.memory_space<hbm>> -> memref<160xf32, #tpu.memory_space<hbm>>
      %dma_start3A_13 = arith.constant 0 : i32
      %dma_start3A_14 = tpu.memref_slice %arg11[%dma_start3A_13] : memref<800xf32, #tpu.memory_space<vmem>> -> memref<160xf32, #tpu.memory_space<vmem>>
      %dma_start3A_15 = tpu.memref_slice %arg3[%mul3A_2] : memref<5120xf32, #tpu.memory_space<hbm>> -> memref<160xf32, #tpu.memory_space<hbm>>
      tpu.enqueue_dma source(%dma_start3A_15 : memref<160xf32, #tpu.memory_space<hbm>>) target(%dma_start3A_14 : memref<160xf32, #tpu.memory_space<vmem>>) target_semaphore(%run_scoped3A : memref<!tpu.dma_semaphore, #tpu.memory_space<semaphore_mem>>)
      %dma_wait3A = arith.constant 0 : i32
      %dma_wait3A_16 = tpu.memref_slice %arg11[%dma_wait3A] : memref<800xf32, #tpu.memory_space<vmem>> -> memref<160xf32, #tpu.memory_space<vmem>>
      %dma_wait3A_17 = tpu.memref_slice %arg3[%mul3A_2] : memref<5120xf32, #tpu.memory_space<hbm>> -> memref<160xf32, #tpu.memory_space<hbm>>
      %dma_wait3A_18 = arith.constant 0 : i32
      %dma_wait3A_19 = tpu.memref_slice %arg11[%dma_wait3A_18] : memref<800xf32, #tpu.memory_space<vmem>> -> memref<160xf32, #tpu.memory_space<vmem>>
      %dma_wait3A_20 = tpu.memref_slice %arg3[%mul3A_2] : memref<5120xf32, #tpu.memory_space<hbm>> -> memref<160xf32, #tpu.memory_space<hbm>>
      tpu.wait_dma2 semaphore(%run_scoped3A : memref<!tpu.dma_semaphore, #tpu.memory_space<semaphore_mem>>) src(%dma_wait3A_20 : memref<160xf32, #tpu.memory_space<hbm>>) dst(%dma_wait3A_19 : memref<160xf32, #tpu.memory_space<vmem>>)
      tpu.yield
    }) : () -> ()
    "tpu.region"() ({
      %run_scoped3A = tpu.sem_alloc : memref<!tpu.dma_semaphore, #tpu.memory_space<semaphore_mem>>
      %dma_start3A = arith.constant 160 : i32
      %dma_start3A_11 = tpu.memref_slice %arg11[%dma_start3A] : memref<800xf32, #tpu.memory_space<vmem>> -> memref<160xf32, #tpu.memory_space<vmem>>
      %dma_start3A_12 = tpu.memref_slice %arg4[%mul3A_2] : memref<5120xf32, #tpu.memory_space<hbm>> -> memref<160xf32, #tpu.memory_space<hbm>>
      %dma_start3A_13 = arith.constant 160 : i32
      %dma_start3A_14 = tpu.memref_slice %arg11[%dma_start3A_13] : memref<800xf32, #tpu.memory_space<vmem>> -> memref<160xf32, #tpu.memory_space<vmem>>
      %dma_start3A_15 = tpu.memref_slice %arg4[%mul3A_2] : memref<5120xf32, #tpu.memory_space<hbm>> -> memref<160xf32, #tpu.memory_space<hbm>>
      tpu.enqueue_dma source(%dma_start3A_15 : memref<160xf32, #tpu.memory_space<hbm>>) target(%dma_start3A_14 : memref<160xf32, #tpu.memory_space<vmem>>) target_semaphore(%run_scoped3A : memref<!tpu.dma_semaphore, #tpu.memory_space<semaphore_mem>>)
      %dma_wait3A = arith.constant 160 : i32
      %dma_wait3A_16 = tpu.memref_slice %arg11[%dma_wait3A] : memref<800xf32, #tpu.memory_space<vmem>> -> memref<160xf32, #tpu.memory_space<vmem>>
      %dma_wait3A_17 = tpu.memref_slice %arg4[%mul3A_2] : memref<5120xf32, #tpu.memory_space<hbm>> -> memref<160xf32, #tpu.memory_space<hbm>>
      %dma_wait3A_18 = arith.constant 160 : i32
      %dma_wait3A_19 = tpu.memref_slice %arg11[%dma_wait3A_18] : memref<800xf32, #tpu.memory_space<vmem>> -> memref<160xf32, #tpu.memory_space<vmem>>
      %dma_wait3A_20 = tpu.memref_slice %arg4[%mul3A_2] : memref<5120xf32, #tpu.memory_space<hbm>> -> memref<160xf32, #tpu.memory_space<hbm>>
      tpu.wait_dma2 semaphore(%run_scoped3A : memref<!tpu.dma_semaphore, #tpu.memory_space<semaphore_mem>>) src(%dma_wait3A_20 : memref<160xf32, #tpu.memory_space<hbm>>) dst(%dma_wait3A_19 : memref<160xf32, #tpu.memory_space<vmem>>)
      tpu.yield
    }) : () -> ()
    "tpu.region"() ({
      %run_scoped3A = tpu.sem_alloc : memref<!tpu.dma_semaphore, #tpu.memory_space<semaphore_mem>>
      %dma_start3A = arith.constant 320 : i32
      %dma_start3A_11 = tpu.memref_slice %arg11[%dma_start3A] : memref<800xf32, #tpu.memory_space<vmem>> -> memref<160xf32, #tpu.memory_space<vmem>>
      %dma_start3A_12 = tpu.memref_slice %arg5[%mul3A_2] : memref<5120xf32, #tpu.memory_space<hbm>> -> memref<160xf32, #tpu.memory_space<hbm>>
      %dma_start3A_13 = arith.constant 320 : i32
      %dma_start3A_14 = tpu.memref_slice %arg11[%dma_start3A_13] : memref<800xf32, #tpu.memory_space<vmem>> -> memref<160xf32, #tpu.memory_space<vmem>>
      %dma_start3A_15 = tpu.memref_slice %arg5[%mul3A_2] : memref<5120xf32, #tpu.memory_space<hbm>> -> memref<160xf32, #tpu.memory_space<hbm>>
      tpu.enqueue_dma source(%dma_start3A_15 : memref<160xf32, #tpu.memory_space<hbm>>) target(%dma_start3A_14 : memref<160xf32, #tpu.memory_space<vmem>>) target_semaphore(%run_scoped3A : memref<!tpu.dma_semaphore, #tpu.memory_space<semaphore_mem>>)
      %dma_wait3A = arith.constant 320 : i32
      %dma_wait3A_16 = tpu.memref_slice %arg11[%dma_wait3A] : memref<800xf32, #tpu.memory_space<vmem>> -> memref<160xf32, #tpu.memory_space<vmem>>
      %dma_wait3A_17 = tpu.memref_slice %arg5[%mul3A_2] : memref<5120xf32, #tpu.memory_space<hbm>> -> memref<160xf32, #tpu.memory_space<hbm>>
      %dma_wait3A_18 = arith.constant 320 : i32
      %dma_wait3A_19 = tpu.memref_slice %arg11[%dma_wait3A_18] : memref<800xf32, #tpu.memory_space<vmem>> -> memref<160xf32, #tpu.memory_space<vmem>>
      %dma_wait3A_20 = tpu.memref_slice %arg5[%mul3A_2] : memref<5120xf32, #tpu.memory_space<hbm>> -> memref<160xf32, #tpu.memory_space<hbm>>
      tpu.wait_dma2 semaphore(%run_scoped3A : memref<!tpu.dma_semaphore, #tpu.memory_space<semaphore_mem>>) src(%dma_wait3A_20 : memref<160xf32, #tpu.memory_space<hbm>>) dst(%dma_wait3A_19 : memref<160xf32, #tpu.memory_space<vmem>>)
      tpu.yield
    }) : () -> ()
    "tpu.region"() ({
      %run_scoped3A = tpu.sem_alloc : memref<!tpu.dma_semaphore, #tpu.memory_space<semaphore_mem>>
      %dma_start3A = arith.constant 480 : i32
      %dma_start3A_11 = tpu.memref_slice %arg11[%dma_start3A] : memref<800xf32, #tpu.memory_space<vmem>> -> memref<160xf32, #tpu.memory_space<vmem>>
      %dma_start3A_12 = tpu.memref_slice %arg6[%mul3A_2] : memref<5120xf32, #tpu.memory_space<hbm>> -> memref<160xf32, #tpu.memory_space<hbm>>
      %dma_start3A_13 = arith.constant 480 : i32
      %dma_start3A_14 = tpu.memref_slice %arg11[%dma_start3A_13] : memref<800xf32, #tpu.memory_space<vmem>> -> memref<160xf32, #tpu.memory_space<vmem>>
      %dma_start3A_15 = tpu.memref_slice %arg6[%mul3A_2] : memref<5120xf32, #tpu.memory_space<hbm>> -> memref<160xf32, #tpu.memory_space<hbm>>
      tpu.enqueue_dma source(%dma_start3A_15 : memref<160xf32, #tpu.memory_space<hbm>>) target(%dma_start3A_14 : memref<160xf32, #tpu.memory_space<vmem>>) target_semaphore(%run_scoped3A : memref<!tpu.dma_semaphore, #tpu.memory_space<semaphore_mem>>)
      %dma_wait3A = arith.constant 480 : i32
      %dma_wait3A_16 = tpu.memref_slice %arg11[%dma_wait3A] : memref<800xf32, #tpu.memory_space<vmem>> -> memref<160xf32, #tpu.memory_space<vmem>>
      %dma_wait3A_17 = tpu.memref_slice %arg6[%mul3A_2] : memref<5120xf32, #tpu.memory_space<hbm>> -> memref<160xf32, #tpu.memory_space<hbm>>
      %dma_wait3A_18 = arith.constant 480 : i32
      %dma_wait3A_19 = tpu.memref_slice %arg11[%dma_wait3A_18] : memref<800xf32, #tpu.memory_space<vmem>> -> memref<160xf32, #tpu.memory_space<vmem>>
      %dma_wait3A_20 = tpu.memref_slice %arg6[%mul3A_2] : memref<5120xf32, #tpu.memory_space<hbm>> -> memref<160xf32, #tpu.memory_space<hbm>>
      tpu.wait_dma2 semaphore(%run_scoped3A : memref<!tpu.dma_semaphore, #tpu.memory_space<semaphore_mem>>) src(%dma_wait3A_20 : memref<160xf32, #tpu.memory_space<hbm>>) dst(%dma_wait3A_19 : memref<160xf32, #tpu.memory_space<vmem>>)
      tpu.yield
    }) : () -> ()
    "tpu.region"() ({
      %run_scoped3A = tpu.sem_alloc : memref<!tpu.dma_semaphore, #tpu.memory_space<semaphore_mem>>
      %dma_start3A = arith.constant 640 : i32
      %dma_start3A_11 = tpu.memref_slice %arg11[%dma_start3A] : memref<800xf32, #tpu.memory_space<vmem>> -> memref<160xf32, #tpu.memory_space<vmem>>
      %dma_start3A_12 = tpu.memref_slice %arg7[%mul3A_2] : memref<5120xf32, #tpu.memory_space<hbm>> -> memref<160xf32, #tpu.memory_space<hbm>>
      %dma_start3A_13 = arith.constant 640 : i32
      %dma_start3A_14 = tpu.memref_slice %arg11[%dma_start3A_13] : memref<800xf32, #tpu.memory_space<vmem>> -> memref<160xf32, #tpu.memory_space<vmem>>
      %dma_start3A_15 = tpu.memref_slice %arg7[%mul3A_2] : memref<5120xf32, #tpu.memory_space<hbm>> -> memref<160xf32, #tpu.memory_space<hbm>>
      tpu.enqueue_dma source(%dma_start3A_15 : memref<160xf32, #tpu.memory_space<hbm>>) target(%dma_start3A_14 : memref<160xf32, #tpu.memory_space<vmem>>) target_semaphore(%run_scoped3A : memref<!tpu.dma_semaphore, #tpu.memory_space<semaphore_mem>>)
      %dma_wait3A = arith.constant 640 : i32
      %dma_wait3A_16 = tpu.memref_slice %arg11[%dma_wait3A] : memref<800xf32, #tpu.memory_space<vmem>> -> memref<160xf32, #tpu.memory_space<vmem>>
      %dma_wait3A_17 = tpu.memref_slice %arg7[%mul3A_2] : memref<5120xf32, #tpu.memory_space<hbm>> -> memref<160xf32, #tpu.memory_space<hbm>>
      %dma_wait3A_18 = arith.constant 640 : i32
      %dma_wait3A_19 = tpu.memref_slice %arg11[%dma_wait3A_18] : memref<800xf32, #tpu.memory_space<vmem>> -> memref<160xf32, #tpu.memory_space<vmem>>
      %dma_wait3A_20 = tpu.memref_slice %arg7[%mul3A_2] : memref<5120xf32, #tpu.memory_space<hbm>> -> memref<160xf32, #tpu.memory_space<hbm>>
      tpu.wait_dma2 semaphore(%run_scoped3A : memref<!tpu.dma_semaphore, #tpu.memory_space<semaphore_mem>>) src(%dma_wait3A_20 : memref<160xf32, #tpu.memory_space<hbm>>) dst(%dma_wait3A_19 : memref<160xf32, #tpu.memory_space<vmem>>)
      tpu.yield
    }) : () -> ()
    %iota3A = tpu.iota {dimensions = array<i32: 0>} : vector<16xi32>
    %eq3A = arith.constant 0 : i32
    %eq3A_3 = vector.broadcast %eq3A : i32 to vector<16xi32>
    %eq3A_4 = arith.cmpi eq, %iota3A, %eq3A_3 : vector<16xi32>
    %scan3A = arith.constant 0 : i32
    %scan3A_5 = arith.constant 0 : i32
    %scan3A_6 = arith.constant 10 : i32
    %scan3A_7 = arith.addi %scan3A_5, %scan3A_6 : i32
    %scan3A_8 = arith.constant 1 : i32
    %scan3A_9 = scf.for %scan3A_11 = %scan3A_5 to %scan3A_7 step %scan3A_8 iter_args(%scan3A_12 = %scan3A) -> (i32)  : i32 {
      %mul3A_13 = arith.constant 16 : i32
      %mul3A_14 = arith.muli %scan3A_11, %mul3A_13 : i32
      %add3A_15 = arith.constant 0 : i32
      %add3A_16 = arith.addi %add3A_15, %mul3A_14 : i32
      %get3A = arith.index_cast %add3A_16 : i32 to index
      %get3A_17 = tpu.vector_load %arg11[%get3A] {strides = array<i32>} : memref<800xf32, #tpu.memory_space<vmem>>, vector<16xf32>,
      %add3A_18 = arith.constant 160 : i32
      %add3A_19 = arith.addi %add3A_18, %mul3A_14 : i32
      %get3A_20 = arith.index_cast %add3A_19 : i32 to index
      %get3A_21 = tpu.vector_load %arg11[%get3A_20] {strides = array<i32>} : memref<800xf32, #tpu.memory_space<vmem>>, vector<16xf32>,
      %add3A_22 = arith.constant 320 : i32
      %add3A_23 = arith.addi %add3A_22, %mul3A_14 : i32
      %get3A_24 = arith.index_cast %add3A_23 : i32 to index
      %get3A_25 = tpu.vector_load %arg11[%get3A_24] {strides = array<i32>} : memref<800xf32, #tpu.memory_space<vmem>>, vector<16xf32>,
      %add3A_26 = arith.constant 480 : i32
      %add3A_27 = arith.addi %add3A_26, %mul3A_14 : i32
      %get3A_28 = arith.index_cast %add3A_27 : i32 to index
      %get3A_29 = tpu.vector_load %arg11[%get3A_28] {strides = array<i32>} : memref<800xf32, #tpu.memory_space<vmem>>, vector<16xf32>,
      %add3A_30 = arith.constant 640 : i32
      %add3A_31 = arith.addi %add3A_30, %mul3A_14 : i32
      %get3A_32 = arith.index_cast %add3A_31 : i32 to index
      %get3A_33 = tpu.vector_load %arg11[%get3A_32] {strides = array<i32>} : memref<800xf32, #tpu.memory_space<vmem>>, vector<16xf32>,
      %broadcast_in_dim3A = arith.constant 0 : i32
      %broadcast_in_dim3A_34 = vector.broadcast %broadcast_in_dim3A : i32 to vector<16xi32>
      %lt3A = arith.constant 0 : i32
      %lt3A_35 = vector.broadcast %lt3A : i32 to vector<16xi32>
      %lt3A_36 = arith.cmpi slt, %broadcast_in_dim3A_34, %lt3A_35 : vector<16xi32>
      %add3A_37 = arith.constant 16 : i32
      %add3A_38 = vector.broadcast %add3A_37 : i32 to vector<16xi32>
      %add3A_39 = arith.addi %broadcast_in_dim3A_34, %add3A_38 : vector<16xi32>
      %select_n3A = arith.select %lt3A_36, %add3A_39, %broadcast_in_dim3A_34 : vector<16xi1>, vector<16xi32>
      %reshape3A = vector.shape_cast %select_n3A : vector<16xi32> to vector<16x1xi32>
      %gather3A = vector.shape_cast %reshape3A : vector<16x1xi32> to vector<16xi32>
      %gather3A_40 = tpu.dynamic_gather %get3A_17[%gather3A] in [0] : vector<16xf32>, vector<16xi32> -> vector<16xf32>
      %lt3A_41 = arith.constant 0 : i32
      %lt3A_42 = vector.broadcast %lt3A_41 : i32 to vector<16xi32>
      %lt3A_43 = arith.cmpi slt, %broadcast_in_dim3A_34, %lt3A_42 : vector<16xi32>
      %add3A_44 = arith.constant 16 : i32
      %add3A_45 = vector.broadcast %add3A_44 : i32 to vector<16xi32>
      %add3A_46 = arith.addi %broadcast_in_dim3A_34, %add3A_45 : vector<16xi32>
      %select_n3A_47 = arith.select %lt3A_43, %add3A_46, %broadcast_in_dim3A_34 : vector<16xi1>, vector<16xi32>
      %reshape3A_48 = vector.shape_cast %select_n3A_47 : vector<16xi32> to vector<16x1xi32>
      %gather3A_49 = vector.shape_cast %reshape3A_48 : vector<16x1xi32> to vector<16xi32>
      %gather3A_50 = tpu.dynamic_gather %get3A_21[%gather3A_49] in [0] : vector<16xf32>, vector<16xi32> -> vector<16xf32>
      %lt3A_51 = arith.constant 0 : i32
      %lt3A_52 = vector.broadcast %lt3A_51 : i32 to vector<16xi32>
      %lt3A_53 = arith.cmpi slt, %broadcast_in_dim3A_34, %lt3A_52 : vector<16xi32>
      %add3A_54 = arith.constant 16 : i32
      %add3A_55 = vector.broadcast %add3A_54 : i32 to vector<16xi32>
      %add3A_56 = arith.addi %broadcast_in_dim3A_34, %add3A_55 : vector<16xi32>
      %select_n3A_57 = arith.select %lt3A_53, %add3A_56, %broadcast_in_dim3A_34 : vector<16xi1>, vector<16xi32>
      %reshape3A_58 = vector.shape_cast %select_n3A_57 : vector<16xi32> to vector<16x1xi32>
      %gather3A_59 = vector.shape_cast %reshape3A_58 : vector<16x1xi32> to vector<16xi32>
      %gather3A_60 = tpu.dynamic_gather %get3A_25[%gather3A_59] in [0] : vector<16xf32>, vector<16xi32> -> vector<16xf32>
      %lt3A_61 = arith.constant 0 : i32
      %lt3A_62 = vector.broadcast %lt3A_61 : i32 to vector<16xi32>
      %lt3A_63 = arith.cmpi slt, %broadcast_in_dim3A_34, %lt3A_62 : vector<16xi32>
      %add3A_64 = arith.constant 16 : i32
      %add3A_65 = vector.broadcast %add3A_64 : i32 to vector<16xi32>
      %add3A_66 = arith.addi %broadcast_in_dim3A_34, %add3A_65 : vector<16xi32>
      %select_n3A_67 = arith.select %lt3A_63, %add3A_66, %broadcast_in_dim3A_34 : vector<16xi1>, vector<16xi32>
      %reshape3A_68 = vector.shape_cast %select_n3A_67 : vector<16xi32> to vector<16x1xi32>
      %gather3A_69 = vector.shape_cast %reshape3A_68 : vector<16x1xi32> to vector<16xi32>
      %gather3A_70 = tpu.dynamic_gather %get3A_29[%gather3A_69] in [0] : vector<16xf32>, vector<16xi32> -> vector<16xf32>
      %broadcast_in_dim3A_71 = arith.constant 1 : i32
      %broadcast_in_dim3A_72 = vector.broadcast %broadcast_in_dim3A_71 : i32 to vector<16xi32>
      %lt3A_73 = arith.constant 0 : i32
      %lt3A_74 = vector.broadcast %lt3A_73 : i32 to vector<16xi32>
      %lt3A_75 = arith.cmpi slt, %broadcast_in_dim3A_72, %lt3A_74 : vector<16xi32>
      %add3A_76 = arith.constant 16 : i32
      %add3A_77 = vector.broadcast %add3A_76 : i32 to vector<16xi32>
      %add3A_78 = arith.addi %broadcast_in_dim3A_72, %add3A_77 : vector<16xi32>
      %select_n3A_79 = arith.select %lt3A_75, %add3A_78, %broadcast_in_dim3A_72 : vector<16xi1>, vector<16xi32>
      %reshape3A_80 = vector.shape_cast %select_n3A_79 : vector<16xi32> to vector<16x1xi32>
      %gather3A_81 = vector.shape_cast %reshape3A_80 : vector<16x1xi32> to vector<16xi32>
      %gather3A_82 = tpu.dynamic_gather %get3A_17[%gather3A_81] in [0] : vector<16xf32>, vector<16xi32> -> vector<16xf32>
      %lt3A_83 = arith.constant 0 : i32
      %lt3A_84 = vector.broadcast %lt3A_83 : i32 to vector<16xi32>
      %lt3A_85 = arith.cmpi slt, %broadcast_in_dim3A_72, %lt3A_84 : vector<16xi32>
      %add3A_86 = arith.constant 16 : i32
      %add3A_87 = vector.broadcast %add3A_86 : i32 to vector<16xi32>
      %add3A_88 = arith.addi %broadcast_in_dim3A_72, %add3A_87 : vector<16xi32>
      %select_n3A_89 = arith.select %lt3A_85, %add3A_88, %broadcast_in_dim3A_72 : vector<16xi1>, vector<16xi32>
      %reshape3A_90 = vector.shape_cast %select_n3A_89 : vector<16xi32> to vector<16x1xi32>
      %gather3A_91 = vector.shape_cast %reshape3A_90 : vector<16x1xi32> to vector<16xi32>
      %gather3A_92 = tpu.dynamic_gather %get3A_21[%gather3A_91] in [0] : vector<16xf32>, vector<16xi32> -> vector<16xf32>
      %lt3A_93 = arith.constant 0 : i32
      %lt3A_94 = vector.broadcast %lt3A_93 : i32 to vector<16xi32>
      %lt3A_95 = arith.cmpi slt, %broadcast_in_dim3A_72, %lt3A_94 : vector<16xi32>
      %add3A_96 = arith.constant 16 : i32
      %add3A_97 = vector.broadcast %add3A_96 : i32 to vector<16xi32>
      %add3A_98 = arith.addi %broadcast_in_dim3A_72, %add3A_97 : vector<16xi32>
      %select_n3A_99 = arith.select %lt3A_95, %add3A_98, %broadcast_in_dim3A_72 : vector<16xi1>, vector<16xi32>
      %reshape3A_100 = vector.shape_cast %select_n3A_99 : vector<16xi32> to vector<16x1xi32>
      %gather3A_101 = vector.shape_cast %reshape3A_100 : vector<16x1xi32> to vector<16xi32>
      %gather3A_102 = tpu.dynamic_gather %get3A_25[%gather3A_101] in [0] : vector<16xf32>, vector<16xi32> -> vector<16xf32>
      %lt3A_103 = arith.constant 0 : i32
      %lt3A_104 = vector.broadcast %lt3A_103 : i32 to vector<16xi32>
      %lt3A_105 = arith.cmpi slt, %broadcast_in_dim3A_72, %lt3A_104 : vector<16xi32>
      %add3A_106 = arith.constant 16 : i32
      %add3A_107 = vector.broadcast %add3A_106 : i32 to vector<16xi32>
      %add3A_108 = arith.addi %broadcast_in_dim3A_72, %add3A_107 : vector<16xi32>
      %select_n3A_109 = arith.select %lt3A_105, %add3A_108, %broadcast_in_dim3A_72 : vector<16xi1>, vector<16xi32>
      %reshape3A_110 = vector.shape_cast %select_n3A_109 : vector<16xi32> to vector<16x1xi32>
      %gather3A_111 = vector.shape_cast %reshape3A_110 : vector<16x1xi32> to vector<16xi32>
      %gather3A_112 = tpu.dynamic_gather %get3A_29[%gather3A_111] in [0] : vector<16xf32>, vector<16xi32> -> vector<16xf32>
      %broadcast_in_dim3A_113 = arith.constant 2 : i32
      %broadcast_in_dim3A_114 = vector.broadcast %broadcast_in_dim3A_113 : i32 to vector<16xi32>
      %lt3A_115 = arith.constant 0 : i32
      %lt3A_116 = vector.broadcast %lt3A_115 : i32 to vector<16xi32>
      %lt3A_117 = arith.cmpi slt, %broadcast_in_dim3A_114, %lt3A_116 : vector<16xi32>
      %add3A_118 = arith.constant 16 : i32
      %add3A_119 = vector.broadcast %add3A_118 : i32 to vector<16xi32>
      %add3A_120 = arith.addi %broadcast_in_dim3A_114, %add3A_119 : vector<16xi32>
      %select_n3A_121 = arith.select %lt3A_117, %add3A_120, %broadcast_in_dim3A_114 : vector<16xi1>, vector<16xi32>
      %reshape3A_122 = vector.shape_cast %select_n3A_121 : vector<16xi32> to vector<16x1xi32>
      %gather3A_123 = vector.shape_cast %reshape3A_122 : vector<16x1xi32> to vector<16xi32>
      %gather3A_124 = tpu.dynamic_gather %get3A_17[%gather3A_123] in [0] : vector<16xf32>, vector<16xi32> -> vector<16xf32>
      %lt3A_125 = arith.constant 0 : i32
      %lt3A_126 = vector.broadcast %lt3A_125 : i32 to vector<16xi32>
      %lt3A_127 = arith.cmpi slt, %broadcast_in_dim3A_114, %lt3A_126 : vector<16xi32>
      %add3A_128 = arith.constant 16 : i32
      %add3A_129 = vector.broadcast %add3A_128 : i32 to vector<16xi32>
      %add3A_130 = arith.addi %broadcast_in_dim3A_114, %add3A_129 : vector<16xi32>
      %select_n3A_131 = arith.select %lt3A_127, %add3A_130, %broadcast_in_dim3A_114 : vector<16xi1>, vector<16xi32>
      %reshape3A_132 = vector.shape_cast %select_n3A_131 : vector<16xi32> to vector<16x1xi32>
      %gather3A_133 = vector.shape_cast %reshape3A_132 : vector<16x1xi32> to vector<16xi32>
      %gather3A_134 = tpu.dynamic_gather %get3A_21[%gather3A_133] in [0] : vector<16xf32>, vector<16xi32> -> vector<16xf32>
      %lt3A_135 = arith.constant 0 : i32
      %lt3A_136 = vector.broadcast %lt3A_135 : i32 to vector<16xi32>
      %lt3A_137 = arith.cmpi slt, %broadcast_in_dim3A_114, %lt3A_136 : vector<16xi32>
      %add3A_138 = arith.constant 16 : i32
      %add3A_139 = vector.broadcast %add3A_138 : i32 to vector<16xi32>
      %add3A_140 = arith.addi %broadcast_in_dim3A_114, %add3A_139 : vector<16xi32>
      %select_n3A_141 = arith.select %lt3A_137, %add3A_140, %broadcast_in_dim3A_114 : vector<16xi1>, vector<16xi32>
      %reshape3A_142 = vector.shape_cast %select_n3A_141 : vector<16xi32> to vector<16x1xi32>
      %gather3A_143 = vector.shape_cast %reshape3A_142 : vector<16x1xi32> to vector<16xi32>
      %gather3A_144 = tpu.dynamic_gather %get3A_25[%gather3A_143] in [0] : vector<16xf32>, vector<16xi32> -> vector<16xf32>
      %lt3A_145 = arith.constant 0 : i32
      %lt3A_146 = vector.broadcast %lt3A_145 : i32 to vector<16xi32>
      %lt3A_147 = arith.cmpi slt, %broadcast_in_dim3A_114, %lt3A_146 : vector<16xi32>
      %add3A_148 = arith.constant 16 : i32
      %add3A_149 = vector.broadcast %add3A_148 : i32 to vector<16xi32>
      %add3A_150 = arith.addi %broadcast_in_dim3A_114, %add3A_149 : vector<16xi32>
      %select_n3A_151 = arith.select %lt3A_147, %add3A_150, %broadcast_in_dim3A_114 : vector<16xi1>, vector<16xi32>
      %reshape3A_152 = vector.shape_cast %select_n3A_151 : vector<16xi32> to vector<16x1xi32>
      %gather3A_153 = vector.shape_cast %reshape3A_152 : vector<16x1xi32> to vector<16xi32>
      %gather3A_154 = tpu.dynamic_gather %get3A_29[%gather3A_153] in [0] : vector<16xf32>, vector<16xi32> -> vector<16xf32>
      %broadcast_in_dim3A_155 = arith.constant 3 : i32
      %broadcast_in_dim3A_156 = vector.broadcast %broadcast_in_dim3A_155 : i32 to vector<16xi32>
      %lt3A_157 = arith.constant 0 : i32
      %lt3A_158 = vector.broadcast %lt3A_157 : i32 to vector<16xi32>
      %lt3A_159 = arith.cmpi slt, %broadcast_in_dim3A_156, %lt3A_158 : vector<16xi32>
      %add3A_160 = arith.constant 16 : i32
      %add3A_161 = vector.broadcast %add3A_160 : i32 to vector<16xi32>
      %add3A_162 = arith.addi %broadcast_in_dim3A_156, %add3A_161 : vector<16xi32>
      %select_n3A_163 = arith.select %lt3A_159, %add3A_162, %broadcast_in_dim3A_156 : vector<16xi1>, vector<16xi32>
      %reshape3A_164 = vector.shape_cast %select_n3A_163 : vector<16xi32> to vector<16x1xi32>
      %gather3A_165 = vector.shape_cast %reshape3A_164 : vector<16x1xi32> to vector<16xi32>
      %gather3A_166 = tpu.dynamic_gather %get3A_17[%gather3A_165] in [0] : vector<16xf32>, vector<16xi32> -> vector<16xf32>
      %lt3A_167 = arith.constant 0 : i32
      %lt3A_168 = vector.broadcast %lt3A_167 : i32 to vector<16xi32>
      %lt3A_169 = arith.cmpi slt, %broadcast_in_dim3A_156, %lt3A_168 : vector<16xi32>
      %add3A_170 = arith.constant 16 : i32
      %add3A_171 = vector.broadcast %add3A_170 : i32 to vector<16xi32>
      %add3A_172 = arith.addi %broadcast_in_dim3A_156, %add3A_171 : vector<16xi32>
      %select_n3A_173 = arith.select %lt3A_169, %add3A_172, %broadcast_in_dim3A_156 : vector<16xi1>, vector<16xi32>
      %reshape3A_174 = vector.shape_cast %select_n3A_173 : vector<16xi32> to vector<16x1xi32>
      %gather3A_175 = vector.shape_cast %reshape3A_174 : vector<16x1xi32> to vector<16xi32>
      %gather3A_176 = tpu.dynamic_gather %get3A_21[%gather3A_175] in [0] : vector<16xf32>, vector<16xi32> -> vector<16xf32>
      %lt3A_177 = arith.constant 0 : i32
      %lt3A_178 = vector.broadcast %lt3A_177 : i32 to vector<16xi32>
      %lt3A_179 = arith.cmpi slt, %broadcast_in_dim3A_156, %lt3A_178 : vector<16xi32>
      %add3A_180 = arith.constant 16 : i32
      %add3A_181 = vector.broadcast %add3A_180 : i32 to vector<16xi32>
      %add3A_182 = arith.addi %broadcast_in_dim3A_156, %add3A_181 : vector<16xi32>
      %select_n3A_183 = arith.select %lt3A_179, %add3A_182, %broadcast_in_dim3A_156 : vector<16xi1>, vector<16xi32>
      %reshape3A_184 = vector.shape_cast %select_n3A_183 : vector<16xi32> to vector<16x1xi32>
      %gather3A_185 = vector.shape_cast %reshape3A_184 : vector<16x1xi32> to vector<16xi32>
      %gather3A_186 = tpu.dynamic_gather %get3A_25[%gather3A_185] in [0] : vector<16xf32>, vector<16xi32> -> vector<16xf32>
      %lt3A_187 = arith.constant 0 : i32
      %lt3A_188 = vector.broadcast %lt3A_187 : i32 to vector<16xi32>
      %lt3A_189 = arith.cmpi slt, %broadcast_in_dim3A_156, %lt3A_188 : vector<16xi32>
      %add3A_190 = arith.constant 16 : i32
      %add3A_191 = vector.broadcast %add3A_190 : i32 to vector<16xi32>
      %add3A_192 = arith.addi %broadcast_in_dim3A_156, %add3A_191 : vector<16xi32>
      %select_n3A_193 = arith.select %lt3A_189, %add3A_192, %broadcast_in_dim3A_156 : vector<16xi1>, vector<16xi32>
      %reshape3A_194 = vector.shape_cast %select_n3A_193 : vector<16xi32> to vector<16x1xi32>
      %gather3A_195 = vector.shape_cast %reshape3A_194 : vector<16x1xi32> to vector<16xi32>
      %gather3A_196 = tpu.dynamic_gather %get3A_29[%gather3A_195] in [0] : vector<16xf32>, vector<16xi32> -> vector<16xf32>
      %broadcast_in_dim3A_197 = arith.constant 0x7F800000 : f32
      %broadcast_in_dim3A_198 = vector.broadcast %broadcast_in_dim3A_197 : f32 to vector<16xf32>
      %broadcast_in_dim3A_199 = arith.constant 0x7F800000 : f32
      %broadcast_in_dim3A_200 = vector.broadcast %broadcast_in_dim3A_199 : f32 to vector<16xf32>
      %broadcast_in_dim3A_201 = arith.constant 0x7F800000 : f32
      %broadcast_in_dim3A_202 = vector.broadcast %broadcast_in_dim3A_201 : f32 to vector<16xf32>
      %broadcast_in_dim3A_203 = arith.constant 0x7F800000 : f32
      %broadcast_in_dim3A_204 = vector.broadcast %broadcast_in_dim3A_203 : f32 to vector<16xf32>
      %broadcast_in_dim3A_205 = arith.constant 0 : i32
      %broadcast_in_dim3A_206 = vector.broadcast %broadcast_in_dim3A_205 : i32 to vector<16xi32>
      %broadcast_in_dim3A_207 = arith.constant 0 : i32
      %broadcast_in_dim3A_208 = vector.broadcast %broadcast_in_dim3A_207 : i32 to vector<16xi32>
      %broadcast_in_dim3A_209 = arith.constant 0 : i32
      %broadcast_in_dim3A_210 = vector.broadcast %broadcast_in_dim3A_209 : i32 to vector<16xi32>
      %broadcast_in_dim3A_211 = arith.constant 0 : i32
      %broadcast_in_dim3A_212 = vector.broadcast %broadcast_in_dim3A_211 : i32 to vector<16xi32>
      %scan3A_213 = arith.constant 0 : i32
      %scan3A_214 = arith.constant 64 : i32
      %scan3A_215 = arith.addi %scan3A_213, %scan3A_214 : i32
      %scan3A_216 = arith.constant 1 : i32
      %scan3A_217:16 = scf.for %scan3A_1377 = %scan3A_213 to %scan3A_215 step %scan3A_216 iter_args(%scan3A_1378 = %broadcast_in_dim3A_198, %scan3A_1379 = %broadcast_in_dim3A_200, %scan3A_1380 = %broadcast_in_dim3A_202, %scan3A_1381 = %broadcast_in_dim3A_204, %scan3A_1382 = %broadcast_in_dim3A_206, %scan3A_1383 = %broadcast_in_dim3A_208, %scan3A_1384 = %broadcast_in_dim3A_210, %scan3A_1385 = %broadcast_in_dim3A_212, %scan3A_1386 = %broadcast_in_dim3A_198, %scan3A_1387 = %broadcast_in_dim3A_200, %scan3A_1388 = %broadcast_in_dim3A_202, %scan3A_1389 = %broadcast_in_dim3A_204, %scan3A_1390 = %broadcast_in_dim3A_206, %scan3A_1391 = %broadcast_in_dim3A_208, %scan3A_1392 = %broadcast_in_dim3A_210, %scan3A_1393 = %broadcast_in_dim3A_212) -> (vector<16xf32>, vector<16xf32>, vector<16xf32>, vector<16xf32>, vector<16xi32>, vector<16xi32>, vector<16xi32>, vector<16xi32>, vector<16xf32>, vector<16xf32>, vector<16xf32>, vector<16xf32>, vector<16xi32>, vector<16xi32>, vector<16xi32>, vector<16xi32>)  : i32 {
        %mul3A_1394 = arith.constant 2 : i32
        %mul3A_1395 = arith.muli %scan3A_1377, %mul3A_1394 : i32
        %add3A_1396 = arith.constant 1 : i32
        %add3A_1397 = arith.addi %mul3A_1395, %add3A_1396 : i32
        %mul3A_1398 = arith.constant 16 : i32
        %mul3A_1399 = arith.muli %mul3A_1395, %mul3A_1398 : i32
        %add3A_1400 = arith.constant 16 : i32
        %add3A_1401 = arith.addi %mul3A_1399, %add3A_1400 : i32
        %get3A_1402 = arith.constant 0 : i32
        %get3A_1403 = arith.index_cast %get3A_1402 : i32 to index
        %get3A_1404 = arith.index_cast %mul3A_1399 : i32 to index
        %get3A_1405 = tpu.vector_load %arg10[%get3A_1403, %get3A_1404] {strides = array<i32>} : memref<8x2048xf32, #tpu.memory_space<vmem>>, vector<16xf32>,
        %get3A_1406 = arith.constant 1 : i32
        %get3A_1407 = arith.index_cast %get3A_1406 : i32 to index
        %get3A_1408 = arith.index_cast %mul3A_1399 : i32 to index
        %get3A_1409 = tpu.vector_load %arg10[%get3A_1407, %get3A_1408] {strides = array<i32>} : memref<8x2048xf32, #tpu.memory_space<vmem>>, vector<16xf32>,
        %get3A_1410 = arith.constant 2 : i32
        %get3A_1411 = arith.index_cast %get3A_1410 : i32 to index
        %get3A_1412 = arith.index_cast %mul3A_1399 : i32 to index
        %get3A_1413 = tpu.vector_load %arg10[%get3A_1411, %get3A_1412] {strides = array<i32>} : memref<8x2048xf32, #tpu.memory_space<vmem>>, vector<16xf32>,
        %get3A_1414 = arith.constant 3 : i32
        %get3A_1415 = arith.index_cast %get3A_1414 : i32 to index
        %get3A_1416 = arith.index_cast %mul3A_1399 : i32 to index
        %get3A_1417 = tpu.vector_load %arg10[%get3A_1415, %get3A_1416] {strides = array<i32>} : memref<8x2048xf32, #tpu.memory_space<vmem>>, vector<16xf32>,
        %get3A_1418 = arith.constant 4 : i32
        %get3A_1419 = arith.index_cast %get3A_1418 : i32 to index
        %get3A_1420 = arith.index_cast %mul3A_1399 : i32 to index
        %get3A_1421 = tpu.vector_load %arg10[%get3A_1419, %get3A_1420] {strides = array<i32>} : memref<8x2048xf32, #tpu.memory_space<vmem>>, vector<16xf32>,
        %get3A_1422 = arith.constant 0 : i32
        %get3A_1423 = arith.index_cast %get3A_1422 : i32 to index
        %get3A_1424 = arith.index_cast %add3A_1401 : i32 to index
        %get3A_1425 = tpu.vector_load %arg10[%get3A_1423, %get3A_1424] {strides = array<i32>} : memref<8x2048xf32, #tpu.memory_space<vmem>>, vector<16xf32>,
        %get3A_1426 = arith.constant 1 : i32
        %get3A_1427 = arith.index_cast %get3A_1426 : i32 to index
        %get3A_1428 = arith.index_cast %add3A_1401 : i32 to index
        %get3A_1429 = tpu.vector_load %arg10[%get3A_1427, %get3A_1428] {strides = array<i32>} : memref<8x2048xf32, #tpu.memory_space<vmem>>, vector<16xf32>,
        %get3A_1430 = arith.constant 2 : i32
        %get3A_1431 = arith.index_cast %get3A_1430 : i32 to index
        %get3A_1432 = arith.index_cast %add3A_1401 : i32 to index
        %get3A_1433 = tpu.vector_load %arg10[%get3A_1431, %get3A_1432] {strides = array<i32>} : memref<8x2048xf32, #tpu.memory_space<vmem>>, vector<16xf32>,
        %get3A_1434 = arith.constant 3 : i32
        %get3A_1435 = arith.index_cast %get3A_1434 : i32 to index
        %get3A_1436 = arith.index_cast %add3A_1401 : i32 to index
        %get3A_1437 = tpu.vector_load %arg10[%get3A_1435, %get3A_1436] {strides = array<i32>} : memref<8x2048xf32, #tpu.memory_space<vmem>>, vector<16xf32>,
        %get3A_1438 = arith.constant 4 : i32
        %get3A_1439 = arith.index_cast %get3A_1438 : i32 to index
        %get3A_1440 = arith.index_cast %add3A_1401 : i32 to index
        %get3A_1441 = tpu.vector_load %arg10[%get3A_1439, %get3A_1440] {strides = array<i32>} : memref<8x2048xf32, #tpu.memory_space<vmem>>, vector<16xf32>,
        %broadcast_in_dim3A_1442 = vector.broadcast %mul3A_1395 : i32 to vector<16xi32>
        %broadcast_in_dim3A_1443 = vector.broadcast %add3A_1397 : i32 to vector<16xi32>
        %mul3A_1444 = arith.mulf %get3A_1405, %gather3A_40 : vector<16xf32>
        %mul3A_1445 = arith.mulf %get3A_1409, %gather3A_50 : vector<16xf32>
        %add3A_1446 = arith.addf %mul3A_1444, %mul3A_1445 : vector<16xf32>
        %mul3A_1447 = arith.mulf %get3A_1413, %gather3A_60 : vector<16xf32>
        %add3A_1448 = arith.addf %add3A_1446, %mul3A_1447 : vector<16xf32>
        %mul3A_1449 = arith.mulf %get3A_1417, %gather3A_70 : vector<16xf32>
        %add3A_1450 = arith.addf %add3A_1448, %mul3A_1449 : vector<16xf32>
        %sub3A = arith.subf %get3A_1421, %add3A_1450 : vector<16xf32>
        %lt3A_1451 = arith.cmpf olt, %sub3A, %scan3A_1378 : vector<16xf32>
        %select_n3A_1452 = arith.select %lt3A_1451, %sub3A, %scan3A_1378 : vector<16xi1>, vector<16xf32>
        %select_n3A_1453 = arith.select %lt3A_1451, %broadcast_in_dim3A_1442, %scan3A_1382 : vector<16xi1>, vector<16xi32>
        %mul3A_1454 = arith.mulf %get3A_1425, %gather3A_40 : vector<16xf32>
        %mul3A_1455 = arith.mulf %get3A_1429, %gather3A_50 : vector<16xf32>
        %add3A_1456 = arith.addf %mul3A_1454, %mul3A_1455 : vector<16xf32>
        %mul3A_1457 = arith.mulf %get3A_1433, %gather3A_60 : vector<16xf32>
        %add3A_1458 = arith.addf %add3A_1456, %mul3A_1457 : vector<16xf32>
        %mul3A_1459 = arith.mulf %get3A_1437, %gather3A_70 : vector<16xf32>
        %add3A_1460 = arith.addf %add3A_1458, %mul3A_1459 : vector<16xf32>
        %sub3A_1461 = arith.subf %get3A_1441, %add3A_1460 : vector<16xf32>
        %lt3A_1462 = arith.cmpf olt, %sub3A_1461, %scan3A_1386 : vector<16xf32>
        %select_n3A_1463 = arith.select %lt3A_1462, %sub3A_1461, %scan3A_1386 : vector<16xi1>, vector<16xf32>
        %select_n3A_1464 = arith.select %lt3A_1462, %broadcast_in_dim3A_1443, %scan3A_1390 : vector<16xi1>, vector<16xi32>
        %mul3A_1465 = arith.mulf %get3A_1405, %gather3A_82 : vector<16xf32>
        %mul3A_1466 = arith.mulf %get3A_1409, %gather3A_92 : vector<16xf32>
        %add3A_1467 = arith.addf %mul3A_1465, %mul3A_1466 : vector<16xf32>
        %mul3A_1468 = arith.mulf %get3A_1413, %gather3A_102 : vector<16xf32>
        %add3A_1469 = arith.addf %add3A_1467, %mul3A_1468 : vector<16xf32>
        %mul3A_1470 = arith.mulf %get3A_1417, %gather3A_112 : vector<16xf32>
        %add3A_1471 = arith.addf %add3A_1469, %mul3A_1470 : vector<16xf32>
        %sub3A_1472 = arith.subf %get3A_1421, %add3A_1471 : vector<16xf32>
        %lt3A_1473 = arith.cmpf olt, %sub3A_1472, %scan3A_1379 : vector<16xf32>
        %select_n3A_1474 = arith.select %lt3A_1473, %sub3A_1472, %scan3A_1379 : vector<16xi1>, vector<16xf32>
        %select_n3A_1475 = arith.select %lt3A_1473, %broadcast_in_dim3A_1442, %scan3A_1383 : vector<16xi1>, vector<16xi32>
        %mul3A_1476 = arith.mulf %get3A_1425, %gather3A_82 : vector<16xf32>
        %mul3A_1477 = arith.mulf %get3A_1429, %gather3A_92 : vector<16xf32>
        %add3A_1478 = arith.addf %mul3A_1476, %mul3A_1477 : vector<16xf32>
        %mul3A_1479 = arith.mulf %get3A_1433, %gather3A_102 : vector<16xf32>
        %add3A_1480 = arith.addf %add3A_1478, %mul3A_1479 : vector<16xf32>
        %mul3A_1481 = arith.mulf %get3A_1437, %gather3A_112 : vector<16xf32>
        %add3A_1482 = arith.addf %add3A_1480, %mul3A_1481 : vector<16xf32>
        %sub3A_1483 = arith.subf %get3A_1441, %add3A_1482 : vector<16xf32>
        %lt3A_1484 = arith.cmpf olt, %sub3A_1483, %scan3A_1387 : vector<16xf32>
        %select_n3A_1485 = arith.select %lt3A_1484, %sub3A_1483, %scan3A_1387 : vector<16xi1>, vector<16xf32>
        %select_n3A_1486 = arith.select %lt3A_1484, %broadcast_in_dim3A_1443, %scan3A_1391 : vector<16xi1>, vector<16xi32>
        %mul3A_1487 = arith.mulf %get3A_1405, %gather3A_124 : vector<16xf32>
        %mul3A_1488 = arith.mulf %get3A_1409, %gather3A_134 : vector<16xf32>
        %add3A_1489 = arith.addf %mul3A_1487, %mul3A_1488 : vector<16xf32>
        %mul3A_1490 = arith.mulf %get3A_1413, %gather3A_144 : vector<16xf32>
        %add3A_1491 = arith.addf %add3A_1489, %mul3A_1490 : vector<16xf32>
        %mul3A_1492 = arith.mulf %get3A_1417, %gather3A_154 : vector<16xf32>
        %add3A_1493 = arith.addf %add3A_1491, %mul3A_1492 : vector<16xf32>
        %sub3A_1494 = arith.subf %get3A_1421, %add3A_1493 : vector<16xf32>
        %lt3A_1495 = arith.cmpf olt, %sub3A_1494, %scan3A_1380 : vector<16xf32>
        %select_n3A_1496 = arith.select %lt3A_1495, %sub3A_1494, %scan3A_1380 : vector<16xi1>, vector<16xf32>
        %select_n3A_1497 = arith.select %lt3A_1495, %broadcast_in_dim3A_1442, %scan3A_1384 : vector<16xi1>, vector<16xi32>
        %mul3A_1498 = arith.mulf %get3A_1425, %gather3A_124 : vector<16xf32>
        %mul3A_1499 = arith.mulf %get3A_1429, %gather3A_134 : vector<16xf32>
        %add3A_1500 = arith.addf %mul3A_1498, %mul3A_1499 : vector<16xf32>
        %mul3A_1501 = arith.mulf %get3A_1433, %gather3A_144 : vector<16xf32>
        %add3A_1502 = arith.addf %add3A_1500, %mul3A_1501 : vector<16xf32>
        %mul3A_1503 = arith.mulf %get3A_1437, %gather3A_154 : vector<16xf32>
        %add3A_1504 = arith.addf %add3A_1502, %mul3A_1503 : vector<16xf32>
        %sub3A_1505 = arith.subf %get3A_1441, %add3A_1504 : vector<16xf32>
        %lt3A_1506 = arith.cmpf olt, %sub3A_1505, %scan3A_1388 : vector<16xf32>
        %select_n3A_1507 = arith.select %lt3A_1506, %sub3A_1505, %scan3A_1388 : vector<16xi1>, vector<16xf32>
        %select_n3A_1508 = arith.select %lt3A_1506, %broadcast_in_dim3A_1443, %scan3A_1392 : vector<16xi1>, vector<16xi32>
        %mul3A_1509 = arith.mulf %get3A_1405, %gather3A_166 : vector<16xf32>
        %mul3A_1510 = arith.mulf %get3A_1409, %gather3A_176 : vector<16xf32>
        %add3A_1511 = arith.addf %mul3A_1509, %mul3A_1510 : vector<16xf32>
        %mul3A_1512 = arith.mulf %get3A_1413, %gather3A_186 : vector<16xf32>
        %add3A_1513 = arith.addf %add3A_1511, %mul3A_1512 : vector<16xf32>
        %mul3A_1514 = arith.mulf %get3A_1417, %gather3A_196 : vector<16xf32>
        %add3A_1515 = arith.addf %add3A_1513, %mul3A_1514 : vector<16xf32>
        %sub3A_1516 = arith.subf %get3A_1421, %add3A_1515 : vector<16xf32>
        %lt3A_1517 = arith.cmpf olt, %sub3A_1516, %scan3A_1381 : vector<16xf32>
        %select_n3A_1518 = arith.select %lt3A_1517, %sub3A_1516, %scan3A_1381 : vector<16xi1>, vector<16xf32>
        %select_n3A_1519 = arith.select %lt3A_1517, %broadcast_in_dim3A_1442, %scan3A_1385 : vector<16xi1>, vector<16xi32>
        %mul3A_1520 = arith.mulf %get3A_1425, %gather3A_166 : vector<16xf32>
        %mul3A_1521 = arith.mulf %get3A_1429, %gather3A_176 : vector<16xf32>
        %add3A_1522 = arith.addf %mul3A_1520, %mul3A_1521 : vector<16xf32>
        %mul3A_1523 = arith.mulf %get3A_1433, %gather3A_186 : vector<16xf32>
        %add3A_1524 = arith.addf %add3A_1522, %mul3A_1523 : vector<16xf32>
        %mul3A_1525 = arith.mulf %get3A_1437, %gather3A_196 : vector<16xf32>
        %add3A_1526 = arith.addf %add3A_1524, %mul3A_1525 : vector<16xf32>
        %sub3A_1527 = arith.subf %get3A_1441, %add3A_1526 : vector<16xf32>
        %lt3A_1528 = arith.cmpf olt, %sub3A_1527, %scan3A_1389 : vector<16xf32>
        %select_n3A_1529 = arith.select %lt3A_1528, %sub3A_1527, %scan3A_1389 : vector<16xi1>, vector<16xf32>
        %select_n3A_1530 = arith.select %lt3A_1528, %broadcast_in_dim3A_1443, %scan3A_1393 : vector<16xi1>, vector<16xi32>
        scf.yield %select_n3A_1452, %select_n3A_1474, %select_n3A_1496, %select_n3A_1518, %select_n3A_1453, %select_n3A_1475, %select_n3A_1497, %select_n3A_1519, %select_n3A_1463, %select_n3A_1485, %select_n3A_1507, %select_n3A_1529, %select_n3A_1464, %select_n3A_1486, %select_n3A_1508, %select_n3A_1530 : vector<16xf32>, vector<16xf32>, vector<16xf32>, vector<16xf32>, vector<16xi32>, vector<16xi32>, vector<16xi32>, vector<16xi32>, vector<16xf32>, vector<16xf32>, vector<16xf32>, vector<16xf32>, vector<16xi32>, vector<16xi32>, vector<16xi32>, vector<16xi32>
      }
      %scan3A_218 = arith.constant 64 : i32
      %lt3A_219 = arith.cmpf olt, %scan3A_217#8, %scan3A_217#0 : vector<16xf32>
      %eq3A_220 = arith.cmpf oeq, %scan3A_217#8, %scan3A_217#0 : vector<16xf32>
      %select_n3A_221 = arith.select %lt3A_219, %scan3A_217#8, %scan3A_217#0 : vector<16xi1>, vector<16xf32>
      %select_n3A_222 = arith.select %lt3A_219, %scan3A_217#12, %scan3A_217#4 : vector<16xi1>, vector<16xi32>
      %min3A = arith.minsi %scan3A_217#4, %scan3A_217#12 : vector<16xi32>
      %select_n3A_223 = arith.select %eq3A_220, %min3A, %select_n3A_222 : vector<16xi1>, vector<16xi32>
      %reduce_min3A = arith.constant true
      %reduce_min3A_224 = vector.broadcast %reduce_min3A : i1 to vector<16xi1>
      %reduce_min3A_225 = tpu.scan <min>, %select_n3A_221 masked %reduce_min3A_224 : vector<16xf32>, vector<16xi1> -> vector<16xf32>
      %reduce_min3A_226 = vector.extract %reduce_min3A_225[15] : f32 from vector<16xf32>
      %eq3A_227 = vector.broadcast %reduce_min3A_226 : f32 to vector<16xf32>
      %eq3A_228 = arith.cmpf oeq, %select_n3A_221, %eq3A_227 : vector<16xf32>
      %mul3A_229 = arith.constant 16 : i32
      %mul3A_230 = vector.broadcast %mul3A_229 : i32 to vector<16xi32>
      %mul3A_231 = arith.muli %select_n3A_223, %mul3A_230 : vector<16xi32>
      %add3A_232 = arith.addi %mul3A_231, %iota3A : vector<16xi32>
      %jit3A = arith.constant 2048 : i32
      %broadcast_in_dim3A_233 = vector.broadcast %jit3A : i32 to vector<16xi32>
      %select_n3A_234 = arith.select %eq3A_228, %add3A_232, %broadcast_in_dim3A_233 : vector<16xi1>, vector<16xi32>
      %reduce_min3A_235 = arith.constant true
      %reduce_min3A_236 = vector.broadcast %reduce_min3A_235 : i1 to vector<16xi1>
      %reduce_min3A_237 = arith.constant -2147483648 : i32
      %reduce_min3A_238 = vector.broadcast %reduce_min3A_237 : i32 to vector<16xi32>
      %reduce_min3A_239 = arith.xori %select_n3A_234, %reduce_min3A_238 : vector<16xi32>
      %reduce_min3A_240 = tpu.scan <min>, %reduce_min3A_239 masked %reduce_min3A_236 : vector<16xi32>, vector<16xi1> -> vector<16xi32>
      %reduce_min3A_241 = arith.xori %reduce_min3A_240, %reduce_min3A_238 : vector<16xi32>
      %reduce_min3A_242 = vector.extract %reduce_min3A_241[15] : i32 from vector<16xi32>
      %add3A_243 = arith.constant 0 : i32
      %add3A_244 = arith.addi %mul3A_14, %add3A_243 : i32
      %add3A_245 = arith.constant 0 : i32
      %add3A_246 = arith.addi %add3A_244, %add3A_245 : i32
      %broadcast_in_dim3A_247 = vector.broadcast %add3A_246 : i32 to vector<16xi32>
      %broadcast_in_dim3A_248 = vector.broadcast %reduce_min3A_242 : i32 to vector<16xi32>
      tpu.vector_store_idx %arg12[%broadcast_in_dim3A_247], %broadcast_in_dim3A_248 masked %eq3A_4 : memref<160xi32, #tpu.memory_space<vmem>>[vector<16xi32>], vector<16xi32>, vector<16xi1>
      %slice3A = vector.extract_strided_slice %get3A_33 {offsets = [0], sizes = [1], strides = [1]} : vector<16xf32> to vector<1xf32>
      %squeeze3A = vector.extract %slice3A[0] : f32 from vector<1xf32>
      %add3A_249 = arith.addf %reduce_min3A_226, %squeeze3A : f32
      %broadcast_in_dim3A_250 = vector.broadcast %add3A_249 : f32 to vector<16xf32>
      tpu.vector_store_idx %arg13[%broadcast_in_dim3A_247], %broadcast_in_dim3A_250 masked %eq3A_4 : memref<160xf32, #tpu.memory_space<vmem>>[vector<16xi32>], vector<16xf32>, vector<16xi1>
      %lt3A_251 = arith.cmpf olt, %scan3A_217#9, %scan3A_217#1 : vector<16xf32>
      %eq3A_252 = arith.cmpf oeq, %scan3A_217#9, %scan3A_217#1 : vector<16xf32>
      %select_n3A_253 = arith.select %lt3A_251, %scan3A_217#9, %scan3A_217#1 : vector<16xi1>, vector<16xf32>
      %select_n3A_254 = arith.select %lt3A_251, %scan3A_217#13, %scan3A_217#5 : vector<16xi1>, vector<16xi32>
      %min3A_255 = arith.minsi %scan3A_217#5, %scan3A_217#13 : vector<16xi32>
      %select_n3A_256 = arith.select %eq3A_252, %min3A_255, %select_n3A_254 : vector<16xi1>, vector<16xi32>
      %reduce_min3A_257 = arith.constant true
      %reduce_min3A_258 = vector.broadcast %reduce_min3A_257 : i1 to vector<16xi1>
      %reduce_min3A_259 = tpu.scan <min>, %select_n3A_253 masked %reduce_min3A_258 : vector<16xf32>, vector<16xi1> -> vector<16xf32>
      %reduce_min3A_260 = vector.extract %reduce_min3A_259[15] : f32 from vector<16xf32>
      %eq3A_261 = vector.broadcast %reduce_min3A_260 : f32 to vector<16xf32>
      %eq3A_262 = arith.cmpf oeq, %select_n3A_253, %eq3A_261 : vector<16xf32>
      %mul3A_263 = arith.constant 16 : i32
      %mul3A_264 = vector.broadcast %mul3A_263 : i32 to vector<16xi32>
      %mul3A_265 = arith.muli %select_n3A_256, %mul3A_264 : vector<16xi32>
      %add3A_266 = arith.addi %mul3A_265, %iota3A : vector<16xi32>
      %jit3A_267 = arith.constant 2048 : i32
      %broadcast_in_dim3A_268 = vector.broadcast %jit3A_267 : i32 to vector<16xi32>
      %select_n3A_269 = arith.select %eq3A_262, %add3A_266, %broadcast_in_dim3A_268 : vector<16xi1>, vector<16xi32>
      %reduce_min3A_270 = arith.constant true
      %reduce_min3A_271 = vector.broadcast %reduce_min3A_270 : i1 to vector<16xi1>
      %reduce_min3A_272 = arith.constant -2147483648 : i32
      %reduce_min3A_273 = vector.broadcast %reduce_min3A_272 : i32 to vector<16xi32>
      %reduce_min3A_274 = arith.xori %select_n3A_269, %reduce_min3A_273 : vector<16xi32>
      %reduce_min3A_275 = tpu.scan <min>, %reduce_min3A_274 masked %reduce_min3A_271 : vector<16xi32>, vector<16xi1> -> vector<16xi32>
      %reduce_min3A_276 = arith.xori %reduce_min3A_275, %reduce_min3A_273 : vector<16xi32>
      %reduce_min3A_277 = vector.extract %reduce_min3A_276[15] : i32 from vector<16xi32>
      %add3A_278 = arith.constant 0 : i32
      %add3A_279 = arith.addi %mul3A_14, %add3A_278 : i32
      %add3A_280 = arith.constant 1 : i32
      %add3A_281 = arith.addi %add3A_279, %add3A_280 : i32
      %broadcast_in_dim3A_282 = vector.broadcast %add3A_281 : i32 to vector<16xi32>
      %broadcast_in_dim3A_283 = vector.broadcast %reduce_min3A_277 : i32 to vector<16xi32>
      tpu.vector_store_idx %arg12[%broadcast_in_dim3A_282], %broadcast_in_dim3A_283 masked %eq3A_4 : memref<160xi32, #tpu.memory_space<vmem>>[vector<16xi32>], vector<16xi32>, vector<16xi1>
      %slice3A_284 = vector.extract_strided_slice %get3A_33 {offsets = [1], sizes = [1], strides = [1]} : vector<16xf32> to vector<1xf32>
      %squeeze3A_285 = vector.extract %slice3A_284[0] : f32 from vector<1xf32>
      %add3A_286 = arith.addf %reduce_min3A_260, %squeeze3A_285 : f32
      %broadcast_in_dim3A_287 = vector.broadcast %add3A_286 : f32 to vector<16xf32>
      tpu.vector_store_idx %arg13[%broadcast_in_dim3A_282], %broadcast_in_dim3A_287 masked %eq3A_4 : memref<160xf32, #tpu.memory_space<vmem>>[vector<16xi32>], vector<16xf32>, vector<16xi1>
      %lt3A_288 = arith.cmpf olt, %scan3A_217#10, %scan3A_217#2 : vector<16xf32>
      %eq3A_289 = arith.cmpf oeq, %scan3A_217#10, %scan3A_217#2 : vector<16xf32>
      %select_n3A_290 = arith.select %lt3A_288, %scan3A_217#10, %scan3A_217#2 : vector<16xi1>, vector<16xf32>
      %select_n3A_291 = arith.select %lt3A_288, %scan3A_217#14, %scan3A_217#6 : vector<16xi1>, vector<16xi32>
      %min3A_292 = arith.minsi %scan3A_217#6, %scan3A_217#14 : vector<16xi32>
      %select_n3A_293 = arith.select %eq3A_289, %min3A_292, %select_n3A_291 : vector<16xi1>, vector<16xi32>
      %reduce_min3A_294 = arith.constant true
      %reduce_min3A_295 = vector.broadcast %reduce_min3A_294 : i1 to vector<16xi1>
      %reduce_min3A_296 = tpu.scan <min>, %select_n3A_290 masked %reduce_min3A_295 : vector<16xf32>, vector<16xi1> -> vector<16xf32>
      %reduce_min3A_297 = vector.extract %reduce_min3A_296[15] : f32 from vector<16xf32>
      %eq3A_298 = vector.broadcast %reduce_min3A_297 : f32 to vector<16xf32>
      %eq3A_299 = arith.cmpf oeq, %select_n3A_290, %eq3A_298 : vector<16xf32>
      %mul3A_300 = arith.constant 16 : i32
      %mul3A_301 = vector.broadcast %mul3A_300 : i32 to vector<16xi32>
      %mul3A_302 = arith.muli %select_n3A_293, %mul3A_301 : vector<16xi32>
      %add3A_303 = arith.addi %mul3A_302, %iota3A : vector<16xi32>
      %jit3A_304 = arith.constant 2048 : i32
      %broadcast_in_dim3A_305 = vector.broadcast %jit3A_304 : i32 to vector<16xi32>
      %select_n3A_306 = arith.select %eq3A_299, %add3A_303, %broadcast_in_dim3A_305 : vector<16xi1>, vector<16xi32>
      %reduce_min3A_307 = arith.constant true
      %reduce_min3A_308 = vector.broadcast %reduce_min3A_307 : i1 to vector<16xi1>
      %reduce_min3A_309 = arith.constant -2147483648 : i32
      %reduce_min3A_310 = vector.broadcast %reduce_min3A_309 : i32 to vector<16xi32>
      %reduce_min3A_311 = arith.xori %select_n3A_306, %reduce_min3A_310 : vector<16xi32>
      %reduce_min3A_312 = tpu.scan <min>, %reduce_min3A_311 masked %reduce_min3A_308 : vector<16xi32>, vector<16xi1> -> vector<16xi32>
      %reduce_min3A_313 = arith.xori %reduce_min3A_312, %reduce_min3A_310 : vector<16xi32>
      %reduce_min3A_314 = vector.extract %reduce_min3A_313[15] : i32 from vector<16xi32>
      %add3A_315 = arith.constant 0 : i32
      %add3A_316 = arith.addi %mul3A_14, %add3A_315 : i32
      %add3A_317 = arith.constant 2 : i32
      %add3A_318 = arith.addi %add3A_316, %add3A_317 : i32
      %broadcast_in_dim3A_319 = vector.broadcast %add3A_318 : i32 to vector<16xi32>
      %broadcast_in_dim3A_320 = vector.broadcast %reduce_min3A_314 : i32 to vector<16xi32>
      tpu.vector_store_idx %arg12[%broadcast_in_dim3A_319], %broadcast_in_dim3A_320 masked %eq3A_4 : memref<160xi32, #tpu.memory_space<vmem>>[vector<16xi32>], vector<16xi32>, vector<16xi1>
      %slice3A_321 = vector.extract_strided_slice %get3A_33 {offsets = [2], sizes = [1], strides = [1]} : vector<16xf32> to vector<1xf32>
      %squeeze3A_322 = vector.extract %slice3A_321[0] : f32 from vector<1xf32>
      %add3A_323 = arith.addf %reduce_min3A_297, %squeeze3A_322 : f32
      %broadcast_in_dim3A_324 = vector.broadcast %add3A_323 : f32 to vector<16xf32>
      tpu.vector_store_idx %arg13[%broadcast_in_dim3A_319], %broadcast_in_dim3A_324 masked %eq3A_4 : memref<160xf32, #tpu.memory_space<vmem>>[vector<16xi32>], vector<16xf32>, vector<16xi1>
      %lt3A_325 = arith.cmpf olt, %scan3A_217#11, %scan3A_217#3 : vector<16xf32>
      %eq3A_326 = arith.cmpf oeq, %scan3A_217#11, %scan3A_217#3 : vector<16xf32>
      %select_n3A_327 = arith.select %lt3A_325, %scan3A_217#11, %scan3A_217#3 : vector<16xi1>, vector<16xf32>
      %select_n3A_328 = arith.select %lt3A_325, %scan3A_217#15, %scan3A_217#7 : vector<16xi1>, vector<16xi32>
      %min3A_329 = arith.minsi %scan3A_217#7, %scan3A_217#15 : vector<16xi32>
      %select_n3A_330 = arith.select %eq3A_326, %min3A_329, %select_n3A_328 : vector<16xi1>, vector<16xi32>
      %reduce_min3A_331 = arith.constant true
      %reduce_min3A_332 = vector.broadcast %reduce_min3A_331 : i1 to vector<16xi1>
      %reduce_min3A_333 = tpu.scan <min>, %select_n3A_327 masked %reduce_min3A_332 : vector<16xf32>, vector<16xi1> -> vector<16xf32>
      %reduce_min3A_334 = vector.extract %reduce_min3A_333[15] : f32 from vector<16xf32>
      %eq3A_335 = vector.broadcast %reduce_min3A_334 : f32 to vector<16xf32>
      %eq3A_336 = arith.cmpf oeq, %select_n3A_327, %eq3A_335 : vector<16xf32>
      %mul3A_337 = arith.constant 16 : i32
      %mul3A_338 = vector.broadcast %mul3A_337 : i32 to vector<16xi32>
      %mul3A_339 = arith.muli %select_n3A_330, %mul3A_338 : vector<16xi32>
      %add3A_340 = arith.addi %mul3A_339, %iota3A : vector<16xi32>
      %jit3A_341 = arith.constant 2048 : i32
      %broadcast_in_dim3A_342 = vector.broadcast %jit3A_341 : i32 to vector<16xi32>
      %select_n3A_343 = arith.select %eq3A_336, %add3A_340, %broadcast_in_dim3A_342 : vector<16xi1>, vector<16xi32>
      %reduce_min3A_344 = arith.constant true
      %reduce_min3A_345 = vector.broadcast %reduce_min3A_344 : i1 to vector<16xi1>
      %reduce_min3A_346 = arith.constant -2147483648 : i32
      %reduce_min3A_347 = vector.broadcast %reduce_min3A_346 : i32 to vector<16xi32>
      %reduce_min3A_348 = arith.xori %select_n3A_343, %reduce_min3A_347 : vector<16xi32>
      %reduce_min3A_349 = tpu.scan <min>, %reduce_min3A_348 masked %reduce_min3A_345 : vector<16xi32>, vector<16xi1> -> vector<16xi32>
      %reduce_min3A_350 = arith.xori %reduce_min3A_349, %reduce_min3A_347 : vector<16xi32>
      %reduce_min3A_351 = vector.extract %reduce_min3A_350[15] : i32 from vector<16xi32>
      %add3A_352 = arith.constant 0 : i32
      %add3A_353 = arith.addi %mul3A_14, %add3A_352 : i32
      %add3A_354 = arith.constant 3 : i32
      %add3A_355 = arith.addi %add3A_353, %add3A_354 : i32
      %broadcast_in_dim3A_356 = vector.broadcast %add3A_355 : i32 to vector<16xi32>
      %broadcast_in_dim3A_357 = vector.broadcast %reduce_min3A_351 : i32 to vector<16xi32>
      tpu.vector_store_idx %arg12[%broadcast_in_dim3A_356], %broadcast_in_dim3A_357 masked %eq3A_4 : memref<160xi32, #tpu.memory_space<vmem>>[vector<16xi32>], vector<16xi32>, vector<16xi1>
      %slice3A_358 = vector.extract_strided_slice %get3A_33 {offsets = [3], sizes = [1], strides = [1]} : vector<16xf32> to vector<1xf32>
      %squeeze3A_359 = vector.extract %slice3A_358[0] : f32 from vector<1xf32>
      %add3A_360 = arith.addf %reduce_min3A_334, %squeeze3A_359 : f32
      %broadcast_in_dim3A_361 = vector.broadcast %add3A_360 : f32 to vector<16xf32>
      tpu.vector_store_idx %arg13[%broadcast_in_dim3A_356], %broadcast_in_dim3A_361 masked %eq3A_4 : memref<160xf32, #tpu.memory_space<vmem>>[vector<16xi32>], vector<16xf32>, vector<16xi1>
      %broadcast_in_dim3A_362 = arith.constant 4 : i32
      %broadcast_in_dim3A_363 = vector.broadcast %broadcast_in_dim3A_362 : i32 to vector<16xi32>
      %lt3A_364 = arith.constant 0 : i32
      %lt3A_365 = vector.broadcast %lt3A_364 : i32 to vector<16xi32>
      %lt3A_366 = arith.cmpi slt, %broadcast_in_dim3A_363, %lt3A_365 : vector<16xi32>
      %add3A_367 = arith.constant 16 : i32
      %add3A_368 = vector.broadcast %add3A_367 : i32 to vector<16xi32>
      %add3A_369 = arith.addi %broadcast_in_dim3A_363, %add3A_368 : vector<16xi32>
      %select_n3A_370 = arith.select %lt3A_366, %add3A_369, %broadcast_in_dim3A_363 : vector<16xi1>, vector<16xi32>
      %reshape3A_371 = vector.shape_cast %select_n3A_370 : vector<16xi32> to vector<16x1xi32>
      %gather3A_372 = vector.shape_cast %reshape3A_371 : vector<16x1xi32> to vector<16xi32>
      %gather3A_373 = tpu.dynamic_gather %get3A_17[%gather3A_372] in [0] : vector<16xf32>, vector<16xi32> -> vector<16xf32>
      %lt3A_374 = arith.constant 0 : i32
      %lt3A_375 = vector.broadcast %lt3A_374 : i32 to vector<16xi32>
      %lt3A_376 = arith.cmpi slt, %broadcast_in_dim3A_363, %lt3A_375 : vector<16xi32>
      %add3A_377 = arith.constant 16 : i32
      %add3A_378 = vector.broadcast %add3A_377 : i32 to vector<16xi32>
      %add3A_379 = arith.addi %broadcast_in_dim3A_363, %add3A_378 : vector<16xi32>
      %select_n3A_380 = arith.select %lt3A_376, %add3A_379, %broadcast_in_dim3A_363 : vector<16xi1>, vector<16xi32>
      %reshape3A_381 = vector.shape_cast %select_n3A_380 : vector<16xi32> to vector<16x1xi32>
      %gather3A_382 = vector.shape_cast %reshape3A_381 : vector<16x1xi32> to vector<16xi32>
      %gather3A_383 = tpu.dynamic_gather %get3A_21[%gather3A_382] in [0] : vector<16xf32>, vector<16xi32> -> vector<16xf32>
      %lt3A_384 = arith.constant 0 : i32
      %lt3A_385 = vector.broadcast %lt3A_384 : i32 to vector<16xi32>
      %lt3A_386 = arith.cmpi slt, %broadcast_in_dim3A_363, %lt3A_385 : vector<16xi32>
      %add3A_387 = arith.constant 16 : i32
      %add3A_388 = vector.broadcast %add3A_387 : i32 to vector<16xi32>
      %add3A_389 = arith.addi %broadcast_in_dim3A_363, %add3A_388 : vector<16xi32>
      %select_n3A_390 = arith.select %lt3A_386, %add3A_389, %broadcast_in_dim3A_363 : vector<16xi1>, vector<16xi32>
      %reshape3A_391 = vector.shape_cast %select_n3A_390 : vector<16xi32> to vector<16x1xi32>
      %gather3A_392 = vector.shape_cast %reshape3A_391 : vector<16x1xi32> to vector<16xi32>
      %gather3A_393 = tpu.dynamic_gather %get3A_25[%gather3A_392] in [0] : vector<16xf32>, vector<16xi32> -> vector<16xf32>
      %lt3A_394 = arith.constant 0 : i32
      %lt3A_395 = vector.broadcast %lt3A_394 : i32 to vector<16xi32>
      %lt3A_396 = arith.cmpi slt, %broadcast_in_dim3A_363, %lt3A_395 : vector<16xi32>
      %add3A_397 = arith.constant 16 : i32
      %add3A_398 = vector.broadcast %add3A_397 : i32 to vector<16xi32>
      %add3A_399 = arith.addi %broadcast_in_dim3A_363, %add3A_398 : vector<16xi32>
      %select_n3A_400 = arith.select %lt3A_396, %add3A_399, %broadcast_in_dim3A_363 : vector<16xi1>, vector<16xi32>
      %reshape3A_401 = vector.shape_cast %select_n3A_400 : vector<16xi32> to vector<16x1xi32>
      %gather3A_402 = vector.shape_cast %reshape3A_401 : vector<16x1xi32> to vector<16xi32>
      %gather3A_403 = tpu.dynamic_gather %get3A_29[%gather3A_402] in [0] : vector<16xf32>, vector<16xi32> -> vector<16xf32>
      %broadcast_in_dim3A_404 = arith.constant 5 : i32
      %broadcast_in_dim3A_405 = vector.broadcast %broadcast_in_dim3A_404 : i32 to vector<16xi32>
      %lt3A_406 = arith.constant 0 : i32
      %lt3A_407 = vector.broadcast %lt3A_406 : i32 to vector<16xi32>
      %lt3A_408 = arith.cmpi slt, %broadcast_in_dim3A_405, %lt3A_407 : vector<16xi32>
      %add3A_409 = arith.constant 16 : i32
      %add3A_410 = vector.broadcast %add3A_409 : i32 to vector<16xi32>
      %add3A_411 = arith.addi %broadcast_in_dim3A_405, %add3A_410 : vector<16xi32>
      %select_n3A_412 = arith.select %lt3A_408, %add3A_411, %broadcast_in_dim3A_405 : vector<16xi1>, vector<16xi32>
      %reshape3A_413 = vector.shape_cast %select_n3A_412 : vector<16xi32> to vector<16x1xi32>
      %gather3A_414 = vector.shape_cast %reshape3A_413 : vector<16x1xi32> to vector<16xi32>
      %gather3A_415 = tpu.dynamic_gather %get3A_17[%gather3A_414] in [0] : vector<16xf32>, vector<16xi32> -> vector<16xf32>
      %lt3A_416 = arith.constant 0 : i32
      %lt3A_417 = vector.broadcast %lt3A_416 : i32 to vector<16xi32>
      %lt3A_418 = arith.cmpi slt, %broadcast_in_dim3A_405, %lt3A_417 : vector<16xi32>
      %add3A_419 = arith.constant 16 : i32
      %add3A_420 = vector.broadcast %add3A_419 : i32 to vector<16xi32>
      %add3A_421 = arith.addi %broadcast_in_dim3A_405, %add3A_420 : vector<16xi32>
      %select_n3A_422 = arith.select %lt3A_418, %add3A_421, %broadcast_in_dim3A_405 : vector<16xi1>, vector<16xi32>
      %reshape3A_423 = vector.shape_cast %select_n3A_422 : vector<16xi32> to vector<16x1xi32>
      %gather3A_424 = vector.shape_cast %reshape3A_423 : vector<16x1xi32> to vector<16xi32>
      %gather3A_425 = tpu.dynamic_gather %get3A_21[%gather3A_424] in [0] : vector<16xf32>, vector<16xi32> -> vector<16xf32>
      %lt3A_426 = arith.constant 0 : i32
      %lt3A_427 = vector.broadcast %lt3A_426 : i32 to vector<16xi32>
      %lt3A_428 = arith.cmpi slt, %broadcast_in_dim3A_405, %lt3A_427 : vector<16xi32>
      %add3A_429 = arith.constant 16 : i32
      %add3A_430 = vector.broadcast %add3A_429 : i32 to vector<16xi32>
      %add3A_431 = arith.addi %broadcast_in_dim3A_405, %add3A_430 : vector<16xi32>
      %select_n3A_432 = arith.select %lt3A_428, %add3A_431, %broadcast_in_dim3A_405 : vector<16xi1>, vector<16xi32>
      %reshape3A_433 = vector.shape_cast %select_n3A_432 : vector<16xi32> to vector<16x1xi32>
      %gather3A_434 = vector.shape_cast %reshape3A_433 : vector<16x1xi32> to vector<16xi32>
      %gather3A_435 = tpu.dynamic_gather %get3A_25[%gather3A_434] in [0] : vector<16xf32>, vector<16xi32> -> vector<16xf32>
      %lt3A_436 = arith.constant 0 : i32
      %lt3A_437 = vector.broadcast %lt3A_436 : i32 to vector<16xi32>
      %lt3A_438 = arith.cmpi slt, %broadcast_in_dim3A_405, %lt3A_437 : vector<16xi32>
      %add3A_439 = arith.constant 16 : i32
      %add3A_440 = vector.broadcast %add3A_439 : i32 to vector<16xi32>
      %add3A_441 = arith.addi %broadcast_in_dim3A_405, %add3A_440 : vector<16xi32>
      %select_n3A_442 = arith.select %lt3A_438, %add3A_441, %broadcast_in_dim3A_405 : vector<16xi1>, vector<16xi32>
      %reshape3A_443 = vector.shape_cast %select_n3A_442 : vector<16xi32> to vector<16x1xi32>
      %gather3A_444 = vector.shape_cast %reshape3A_443 : vector<16x1xi32> to vector<16xi32>
      %gather3A_445 = tpu.dynamic_gather %get3A_29[%gather3A_444] in [0] : vector<16xf32>, vector<16xi32> -> vector<16xf32>
      %broadcast_in_dim3A_446 = arith.constant 6 : i32
      %broadcast_in_dim3A_447 = vector.broadcast %broadcast_in_dim3A_446 : i32 to vector<16xi32>
      %lt3A_448 = arith.constant 0 : i32
      %lt3A_449 = vector.broadcast %lt3A_448 : i32 to vector<16xi32>
      %lt3A_450 = arith.cmpi slt, %broadcast_in_dim3A_447, %lt3A_449 : vector<16xi32>
      %add3A_451 = arith.constant 16 : i32
      %add3A_452 = vector.broadcast %add3A_451 : i32 to vector<16xi32>
      %add3A_453 = arith.addi %broadcast_in_dim3A_447, %add3A_452 : vector<16xi32>
      %select_n3A_454 = arith.select %lt3A_450, %add3A_453, %broadcast_in_dim3A_447 : vector<16xi1>, vector<16xi32>
      %reshape3A_455 = vector.shape_cast %select_n3A_454 : vector<16xi32> to vector<16x1xi32>
      %gather3A_456 = vector.shape_cast %reshape3A_455 : vector<16x1xi32> to vector<16xi32>
      %gather3A_457 = tpu.dynamic_gather %get3A_17[%gather3A_456] in [0] : vector<16xf32>, vector<16xi32> -> vector<16xf32>
      %lt3A_458 = arith.constant 0 : i32
      %lt3A_459 = vector.broadcast %lt3A_458 : i32 to vector<16xi32>
      %lt3A_460 = arith.cmpi slt, %broadcast_in_dim3A_447, %lt3A_459 : vector<16xi32>
      %add3A_461 = arith.constant 16 : i32
      %add3A_462 = vector.broadcast %add3A_461 : i32 to vector<16xi32>
      %add3A_463 = arith.addi %broadcast_in_dim3A_447, %add3A_462 : vector<16xi32>
      %select_n3A_464 = arith.select %lt3A_460, %add3A_463, %broadcast_in_dim3A_447 : vector<16xi1>, vector<16xi32>
      %reshape3A_465 = vector.shape_cast %select_n3A_464 : vector<16xi32> to vector<16x1xi32>
      %gather3A_466 = vector.shape_cast %reshape3A_465 : vector<16x1xi32> to vector<16xi32>
      %gather3A_467 = tpu.dynamic_gather %get3A_21[%gather3A_466] in [0] : vector<16xf32>, vector<16xi32> -> vector<16xf32>
      %lt3A_468 = arith.constant 0 : i32
      %lt3A_469 = vector.broadcast %lt3A_468 : i32 to vector<16xi32>
      %lt3A_470 = arith.cmpi slt, %broadcast_in_dim3A_447, %lt3A_469 : vector<16xi32>
      %add3A_471 = arith.constant 16 : i32
      %add3A_472 = vector.broadcast %add3A_471 : i32 to vector<16xi32>
      %add3A_473 = arith.addi %broadcast_in_dim3A_447, %add3A_472 : vector<16xi32>
      %select_n3A_474 = arith.select %lt3A_470, %add3A_473, %broadcast_in_dim3A_447 : vector<16xi1>, vector<16xi32>
      %reshape3A_475 = vector.shape_cast %select_n3A_474 : vector<16xi32> to vector<16x1xi32>
      %gather3A_476 = vector.shape_cast %reshape3A_475 : vector<16x1xi32> to vector<16xi32>
      %gather3A_477 = tpu.dynamic_gather %get3A_25[%gather3A_476] in [0] : vector<16xf32>, vector<16xi32> -> vector<16xf32>
      %lt3A_478 = arith.constant 0 : i32
      %lt3A_479 = vector.broadcast %lt3A_478 : i32 to vector<16xi32>
      %lt3A_480 = arith.cmpi slt, %broadcast_in_dim3A_447, %lt3A_479 : vector<16xi32>
      %add3A_481 = arith.constant 16 : i32
      %add3A_482 = vector.broadcast %add3A_481 : i32 to vector<16xi32>
      %add3A_483 = arith.addi %broadcast_in_dim3A_447, %add3A_482 : vector<16xi32>
      %select_n3A_484 = arith.select %lt3A_480, %add3A_483, %broadcast_in_dim3A_447 : vector<16xi1>, vector<16xi32>
      %reshape3A_485 = vector.shape_cast %select_n3A_484 : vector<16xi32> to vector<16x1xi32>
      %gather3A_486 = vector.shape_cast %reshape3A_485 : vector<16x1xi32> to vector<16xi32>
      %gather3A_487 = tpu.dynamic_gather %get3A_29[%gather3A_486] in [0] : vector<16xf32>, vector<16xi32> -> vector<16xf32>
      %broadcast_in_dim3A_488 = arith.constant 7 : i32
      %broadcast_in_dim3A_489 = vector.broadcast %broadcast_in_dim3A_488 : i32 to vector<16xi32>
      %lt3A_490 = arith.constant 0 : i32
      %lt3A_491 = vector.broadcast %lt3A_490 : i32 to vector<16xi32>
      %lt3A_492 = arith.cmpi slt, %broadcast_in_dim3A_489, %lt3A_491 : vector<16xi32>
      %add3A_493 = arith.constant 16 : i32
      %add3A_494 = vector.broadcast %add3A_493 : i32 to vector<16xi32>
      %add3A_495 = arith.addi %broadcast_in_dim3A_489, %add3A_494 : vector<16xi32>
      %select_n3A_496 = arith.select %lt3A_492, %add3A_495, %broadcast_in_dim3A_489 : vector<16xi1>, vector<16xi32>
      %reshape3A_497 = vector.shape_cast %select_n3A_496 : vector<16xi32> to vector<16x1xi32>
      %gather3A_498 = vector.shape_cast %reshape3A_497 : vector<16x1xi32> to vector<16xi32>
      %gather3A_499 = tpu.dynamic_gather %get3A_17[%gather3A_498] in [0] : vector<16xf32>, vector<16xi32> -> vector<16xf32>
      %lt3A_500 = arith.constant 0 : i32
      %lt3A_501 = vector.broadcast %lt3A_500 : i32 to vector<16xi32>
      %lt3A_502 = arith.cmpi slt, %broadcast_in_dim3A_489, %lt3A_501 : vector<16xi32>
      %add3A_503 = arith.constant 16 : i32
      %add3A_504 = vector.broadcast %add3A_503 : i32 to vector<16xi32>
      %add3A_505 = arith.addi %broadcast_in_dim3A_489, %add3A_504 : vector<16xi32>
      %select_n3A_506 = arith.select %lt3A_502, %add3A_505, %broadcast_in_dim3A_489 : vector<16xi1>, vector<16xi32>
      %reshape3A_507 = vector.shape_cast %select_n3A_506 : vector<16xi32> to vector<16x1xi32>
      %gather3A_508 = vector.shape_cast %reshape3A_507 : vector<16x1xi32> to vector<16xi32>
      %gather3A_509 = tpu.dynamic_gather %get3A_21[%gather3A_508] in [0] : vector<16xf32>, vector<16xi32> -> vector<16xf32>
      %lt3A_510 = arith.constant 0 : i32
      %lt3A_511 = vector.broadcast %lt3A_510 : i32 to vector<16xi32>
      %lt3A_512 = arith.cmpi slt, %broadcast_in_dim3A_489, %lt3A_511 : vector<16xi32>
      %add3A_513 = arith.constant 16 : i32
      %add3A_514 = vector.broadcast %add3A_513 : i32 to vector<16xi32>
      %add3A_515 = arith.addi %broadcast_in_dim3A_489, %add3A_514 : vector<16xi32>
      %select_n3A_516 = arith.select %lt3A_512, %add3A_515, %broadcast_in_dim3A_489 : vector<16xi1>, vector<16xi32>
      %reshape3A_517 = vector.shape_cast %select_n3A_516 : vector<16xi32> to vector<16x1xi32>
      %gather3A_518 = vector.shape_cast %reshape3A_517 : vector<16x1xi32> to vector<16xi32>
      %gather3A_519 = tpu.dynamic_gather %get3A_25[%gather3A_518] in [0] : vector<16xf32>, vector<16xi32> -> vector<16xf32>
      %lt3A_520 = arith.constant 0 : i32
      %lt3A_521 = vector.broadcast %lt3A_520 : i32 to vector<16xi32>
      %lt3A_522 = arith.cmpi slt, %broadcast_in_dim3A_489, %lt3A_521 : vector<16xi32>
      %add3A_523 = arith.constant 16 : i32
      %add3A_524 = vector.broadcast %add3A_523 : i32 to vector<16xi32>
      %add3A_525 = arith.addi %broadcast_in_dim3A_489, %add3A_524 : vector<16xi32>
      %select_n3A_526 = arith.select %lt3A_522, %add3A_525, %broadcast_in_dim3A_489 : vector<16xi1>, vector<16xi32>
      %reshape3A_527 = vector.shape_cast %select_n3A_526 : vector<16xi32> to vector<16x1xi32>
      %gather3A_528 = vector.shape_cast %reshape3A_527 : vector<16x1xi32> to vector<16xi32>
      %gather3A_529 = tpu.dynamic_gather %get3A_29[%gather3A_528] in [0] : vector<16xf32>, vector<16xi32> -> vector<16xf32>
      %broadcast_in_dim3A_530 = arith.constant 0x7F800000 : f32
      %broadcast_in_dim3A_531 = vector.broadcast %broadcast_in_dim3A_530 : f32 to vector<16xf32>
      %broadcast_in_dim3A_532 = arith.constant 0x7F800000 : f32
      %broadcast_in_dim3A_533 = vector.broadcast %broadcast_in_dim3A_532 : f32 to vector<16xf32>
      %broadcast_in_dim3A_534 = arith.constant 0x7F800000 : f32
      %broadcast_in_dim3A_535 = vector.broadcast %broadcast_in_dim3A_534 : f32 to vector<16xf32>
      %broadcast_in_dim3A_536 = arith.constant 0x7F800000 : f32
      %broadcast_in_dim3A_537 = vector.broadcast %broadcast_in_dim3A_536 : f32 to vector<16xf32>
      %broadcast_in_dim3A_538 = arith.constant 0 : i32
      %broadcast_in_dim3A_539 = vector.broadcast %broadcast_in_dim3A_538 : i32 to vector<16xi32>
      %broadcast_in_dim3A_540 = arith.constant 0 : i32
      %broadcast_in_dim3A_541 = vector.broadcast %broadcast_in_dim3A_540 : i32 to vector<16xi32>
      %broadcast_in_dim3A_542 = arith.constant 0 : i32
      %broadcast_in_dim3A_543 = vector.broadcast %broadcast_in_dim3A_542 : i32 to vector<16xi32>
      %broadcast_in_dim3A_544 = arith.constant 0 : i32
      %broadcast_in_dim3A_545 = vector.broadcast %broadcast_in_dim3A_544 : i32 to vector<16xi32>
      %scan3A_546 = arith.constant 0 : i32
      %scan3A_547 = arith.constant 64 : i32
      %scan3A_548 = arith.addi %scan3A_546, %scan3A_547 : i32
      %scan3A_549 = arith.constant 1 : i32
      %scan3A_550:16 = scf.for %scan3A_1377 = %scan3A_546 to %scan3A_548 step %scan3A_549 iter_args(%scan3A_1378 = %broadcast_in_dim3A_531, %scan3A_1379 = %broadcast_in_dim3A_533, %scan3A_1380 = %broadcast_in_dim3A_535, %scan3A_1381 = %broadcast_in_dim3A_537, %scan3A_1382 = %broadcast_in_dim3A_539, %scan3A_1383 = %broadcast_in_dim3A_541, %scan3A_1384 = %broadcast_in_dim3A_543, %scan3A_1385 = %broadcast_in_dim3A_545, %scan3A_1386 = %broadcast_in_dim3A_531, %scan3A_1387 = %broadcast_in_dim3A_533, %scan3A_1388 = %broadcast_in_dim3A_535, %scan3A_1389 = %broadcast_in_dim3A_537, %scan3A_1390 = %broadcast_in_dim3A_539, %scan3A_1391 = %broadcast_in_dim3A_541, %scan3A_1392 = %broadcast_in_dim3A_543, %scan3A_1393 = %broadcast_in_dim3A_545) -> (vector<16xf32>, vector<16xf32>, vector<16xf32>, vector<16xf32>, vector<16xi32>, vector<16xi32>, vector<16xi32>, vector<16xi32>, vector<16xf32>, vector<16xf32>, vector<16xf32>, vector<16xf32>, vector<16xi32>, vector<16xi32>, vector<16xi32>, vector<16xi32>)  : i32 {
        %mul3A_1394 = arith.constant 2 : i32
        %mul3A_1395 = arith.muli %scan3A_1377, %mul3A_1394 : i32
        %add3A_1396 = arith.constant 1 : i32
        %add3A_1397 = arith.addi %mul3A_1395, %add3A_1396 : i32
        %mul3A_1398 = arith.constant 16 : i32
        %mul3A_1399 = arith.muli %mul3A_1395, %mul3A_1398 : i32
        %add3A_1400 = arith.constant 16 : i32
        %add3A_1401 = arith.addi %mul3A_1399, %add3A_1400 : i32
        %get3A_1402 = arith.constant 0 : i32
        %get3A_1403 = arith.index_cast %get3A_1402 : i32 to index
        %get3A_1404 = arith.index_cast %mul3A_1399 : i32 to index
        %get3A_1405 = tpu.vector_load %arg10[%get3A_1403, %get3A_1404] {strides = array<i32>} : memref<8x2048xf32, #tpu.memory_space<vmem>>, vector<16xf32>,
        %get3A_1406 = arith.constant 1 : i32
        %get3A_1407 = arith.index_cast %get3A_1406 : i32 to index
        %get3A_1408 = arith.index_cast %mul3A_1399 : i32 to index
        %get3A_1409 = tpu.vector_load %arg10[%get3A_1407, %get3A_1408] {strides = array<i32>} : memref<8x2048xf32, #tpu.memory_space<vmem>>, vector<16xf32>,
        %get3A_1410 = arith.constant 2 : i32
        %get3A_1411 = arith.index_cast %get3A_1410 : i32 to index
        %get3A_1412 = arith.index_cast %mul3A_1399 : i32 to index
        %get3A_1413 = tpu.vector_load %arg10[%get3A_1411, %get3A_1412] {strides = array<i32>} : memref<8x2048xf32, #tpu.memory_space<vmem>>, vector<16xf32>,
        %get3A_1414 = arith.constant 3 : i32
        %get3A_1415 = arith.index_cast %get3A_1414 : i32 to index
        %get3A_1416 = arith.index_cast %mul3A_1399 : i32 to index
        %get3A_1417 = tpu.vector_load %arg10[%get3A_1415, %get3A_1416] {strides = array<i32>} : memref<8x2048xf32, #tpu.memory_space<vmem>>, vector<16xf32>,
        %get3A_1418 = arith.constant 4 : i32
        %get3A_1419 = arith.index_cast %get3A_1418 : i32 to index
        %get3A_1420 = arith.index_cast %mul3A_1399 : i32 to index
        %get3A_1421 = tpu.vector_load %arg10[%get3A_1419, %get3A_1420] {strides = array<i32>} : memref<8x2048xf32, #tpu.memory_space<vmem>>, vector<16xf32>,
        %get3A_1422 = arith.constant 0 : i32
        %get3A_1423 = arith.index_cast %get3A_1422 : i32 to index
        %get3A_1424 = arith.index_cast %add3A_1401 : i32 to index
        %get3A_1425 = tpu.vector_load %arg10[%get3A_1423, %get3A_1424] {strides = array<i32>} : memref<8x2048xf32, #tpu.memory_space<vmem>>, vector<16xf32>,
        %get3A_1426 = arith.constant 1 : i32
        %get3A_1427 = arith.index_cast %get3A_1426 : i32 to index
        %get3A_1428 = arith.index_cast %add3A_1401 : i32 to index
        %get3A_1429 = tpu.vector_load %arg10[%get3A_1427, %get3A_1428] {strides = array<i32>} : memref<8x2048xf32, #tpu.memory_space<vmem>>, vector<16xf32>,
        %get3A_1430 = arith.constant 2 : i32
        %get3A_1431 = arith.index_cast %get3A_1430 : i32 to index
        %get3A_1432 = arith.index_cast %add3A_1401 : i32 to index
        %get3A_1433 = tpu.vector_load %arg10[%get3A_1431, %get3A_1432] {strides = array<i32>} : memref<8x2048xf32, #tpu.memory_space<vmem>>, vector<16xf32>,
        %get3A_1434 = arith.constant 3 : i32
        %get3A_1435 = arith.index_cast %get3A_1434 : i32 to index
        %get3A_1436 = arith.index_cast %add3A_1401 : i32 to index
        %get3A_1437 = tpu.vector_load %arg10[%get3A_1435, %get3A_1436] {strides = array<i32>} : memref<8x2048xf32, #tpu.memory_space<vmem>>, vector<16xf32>,
        %get3A_1438 = arith.constant 4 : i32
        %get3A_1439 = arith.index_cast %get3A_1438 : i32 to index
        %get3A_1440 = arith.index_cast %add3A_1401 : i32 to index
        %get3A_1441 = tpu.vector_load %arg10[%get3A_1439, %get3A_1440] {strides = array<i32>} : memref<8x2048xf32, #tpu.memory_space<vmem>>, vector<16xf32>,
        %broadcast_in_dim3A_1442 = vector.broadcast %mul3A_1395 : i32 to vector<16xi32>
        %broadcast_in_dim3A_1443 = vector.broadcast %add3A_1397 : i32 to vector<16xi32>
        %mul3A_1444 = arith.mulf %get3A_1405, %gather3A_373 : vector<16xf32>
        %mul3A_1445 = arith.mulf %get3A_1409, %gather3A_383 : vector<16xf32>
        %add3A_1446 = arith.addf %mul3A_1444, %mul3A_1445 : vector<16xf32>
        %mul3A_1447 = arith.mulf %get3A_1413, %gather3A_393 : vector<16xf32>
        %add3A_1448 = arith.addf %add3A_1446, %mul3A_1447 : vector<16xf32>
        %mul3A_1449 = arith.mulf %get3A_1417, %gather3A_403 : vector<16xf32>
        %add3A_1450 = arith.addf %add3A_1448, %mul3A_1449 : vector<16xf32>
        %sub3A = arith.subf %get3A_1421, %add3A_1450 : vector<16xf32>
        %lt3A_1451 = arith.cmpf olt, %sub3A, %scan3A_1378 : vector<16xf32>
        %select_n3A_1452 = arith.select %lt3A_1451, %sub3A, %scan3A_1378 : vector<16xi1>, vector<16xf32>
        %select_n3A_1453 = arith.select %lt3A_1451, %broadcast_in_dim3A_1442, %scan3A_1382 : vector<16xi1>, vector<16xi32>
        %mul3A_1454 = arith.mulf %get3A_1425, %gather3A_373 : vector<16xf32>
        %mul3A_1455 = arith.mulf %get3A_1429, %gather3A_383 : vector<16xf32>
        %add3A_1456 = arith.addf %mul3A_1454, %mul3A_1455 : vector<16xf32>
        %mul3A_1457 = arith.mulf %get3A_1433, %gather3A_393 : vector<16xf32>
        %add3A_1458 = arith.addf %add3A_1456, %mul3A_1457 : vector<16xf32>
        %mul3A_1459 = arith.mulf %get3A_1437, %gather3A_403 : vector<16xf32>
        %add3A_1460 = arith.addf %add3A_1458, %mul3A_1459 : vector<16xf32>
        %sub3A_1461 = arith.subf %get3A_1441, %add3A_1460 : vector<16xf32>
        %lt3A_1462 = arith.cmpf olt, %sub3A_1461, %scan3A_1386 : vector<16xf32>
        %select_n3A_1463 = arith.select %lt3A_1462, %sub3A_1461, %scan3A_1386 : vector<16xi1>, vector<16xf32>
        %select_n3A_1464 = arith.select %lt3A_1462, %broadcast_in_dim3A_1443, %scan3A_1390 : vector<16xi1>, vector<16xi32>
        %mul3A_1465 = arith.mulf %get3A_1405, %gather3A_415 : vector<16xf32>
        %mul3A_1466 = arith.mulf %get3A_1409, %gather3A_425 : vector<16xf32>
        %add3A_1467 = arith.addf %mul3A_1465, %mul3A_1466 : vector<16xf32>
        %mul3A_1468 = arith.mulf %get3A_1413, %gather3A_435 : vector<16xf32>
        %add3A_1469 = arith.addf %add3A_1467, %mul3A_1468 : vector<16xf32>
        %mul3A_1470 = arith.mulf %get3A_1417, %gather3A_445 : vector<16xf32>
        %add3A_1471 = arith.addf %add3A_1469, %mul3A_1470 : vector<16xf32>
        %sub3A_1472 = arith.subf %get3A_1421, %add3A_1471 : vector<16xf32>
        %lt3A_1473 = arith.cmpf olt, %sub3A_1472, %scan3A_1379 : vector<16xf32>
        %select_n3A_1474 = arith.select %lt3A_1473, %sub3A_1472, %scan3A_1379 : vector<16xi1>, vector<16xf32>
        %select_n3A_1475 = arith.select %lt3A_1473, %broadcast_in_dim3A_1442, %scan3A_1383 : vector<16xi1>, vector<16xi32>
        %mul3A_1476 = arith.mulf %get3A_1425, %gather3A_415 : vector<16xf32>
        %mul3A_1477 = arith.mulf %get3A_1429, %gather3A_425 : vector<16xf32>
        %add3A_1478 = arith.addf %mul3A_1476, %mul3A_1477 : vector<16xf32>
        %mul3A_1479 = arith.mulf %get3A_1433, %gather3A_435 : vector<16xf32>
        %add3A_1480 = arith.addf %add3A_1478, %mul3A_1479 : vector<16xf32>
        %mul3A_1481 = arith.mulf %get3A_1437, %gather3A_445 : vector<16xf32>
        %add3A_1482 = arith.addf %add3A_1480, %mul3A_1481 : vector<16xf32>
        %sub3A_1483 = arith.subf %get3A_1441, %add3A_1482 : vector<16xf32>
        %lt3A_1484 = arith.cmpf olt, %sub3A_1483, %scan3A_1387 : vector<16xf32>
        %select_n3A_1485 = arith.select %lt3A_1484, %sub3A_1483, %scan3A_1387 : vector<16xi1>, vector<16xf32>
        %select_n3A_1486 = arith.select %lt3A_1484, %broadcast_in_dim3A_1443, %scan3A_1391 : vector<16xi1>, vector<16xi32>
        %mul3A_1487 = arith.mulf %get3A_1405, %gather3A_457 : vector<16xf32>
        %mul3A_1488 = arith.mulf %get3A_1409, %gather3A_467 : vector<16xf32>
        %add3A_1489 = arith.addf %mul3A_1487, %mul3A_1488 : vector<16xf32>
        %mul3A_1490 = arith.mulf %get3A_1413, %gather3A_477 : vector<16xf32>
        %add3A_1491 = arith.addf %add3A_1489, %mul3A_1490 : vector<16xf32>
        %mul3A_1492 = arith.mulf %get3A_1417, %gather3A_487 : vector<16xf32>
        %add3A_1493 = arith.addf %add3A_1491, %mul3A_1492 : vector<16xf32>
        %sub3A_1494 = arith.subf %get3A_1421, %add3A_1493 : vector<16xf32>
        %lt3A_1495 = arith.cmpf olt, %sub3A_1494, %scan3A_1380 : vector<16xf32>
        %select_n3A_1496 = arith.select %lt3A_1495, %sub3A_1494, %scan3A_1380 : vector<16xi1>, vector<16xf32>
        %select_n3A_1497 = arith.select %lt3A_1495, %broadcast_in_dim3A_1442, %scan3A_1384 : vector<16xi1>, vector<16xi32>
        %mul3A_1498 = arith.mulf %get3A_1425, %gather3A_457 : vector<16xf32>
        %mul3A_1499 = arith.mulf %get3A_1429, %gather3A_467 : vector<16xf32>
        %add3A_1500 = arith.addf %mul3A_1498, %mul3A_1499 : vector<16xf32>
        %mul3A_1501 = arith.mulf %get3A_1433, %gather3A_477 : vector<16xf32>
        %add3A_1502 = arith.addf %add3A_1500, %mul3A_1501 : vector<16xf32>
        %mul3A_1503 = arith.mulf %get3A_1437, %gather3A_487 : vector<16xf32>
        %add3A_1504 = arith.addf %add3A_1502, %mul3A_1503 : vector<16xf32>
        %sub3A_1505 = arith.subf %get3A_1441, %add3A_1504 : vector<16xf32>
        %lt3A_1506 = arith.cmpf olt, %sub3A_1505, %scan3A_1388 : vector<16xf32>
        %select_n3A_1507 = arith.select %lt3A_1506, %sub3A_1505, %scan3A_1388 : vector<16xi1>, vector<16xf32>
        %select_n3A_1508 = arith.select %lt3A_1506, %broadcast_in_dim3A_1443, %scan3A_1392 : vector<16xi1>, vector<16xi32>
        %mul3A_1509 = arith.mulf %get3A_1405, %gather3A_499 : vector<16xf32>
        %mul3A_1510 = arith.mulf %get3A_1409, %gather3A_509 : vector<16xf32>
        %add3A_1511 = arith.addf %mul3A_1509, %mul3A_1510 : vector<16xf32>
        %mul3A_1512 = arith.mulf %get3A_1413, %gather3A_519 : vector<16xf32>
        %add3A_1513 = arith.addf %add3A_1511, %mul3A_1512 : vector<16xf32>
        %mul3A_1514 = arith.mulf %get3A_1417, %gather3A_529 : vector<16xf32>
        %add3A_1515 = arith.addf %add3A_1513, %mul3A_1514 : vector<16xf32>
        %sub3A_1516 = arith.subf %get3A_1421, %add3A_1515 : vector<16xf32>
        %lt3A_1517 = arith.cmpf olt, %sub3A_1516, %scan3A_1381 : vector<16xf32>
        %select_n3A_1518 = arith.select %lt3A_1517, %sub3A_1516, %scan3A_1381 : vector<16xi1>, vector<16xf32>
        %select_n3A_1519 = arith.select %lt3A_1517, %broadcast_in_dim3A_1442, %scan3A_1385 : vector<16xi1>, vector<16xi32>
        %mul3A_1520 = arith.mulf %get3A_1425, %gather3A_499 : vector<16xf32>
        %mul3A_1521 = arith.mulf %get3A_1429, %gather3A_509 : vector<16xf32>
        %add3A_1522 = arith.addf %mul3A_1520, %mul3A_1521 : vector<16xf32>
        %mul3A_1523 = arith.mulf %get3A_1433, %gather3A_519 : vector<16xf32>
        %add3A_1524 = arith.addf %add3A_1522, %mul3A_1523 : vector<16xf32>
        %mul3A_1525 = arith.mulf %get3A_1437, %gather3A_529 : vector<16xf32>
        %add3A_1526 = arith.addf %add3A_1524, %mul3A_1525 : vector<16xf32>
        %sub3A_1527 = arith.subf %get3A_1441, %add3A_1526 : vector<16xf32>
        %lt3A_1528 = arith.cmpf olt, %sub3A_1527, %scan3A_1389 : vector<16xf32>
        %select_n3A_1529 = arith.select %lt3A_1528, %sub3A_1527, %scan3A_1389 : vector<16xi1>, vector<16xf32>
        %select_n3A_1530 = arith.select %lt3A_1528, %broadcast_in_dim3A_1443, %scan3A_1393 : vector<16xi1>, vector<16xi32>
        scf.yield %select_n3A_1452, %select_n3A_1474, %select_n3A_1496, %select_n3A_1518, %select_n3A_1453, %select_n3A_1475, %select_n3A_1497, %select_n3A_1519, %select_n3A_1463, %select_n3A_1485, %select_n3A_1507, %select_n3A_1529, %select_n3A_1464, %select_n3A_1486, %select_n3A_1508, %select_n3A_1530 : vector<16xf32>, vector<16xf32>, vector<16xf32>, vector<16xf32>, vector<16xi32>, vector<16xi32>, vector<16xi32>, vector<16xi32>, vector<16xf32>, vector<16xf32>, vector<16xf32>, vector<16xf32>, vector<16xi32>, vector<16xi32>, vector<16xi32>, vector<16xi32>
      }
      %scan3A_551 = arith.constant 64 : i32
      %lt3A_552 = arith.cmpf olt, %scan3A_550#8, %scan3A_550#0 : vector<16xf32>
      %eq3A_553 = arith.cmpf oeq, %scan3A_550#8, %scan3A_550#0 : vector<16xf32>
      %select_n3A_554 = arith.select %lt3A_552, %scan3A_550#8, %scan3A_550#0 : vector<16xi1>, vector<16xf32>
      %select_n3A_555 = arith.select %lt3A_552, %scan3A_550#12, %scan3A_550#4 : vector<16xi1>, vector<16xi32>
      %min3A_556 = arith.minsi %scan3A_550#4, %scan3A_550#12 : vector<16xi32>
      %select_n3A_557 = arith.select %eq3A_553, %min3A_556, %select_n3A_555 : vector<16xi1>, vector<16xi32>
      %reduce_min3A_558 = arith.constant true
      %reduce_min3A_559 = vector.broadcast %reduce_min3A_558 : i1 to vector<16xi1>
      %reduce_min3A_560 = tpu.scan <min>, %select_n3A_554 masked %reduce_min3A_559 : vector<16xf32>, vector<16xi1> -> vector<16xf32>
      %reduce_min3A_561 = vector.extract %reduce_min3A_560[15] : f32 from vector<16xf32>
      %eq3A_562 = vector.broadcast %reduce_min3A_561 : f32 to vector<16xf32>
      %eq3A_563 = arith.cmpf oeq, %select_n3A_554, %eq3A_562 : vector<16xf32>
      %mul3A_564 = arith.constant 16 : i32
      %mul3A_565 = vector.broadcast %mul3A_564 : i32 to vector<16xi32>
      %mul3A_566 = arith.muli %select_n3A_557, %mul3A_565 : vector<16xi32>
      %add3A_567 = arith.addi %mul3A_566, %iota3A : vector<16xi32>
      %jit3A_568 = arith.constant 2048 : i32
      %broadcast_in_dim3A_569 = vector.broadcast %jit3A_568 : i32 to vector<16xi32>
      %select_n3A_570 = arith.select %eq3A_563, %add3A_567, %broadcast_in_dim3A_569 : vector<16xi1>, vector<16xi32>
      %reduce_min3A_571 = arith.constant true
      %reduce_min3A_572 = vector.broadcast %reduce_min3A_571 : i1 to vector<16xi1>
      %reduce_min3A_573 = arith.constant -2147483648 : i32
      %reduce_min3A_574 = vector.broadcast %reduce_min3A_573 : i32 to vector<16xi32>
      %reduce_min3A_575 = arith.xori %select_n3A_570, %reduce_min3A_574 : vector<16xi32>
      %reduce_min3A_576 = tpu.scan <min>, %reduce_min3A_575 masked %reduce_min3A_572 : vector<16xi32>, vector<16xi1> -> vector<16xi32>
      %reduce_min3A_577 = arith.xori %reduce_min3A_576, %reduce_min3A_574 : vector<16xi32>
      %reduce_min3A_578 = vector.extract %reduce_min3A_577[15] : i32 from vector<16xi32>
      %add3A_579 = arith.constant 4 : i32
      %add3A_580 = arith.addi %mul3A_14, %add3A_579 : i32
      %add3A_581 = arith.constant 0 : i32
      %add3A_582 = arith.addi %add3A_580, %add3A_581 : i32
      %broadcast_in_dim3A_583 = vector.broadcast %add3A_582 : i32 to vector<16xi32>
      %broadcast_in_dim3A_584 = vector.broadcast %reduce_min3A_578 : i32 to vector<16xi32>
      tpu.vector_store_idx %arg12[%broadcast_in_dim3A_583], %broadcast_in_dim3A_584 masked %eq3A_4 : memref<160xi32, #tpu.memory_space<vmem>>[vector<16xi32>], vector<16xi32>, vector<16xi1>
      %slice3A_585 = vector.extract_strided_slice %get3A_33 {offsets = [4], sizes = [1], strides = [1]} : vector<16xf32> to vector<1xf32>
      %squeeze3A_586 = vector.extract %slice3A_585[0] : f32 from vector<1xf32>
      %add3A_587 = arith.addf %reduce_min3A_561, %squeeze3A_586 : f32
      %broadcast_in_dim3A_588 = vector.broadcast %add3A_587 : f32 to vector<16xf32>
      tpu.vector_store_idx %arg13[%broadcast_in_dim3A_583], %broadcast_in_dim3A_588 masked %eq3A_4 : memref<160xf32, #tpu.memory_space<vmem>>[vector<16xi32>], vector<16xf32>, vector<16xi1>
      %lt3A_589 = arith.cmpf olt, %scan3A_550#9, %scan3A_550#1 : vector<16xf32>
      %eq3A_590 = arith.cmpf oeq, %scan3A_550#9, %scan3A_550#1 : vector<16xf32>
      %select_n3A_591 = arith.select %lt3A_589, %scan3A_550#9, %scan3A_550#1 : vector<16xi1>, vector<16xf32>
      %select_n3A_592 = arith.select %lt3A_589, %scan3A_550#13, %scan3A_550#5 : vector<16xi1>, vector<16xi32>
      %min3A_593 = arith.minsi %scan3A_550#5, %scan3A_550#13 : vector<16xi32>
      %select_n3A_594 = arith.select %eq3A_590, %min3A_593, %select_n3A_592 : vector<16xi1>, vector<16xi32>
      %reduce_min3A_595 = arith.constant true
      %reduce_min3A_596 = vector.broadcast %reduce_min3A_595 : i1 to vector<16xi1>
      %reduce_min3A_597 = tpu.scan <min>, %select_n3A_591 masked %reduce_min3A_596 : vector<16xf32>, vector<16xi1> -> vector<16xf32>
      %reduce_min3A_598 = vector.extract %reduce_min3A_597[15] : f32 from vector<16xf32>
      %eq3A_599 = vector.broadcast %reduce_min3A_598 : f32 to vector<16xf32>
      %eq3A_600 = arith.cmpf oeq, %select_n3A_591, %eq3A_599 : vector<16xf32>
      %mul3A_601 = arith.constant 16 : i32
      %mul3A_602 = vector.broadcast %mul3A_601 : i32 to vector<16xi32>
      %mul3A_603 = arith.muli %select_n3A_594, %mul3A_602 : vector<16xi32>
      %add3A_604 = arith.addi %mul3A_603, %iota3A : vector<16xi32>
      %jit3A_605 = arith.constant 2048 : i32
      %broadcast_in_dim3A_606 = vector.broadcast %jit3A_605 : i32 to vector<16xi32>
      %select_n3A_607 = arith.select %eq3A_600, %add3A_604, %broadcast_in_dim3A_606 : vector<16xi1>, vector<16xi32>
      %reduce_min3A_608 = arith.constant true
      %reduce_min3A_609 = vector.broadcast %reduce_min3A_608 : i1 to vector<16xi1>
      %reduce_min3A_610 = arith.constant -2147483648 : i32
      %reduce_min3A_611 = vector.broadcast %reduce_min3A_610 : i32 to vector<16xi32>
      %reduce_min3A_612 = arith.xori %select_n3A_607, %reduce_min3A_611 : vector<16xi32>
      %reduce_min3A_613 = tpu.scan <min>, %reduce_min3A_612 masked %reduce_min3A_609 : vector<16xi32>, vector<16xi1> -> vector<16xi32>
      %reduce_min3A_614 = arith.xori %reduce_min3A_613, %reduce_min3A_611 : vector<16xi32>
      %reduce_min3A_615 = vector.extract %reduce_min3A_614[15] : i32 from vector<16xi32>
      %add3A_616 = arith.constant 4 : i32
      %add3A_617 = arith.addi %mul3A_14, %add3A_616 : i32
      %add3A_618 = arith.constant 1 : i32
      %add3A_619 = arith.addi %add3A_617, %add3A_618 : i32
      %broadcast_in_dim3A_620 = vector.broadcast %add3A_619 : i32 to vector<16xi32>
      %broadcast_in_dim3A_621 = vector.broadcast %reduce_min3A_615 : i32 to vector<16xi32>
      tpu.vector_store_idx %arg12[%broadcast_in_dim3A_620], %broadcast_in_dim3A_621 masked %eq3A_4 : memref<160xi32, #tpu.memory_space<vmem>>[vector<16xi32>], vector<16xi32>, vector<16xi1>
      %slice3A_622 = vector.extract_strided_slice %get3A_33 {offsets = [5], sizes = [1], strides = [1]} : vector<16xf32> to vector<1xf32>
      %squeeze3A_623 = vector.extract %slice3A_622[0] : f32 from vector<1xf32>
      %add3A_624 = arith.addf %reduce_min3A_598, %squeeze3A_623 : f32
      %broadcast_in_dim3A_625 = vector.broadcast %add3A_624 : f32 to vector<16xf32>
      tpu.vector_store_idx %arg13[%broadcast_in_dim3A_620], %broadcast_in_dim3A_625 masked %eq3A_4 : memref<160xf32, #tpu.memory_space<vmem>>[vector<16xi32>], vector<16xf32>, vector<16xi1>
      %lt3A_626 = arith.cmpf olt, %scan3A_550#10, %scan3A_550#2 : vector<16xf32>
      %eq3A_627 = arith.cmpf oeq, %scan3A_550#10, %scan3A_550#2 : vector<16xf32>
      %select_n3A_628 = arith.select %lt3A_626, %scan3A_550#10, %scan3A_550#2 : vector<16xi1>, vector<16xf32>
      %select_n3A_629 = arith.select %lt3A_626, %scan3A_550#14, %scan3A_550#6 : vector<16xi1>, vector<16xi32>
      %min3A_630 = arith.minsi %scan3A_550#6, %scan3A_550#14 : vector<16xi32>
      %select_n3A_631 = arith.select %eq3A_627, %min3A_630, %select_n3A_629 : vector<16xi1>, vector<16xi32>
      %reduce_min3A_632 = arith.constant true
      %reduce_min3A_633 = vector.broadcast %reduce_min3A_632 : i1 to vector<16xi1>
      %reduce_min3A_634 = tpu.scan <min>, %select_n3A_628 masked %reduce_min3A_633 : vector<16xf32>, vector<16xi1> -> vector<16xf32>
      %reduce_min3A_635 = vector.extract %reduce_min3A_634[15] : f32 from vector<16xf32>
      %eq3A_636 = vector.broadcast %reduce_min3A_635 : f32 to vector<16xf32>
      %eq3A_637 = arith.cmpf oeq, %select_n3A_628, %eq3A_636 : vector<16xf32>
      %mul3A_638 = arith.constant 16 : i32
      %mul3A_639 = vector.broadcast %mul3A_638 : i32 to vector<16xi32>
      %mul3A_640 = arith.muli %select_n3A_631, %mul3A_639 : vector<16xi32>
      %add3A_641 = arith.addi %mul3A_640, %iota3A : vector<16xi32>
      %jit3A_642 = arith.constant 2048 : i32
      %broadcast_in_dim3A_643 = vector.broadcast %jit3A_642 : i32 to vector<16xi32>
      %select_n3A_644 = arith.select %eq3A_637, %add3A_641, %broadcast_in_dim3A_643 : vector<16xi1>, vector<16xi32>
      %reduce_min3A_645 = arith.constant true
      %reduce_min3A_646 = vector.broadcast %reduce_min3A_645 : i1 to vector<16xi1>
      %reduce_min3A_647 = arith.constant -2147483648 : i32
      %reduce_min3A_648 = vector.broadcast %reduce_min3A_647 : i32 to vector<16xi32>
      %reduce_min3A_649 = arith.xori %select_n3A_644, %reduce_min3A_648 : vector<16xi32>
      %reduce_min3A_650 = tpu.scan <min>, %reduce_min3A_649 masked %reduce_min3A_646 : vector<16xi32>, vector<16xi1> -> vector<16xi32>
      %reduce_min3A_651 = arith.xori %reduce_min3A_650, %reduce_min3A_648 : vector<16xi32>
      %reduce_min3A_652 = vector.extract %reduce_min3A_651[15] : i32 from vector<16xi32>
      %add3A_653 = arith.constant 4 : i32
      %add3A_654 = arith.addi %mul3A_14, %add3A_653 : i32
      %add3A_655 = arith.constant 2 : i32
      %add3A_656 = arith.addi %add3A_654, %add3A_655 : i32
      %broadcast_in_dim3A_657 = vector.broadcast %add3A_656 : i32 to vector<16xi32>
      %broadcast_in_dim3A_658 = vector.broadcast %reduce_min3A_652 : i32 to vector<16xi32>
      tpu.vector_store_idx %arg12[%broadcast_in_dim3A_657], %broadcast_in_dim3A_658 masked %eq3A_4 : memref<160xi32, #tpu.memory_space<vmem>>[vector<16xi32>], vector<16xi32>, vector<16xi1>
      %slice3A_659 = vector.extract_strided_slice %get3A_33 {offsets = [6], sizes = [1], strides = [1]} : vector<16xf32> to vector<1xf32>
      %squeeze3A_660 = vector.extract %slice3A_659[0] : f32 from vector<1xf32>
      %add3A_661 = arith.addf %reduce_min3A_635, %squeeze3A_660 : f32
      %broadcast_in_dim3A_662 = vector.broadcast %add3A_661 : f32 to vector<16xf32>
      tpu.vector_store_idx %arg13[%broadcast_in_dim3A_657], %broadcast_in_dim3A_662 masked %eq3A_4 : memref<160xf32, #tpu.memory_space<vmem>>[vector<16xi32>], vector<16xf32>, vector<16xi1>
      %lt3A_663 = arith.cmpf olt, %scan3A_550#11, %scan3A_550#3 : vector<16xf32>
      %eq3A_664 = arith.cmpf oeq, %scan3A_550#11, %scan3A_550#3 : vector<16xf32>
      %select_n3A_665 = arith.select %lt3A_663, %scan3A_550#11, %scan3A_550#3 : vector<16xi1>, vector<16xf32>
      %select_n3A_666 = arith.select %lt3A_663, %scan3A_550#15, %scan3A_550#7 : vector<16xi1>, vector<16xi32>
      %min3A_667 = arith.minsi %scan3A_550#7, %scan3A_550#15 : vector<16xi32>
      %select_n3A_668 = arith.select %eq3A_664, %min3A_667, %select_n3A_666 : vector<16xi1>, vector<16xi32>
      %reduce_min3A_669 = arith.constant true
      %reduce_min3A_670 = vector.broadcast %reduce_min3A_669 : i1 to vector<16xi1>
      %reduce_min3A_671 = tpu.scan <min>, %select_n3A_665 masked %reduce_min3A_670 : vector<16xf32>, vector<16xi1> -> vector<16xf32>
      %reduce_min3A_672 = vector.extract %reduce_min3A_671[15] : f32 from vector<16xf32>
      %eq3A_673 = vector.broadcast %reduce_min3A_672 : f32 to vector<16xf32>
      %eq3A_674 = arith.cmpf oeq, %select_n3A_665, %eq3A_673 : vector<16xf32>
      %mul3A_675 = arith.constant 16 : i32
      %mul3A_676 = vector.broadcast %mul3A_675 : i32 to vector<16xi32>
      %mul3A_677 = arith.muli %select_n3A_668, %mul3A_676 : vector<16xi32>
      %add3A_678 = arith.addi %mul3A_677, %iota3A : vector<16xi32>
      %jit3A_679 = arith.constant 2048 : i32
      %broadcast_in_dim3A_680 = vector.broadcast %jit3A_679 : i32 to vector<16xi32>
      %select_n3A_681 = arith.select %eq3A_674, %add3A_678, %broadcast_in_dim3A_680 : vector<16xi1>, vector<16xi32>
      %reduce_min3A_682 = arith.constant true
      %reduce_min3A_683 = vector.broadcast %reduce_min3A_682 : i1 to vector<16xi1>
      %reduce_min3A_684 = arith.constant -2147483648 : i32
      %reduce_min3A_685 = vector.broadcast %reduce_min3A_684 : i32 to vector<16xi32>
      %reduce_min3A_686 = arith.xori %select_n3A_681, %reduce_min3A_685 : vector<16xi32>
      %reduce_min3A_687 = tpu.scan <min>, %reduce_min3A_686 masked %reduce_min3A_683 : vector<16xi32>, vector<16xi1> -> vector<16xi32>
      %reduce_min3A_688 = arith.xori %reduce_min3A_687, %reduce_min3A_685 : vector<16xi32>
      %reduce_min3A_689 = vector.extract %reduce_min3A_688[15] : i32 from vector<16xi32>
      %add3A_690 = arith.constant 4 : i32
      %add3A_691 = arith.addi %mul3A_14, %add3A_690 : i32
      %add3A_692 = arith.constant 3 : i32
      %add3A_693 = arith.addi %add3A_691, %add3A_692 : i32
      %broadcast_in_dim3A_694 = vector.broadcast %add3A_693 : i32 to vector<16xi32>
      %broadcast_in_dim3A_695 = vector.broadcast %reduce_min3A_689 : i32 to vector<16xi32>
      tpu.vector_store_idx %arg12[%broadcast_in_dim3A_694], %broadcast_in_dim3A_695 masked %eq3A_4 : memref<160xi32, #tpu.memory_space<vmem>>[vector<16xi32>], vector<16xi32>, vector<16xi1>
      %slice3A_696 = vector.extract_strided_slice %get3A_33 {offsets = [7], sizes = [1], strides = [1]} : vector<16xf32> to vector<1xf32>
      %squeeze3A_697 = vector.extract %slice3A_696[0] : f32 from vector<1xf32>
      %add3A_698 = arith.addf %reduce_min3A_672, %squeeze3A_697 : f32
      %broadcast_in_dim3A_699 = vector.broadcast %add3A_698 : f32 to vector<16xf32>
      tpu.vector_store_idx %arg13[%broadcast_in_dim3A_694], %broadcast_in_dim3A_699 masked %eq3A_4 : memref<160xf32, #tpu.memory_space<vmem>>[vector<16xi32>], vector<16xf32>, vector<16xi1>
      %broadcast_in_dim3A_700 = arith.constant 8 : i32
      %broadcast_in_dim3A_701 = vector.broadcast %broadcast_in_dim3A_700 : i32 to vector<16xi32>
      %lt3A_702 = arith.constant 0 : i32
      %lt3A_703 = vector.broadcast %lt3A_702 : i32 to vector<16xi32>
      %lt3A_704 = arith.cmpi slt, %broadcast_in_dim3A_701, %lt3A_703 : vector<16xi32>
      %add3A_705 = arith.constant 16 : i32
      %add3A_706 = vector.broadcast %add3A_705 : i32 to vector<16xi32>
      %add3A_707 = arith.addi %broadcast_in_dim3A_701, %add3A_706 : vector<16xi32>
      %select_n3A_708 = arith.select %lt3A_704, %add3A_707, %broadcast_in_dim3A_701 : vector<16xi1>, vector<16xi32>
      %reshape3A_709 = vector.shape_cast %select_n3A_708 : vector<16xi32> to vector<16x1xi32>
      %gather3A_710 = vector.shape_cast %reshape3A_709 : vector<16x1xi32> to vector<16xi32>
      %gather3A_711 = tpu.dynamic_gather %get3A_17[%gather3A_710] in [0] : vector<16xf32>, vector<16xi32> -> vector<16xf32>
      %lt3A_712 = arith.constant 0 : i32
      %lt3A_713 = vector.broadcast %lt3A_712 : i32 to vector<16xi32>
      %lt3A_714 = arith.cmpi slt, %broadcast_in_dim3A_701, %lt3A_713 : vector<16xi32>
      %add3A_715 = arith.constant 16 : i32
      %add3A_716 = vector.broadcast %add3A_715 : i32 to vector<16xi32>
      %add3A_717 = arith.addi %broadcast_in_dim3A_701, %add3A_716 : vector<16xi32>
      %select_n3A_718 = arith.select %lt3A_714, %add3A_717, %broadcast_in_dim3A_701 : vector<16xi1>, vector<16xi32>
      %reshape3A_719 = vector.shape_cast %select_n3A_718 : vector<16xi32> to vector<16x1xi32>
      %gather3A_720 = vector.shape_cast %reshape3A_719 : vector<16x1xi32> to vector<16xi32>
      %gather3A_721 = tpu.dynamic_gather %get3A_21[%gather3A_720] in [0] : vector<16xf32>, vector<16xi32> -> vector<16xf32>
      %lt3A_722 = arith.constant 0 : i32
      %lt3A_723 = vector.broadcast %lt3A_722 : i32 to vector<16xi32>
      %lt3A_724 = arith.cmpi slt, %broadcast_in_dim3A_701, %lt3A_723 : vector<16xi32>
      %add3A_725 = arith.constant 16 : i32
      %add3A_726 = vector.broadcast %add3A_725 : i32 to vector<16xi32>
      %add3A_727 = arith.addi %broadcast_in_dim3A_701, %add3A_726 : vector<16xi32>
      %select_n3A_728 = arith.select %lt3A_724, %add3A_727, %broadcast_in_dim3A_701 : vector<16xi1>, vector<16xi32>
      %reshape3A_729 = vector.shape_cast %select_n3A_728 : vector<16xi32> to vector<16x1xi32>
      %gather3A_730 = vector.shape_cast %reshape3A_729 : vector<16x1xi32> to vector<16xi32>
      %gather3A_731 = tpu.dynamic_gather %get3A_25[%gather3A_730] in [0] : vector<16xf32>, vector<16xi32> -> vector<16xf32>
      %lt3A_732 = arith.constant 0 : i32
      %lt3A_733 = vector.broadcast %lt3A_732 : i32 to vector<16xi32>
      %lt3A_734 = arith.cmpi slt, %broadcast_in_dim3A_701, %lt3A_733 : vector<16xi32>
      %add3A_735 = arith.constant 16 : i32
      %add3A_736 = vector.broadcast %add3A_735 : i32 to vector<16xi32>
      %add3A_737 = arith.addi %broadcast_in_dim3A_701, %add3A_736 : vector<16xi32>
      %select_n3A_738 = arith.select %lt3A_734, %add3A_737, %broadcast_in_dim3A_701 : vector<16xi1>, vector<16xi32>
      %reshape3A_739 = vector.shape_cast %select_n3A_738 : vector<16xi32> to vector<16x1xi32>
      %gather3A_740 = vector.shape_cast %reshape3A_739 : vector<16x1xi32> to vector<16xi32>
      %gather3A_741 = tpu.dynamic_gather %get3A_29[%gather3A_740] in [0] : vector<16xf32>, vector<16xi32> -> vector<16xf32>
      %broadcast_in_dim3A_742 = arith.constant 9 : i32
      %broadcast_in_dim3A_743 = vector.broadcast %broadcast_in_dim3A_742 : i32 to vector<16xi32>
      %lt3A_744 = arith.constant 0 : i32
      %lt3A_745 = vector.broadcast %lt3A_744 : i32 to vector<16xi32>
      %lt3A_746 = arith.cmpi slt, %broadcast_in_dim3A_743, %lt3A_745 : vector<16xi32>
      %add3A_747 = arith.constant 16 : i32
      %add3A_748 = vector.broadcast %add3A_747 : i32 to vector<16xi32>
      %add3A_749 = arith.addi %broadcast_in_dim3A_743, %add3A_748 : vector<16xi32>
      %select_n3A_750 = arith.select %lt3A_746, %add3A_749, %broadcast_in_dim3A_743 : vector<16xi1>, vector<16xi32>
      %reshape3A_751 = vector.shape_cast %select_n3A_750 : vector<16xi32> to vector<16x1xi32>
      %gather3A_752 = vector.shape_cast %reshape3A_751 : vector<16x1xi32> to vector<16xi32>
      %gather3A_753 = tpu.dynamic_gather %get3A_17[%gather3A_752] in [0] : vector<16xf32>, vector<16xi32> -> vector<16xf32>
      %lt3A_754 = arith.constant 0 : i32
      %lt3A_755 = vector.broadcast %lt3A_754 : i32 to vector<16xi32>
      %lt3A_756 = arith.cmpi slt, %broadcast_in_dim3A_743, %lt3A_755 : vector<16xi32>
      %add3A_757 = arith.constant 16 : i32
      %add3A_758 = vector.broadcast %add3A_757 : i32 to vector<16xi32>
      %add3A_759 = arith.addi %broadcast_in_dim3A_743, %add3A_758 : vector<16xi32>
      %select_n3A_760 = arith.select %lt3A_756, %add3A_759, %broadcast_in_dim3A_743 : vector<16xi1>, vector<16xi32>
      %reshape3A_761 = vector.shape_cast %select_n3A_760 : vector<16xi32> to vector<16x1xi32>
      %gather3A_762 = vector.shape_cast %reshape3A_761 : vector<16x1xi32> to vector<16xi32>
      %gather3A_763 = tpu.dynamic_gather %get3A_21[%gather3A_762] in [0] : vector<16xf32>, vector<16xi32> -> vector<16xf32>
      %lt3A_764 = arith.constant 0 : i32
      %lt3A_765 = vector.broadcast %lt3A_764 : i32 to vector<16xi32>
      %lt3A_766 = arith.cmpi slt, %broadcast_in_dim3A_743, %lt3A_765 : vector<16xi32>
      %add3A_767 = arith.constant 16 : i32
      %add3A_768 = vector.broadcast %add3A_767 : i32 to vector<16xi32>
      %add3A_769 = arith.addi %broadcast_in_dim3A_743, %add3A_768 : vector<16xi32>
      %select_n3A_770 = arith.select %lt3A_766, %add3A_769, %broadcast_in_dim3A_743 : vector<16xi1>, vector<16xi32>
      %reshape3A_771 = vector.shape_cast %select_n3A_770 : vector<16xi32> to vector<16x1xi32>
      %gather3A_772 = vector.shape_cast %reshape3A_771 : vector<16x1xi32> to vector<16xi32>
      %gather3A_773 = tpu.dynamic_gather %get3A_25[%gather3A_772] in [0] : vector<16xf32>, vector<16xi32> -> vector<16xf32>
      %lt3A_774 = arith.constant 0 : i32
      %lt3A_775 = vector.broadcast %lt3A_774 : i32 to vector<16xi32>
      %lt3A_776 = arith.cmpi slt, %broadcast_in_dim3A_743, %lt3A_775 : vector<16xi32>
      %add3A_777 = arith.constant 16 : i32
      %add3A_778 = vector.broadcast %add3A_777 : i32 to vector<16xi32>
      %add3A_779 = arith.addi %broadcast_in_dim3A_743, %add3A_778 : vector<16xi32>
      %select_n3A_780 = arith.select %lt3A_776, %add3A_779, %broadcast_in_dim3A_743 : vector<16xi1>, vector<16xi32>
      %reshape3A_781 = vector.shape_cast %select_n3A_780 : vector<16xi32> to vector<16x1xi32>
      %gather3A_782 = vector.shape_cast %reshape3A_781 : vector<16x1xi32> to vector<16xi32>
      %gather3A_783 = tpu.dynamic_gather %get3A_29[%gather3A_782] in [0] : vector<16xf32>, vector<16xi32> -> vector<16xf32>
      %broadcast_in_dim3A_784 = arith.constant 10 : i32
      %broadcast_in_dim3A_785 = vector.broadcast %broadcast_in_dim3A_784 : i32 to vector<16xi32>
      %lt3A_786 = arith.constant 0 : i32
      %lt3A_787 = vector.broadcast %lt3A_786 : i32 to vector<16xi32>
      %lt3A_788 = arith.cmpi slt, %broadcast_in_dim3A_785, %lt3A_787 : vector<16xi32>
      %add3A_789 = arith.constant 16 : i32
      %add3A_790 = vector.broadcast %add3A_789 : i32 to vector<16xi32>
      %add3A_791 = arith.addi %broadcast_in_dim3A_785, %add3A_790 : vector<16xi32>
      %select_n3A_792 = arith.select %lt3A_788, %add3A_791, %broadcast_in_dim3A_785 : vector<16xi1>, vector<16xi32>
      %reshape3A_793 = vector.shape_cast %select_n3A_792 : vector<16xi32> to vector<16x1xi32>
      %gather3A_794 = vector.shape_cast %reshape3A_793 : vector<16x1xi32> to vector<16xi32>
      %gather3A_795 = tpu.dynamic_gather %get3A_17[%gather3A_794] in [0] : vector<16xf32>, vector<16xi32> -> vector<16xf32>
      %lt3A_796 = arith.constant 0 : i32
      %lt3A_797 = vector.broadcast %lt3A_796 : i32 to vector<16xi32>
      %lt3A_798 = arith.cmpi slt, %broadcast_in_dim3A_785, %lt3A_797 : vector<16xi32>
      %add3A_799 = arith.constant 16 : i32
      %add3A_800 = vector.broadcast %add3A_799 : i32 to vector<16xi32>
      %add3A_801 = arith.addi %broadcast_in_dim3A_785, %add3A_800 : vector<16xi32>
      %select_n3A_802 = arith.select %lt3A_798, %add3A_801, %broadcast_in_dim3A_785 : vector<16xi1>, vector<16xi32>
      %reshape3A_803 = vector.shape_cast %select_n3A_802 : vector<16xi32> to vector<16x1xi32>
      %gather3A_804 = vector.shape_cast %reshape3A_803 : vector<16x1xi32> to vector<16xi32>
      %gather3A_805 = tpu.dynamic_gather %get3A_21[%gather3A_804] in [0] : vector<16xf32>, vector<16xi32> -> vector<16xf32>
      %lt3A_806 = arith.constant 0 : i32
      %lt3A_807 = vector.broadcast %lt3A_806 : i32 to vector<16xi32>
      %lt3A_808 = arith.cmpi slt, %broadcast_in_dim3A_785, %lt3A_807 : vector<16xi32>
      %add3A_809 = arith.constant 16 : i32
      %add3A_810 = vector.broadcast %add3A_809 : i32 to vector<16xi32>
      %add3A_811 = arith.addi %broadcast_in_dim3A_785, %add3A_810 : vector<16xi32>
      %select_n3A_812 = arith.select %lt3A_808, %add3A_811, %broadcast_in_dim3A_785 : vector<16xi1>, vector<16xi32>
      %reshape3A_813 = vector.shape_cast %select_n3A_812 : vector<16xi32> to vector<16x1xi32>
      %gather3A_814 = vector.shape_cast %reshape3A_813 : vector<16x1xi32> to vector<16xi32>
      %gather3A_815 = tpu.dynamic_gather %get3A_25[%gather3A_814] in [0] : vector<16xf32>, vector<16xi32> -> vector<16xf32>
      %lt3A_816 = arith.constant 0 : i32
      %lt3A_817 = vector.broadcast %lt3A_816 : i32 to vector<16xi32>
      %lt3A_818 = arith.cmpi slt, %broadcast_in_dim3A_785, %lt3A_817 : vector<16xi32>
      %add3A_819 = arith.constant 16 : i32
      %add3A_820 = vector.broadcast %add3A_819 : i32 to vector<16xi32>
      %add3A_821 = arith.addi %broadcast_in_dim3A_785, %add3A_820 : vector<16xi32>
      %select_n3A_822 = arith.select %lt3A_818, %add3A_821, %broadcast_in_dim3A_785 : vector<16xi1>, vector<16xi32>
      %reshape3A_823 = vector.shape_cast %select_n3A_822 : vector<16xi32> to vector<16x1xi32>
      %gather3A_824 = vector.shape_cast %reshape3A_823 : vector<16x1xi32> to vector<16xi32>
      %gather3A_825 = tpu.dynamic_gather %get3A_29[%gather3A_824] in [0] : vector<16xf32>, vector<16xi32> -> vector<16xf32>
      %broadcast_in_dim3A_826 = arith.constant 11 : i32
      %broadcast_in_dim3A_827 = vector.broadcast %broadcast_in_dim3A_826 : i32 to vector<16xi32>
      %lt3A_828 = arith.constant 0 : i32
      %lt3A_829 = vector.broadcast %lt3A_828 : i32 to vector<16xi32>
      %lt3A_830 = arith.cmpi slt, %broadcast_in_dim3A_827, %lt3A_829 : vector<16xi32>
      %add3A_831 = arith.constant 16 : i32
      %add3A_832 = vector.broadcast %add3A_831 : i32 to vector<16xi32>
      %add3A_833 = arith.addi %broadcast_in_dim3A_827, %add3A_832 : vector<16xi32>
      %select_n3A_834 = arith.select %lt3A_830, %add3A_833, %broadcast_in_dim3A_827 : vector<16xi1>, vector<16xi32>
      %reshape3A_835 = vector.shape_cast %select_n3A_834 : vector<16xi32> to vector<16x1xi32>
      %gather3A_836 = vector.shape_cast %reshape3A_835 : vector<16x1xi32> to vector<16xi32>
      %gather3A_837 = tpu.dynamic_gather %get3A_17[%gather3A_836] in [0] : vector<16xf32>, vector<16xi32> -> vector<16xf32>
      %lt3A_838 = arith.constant 0 : i32
      %lt3A_839 = vector.broadcast %lt3A_838 : i32 to vector<16xi32>
      %lt3A_840 = arith.cmpi slt, %broadcast_in_dim3A_827, %lt3A_839 : vector<16xi32>
      %add3A_841 = arith.constant 16 : i32
      %add3A_842 = vector.broadcast %add3A_841 : i32 to vector<16xi32>
      %add3A_843 = arith.addi %broadcast_in_dim3A_827, %add3A_842 : vector<16xi32>
      %select_n3A_844 = arith.select %lt3A_840, %add3A_843, %broadcast_in_dim3A_827 : vector<16xi1>, vector<16xi32>
      %reshape3A_845 = vector.shape_cast %select_n3A_844 : vector<16xi32> to vector<16x1xi32>
      %gather3A_846 = vector.shape_cast %reshape3A_845 : vector<16x1xi32> to vector<16xi32>
      %gather3A_847 = tpu.dynamic_gather %get3A_21[%gather3A_846] in [0] : vector<16xf32>, vector<16xi32> -> vector<16xf32>
      %lt3A_848 = arith.constant 0 : i32
      %lt3A_849 = vector.broadcast %lt3A_848 : i32 to vector<16xi32>
      %lt3A_850 = arith.cmpi slt, %broadcast_in_dim3A_827, %lt3A_849 : vector<16xi32>
      %add3A_851 = arith.constant 16 : i32
      %add3A_852 = vector.broadcast %add3A_851 : i32 to vector<16xi32>
      %add3A_853 = arith.addi %broadcast_in_dim3A_827, %add3A_852 : vector<16xi32>
      %select_n3A_854 = arith.select %lt3A_850, %add3A_853, %broadcast_in_dim3A_827 : vector<16xi1>, vector<16xi32>
      %reshape3A_855 = vector.shape_cast %select_n3A_854 : vector<16xi32> to vector<16x1xi32>
      %gather3A_856 = vector.shape_cast %reshape3A_855 : vector<16x1xi32> to vector<16xi32>
      %gather3A_857 = tpu.dynamic_gather %get3A_25[%gather3A_856] in [0] : vector<16xf32>, vector<16xi32> -> vector<16xf32>
      %lt3A_858 = arith.constant 0 : i32
      %lt3A_859 = vector.broadcast %lt3A_858 : i32 to vector<16xi32>
      %lt3A_860 = arith.cmpi slt, %broadcast_in_dim3A_827, %lt3A_859 : vector<16xi32>
      %add3A_861 = arith.constant 16 : i32
      %add3A_862 = vector.broadcast %add3A_861 : i32 to vector<16xi32>
      %add3A_863 = arith.addi %broadcast_in_dim3A_827, %add3A_862 : vector<16xi32>
      %select_n3A_864 = arith.select %lt3A_860, %add3A_863, %broadcast_in_dim3A_827 : vector<16xi1>, vector<16xi32>
      %reshape3A_865 = vector.shape_cast %select_n3A_864 : vector<16xi32> to vector<16x1xi32>
      %gather3A_866 = vector.shape_cast %reshape3A_865 : vector<16x1xi32> to vector<16xi32>
      %gather3A_867 = tpu.dynamic_gather %get3A_29[%gather3A_866] in [0] : vector<16xf32>, vector<16xi32> -> vector<16xf32>
      %broadcast_in_dim3A_868 = arith.constant 0x7F800000 : f32
      %broadcast_in_dim3A_869 = vector.broadcast %broadcast_in_dim3A_868 : f32 to vector<16xf32>
      %broadcast_in_dim3A_870 = arith.constant 0x7F800000 : f32
      %broadcast_in_dim3A_871 = vector.broadcast %broadcast_in_dim3A_870 : f32 to vector<16xf32>
      %broadcast_in_dim3A_872 = arith.constant 0x7F800000 : f32
      %broadcast_in_dim3A_873 = vector.broadcast %broadcast_in_dim3A_872 : f32 to vector<16xf32>
      %broadcast_in_dim3A_874 = arith.constant 0x7F800000 : f32
      %broadcast_in_dim3A_875 = vector.broadcast %broadcast_in_dim3A_874 : f32 to vector<16xf32>
      %broadcast_in_dim3A_876 = arith.constant 0 : i32
      %broadcast_in_dim3A_877 = vector.broadcast %broadcast_in_dim3A_876 : i32 to vector<16xi32>
      %broadcast_in_dim3A_878 = arith.constant 0 : i32
      %broadcast_in_dim3A_879 = vector.broadcast %broadcast_in_dim3A_878 : i32 to vector<16xi32>
      %broadcast_in_dim3A_880 = arith.constant 0 : i32
      %broadcast_in_dim3A_881 = vector.broadcast %broadcast_in_dim3A_880 : i32 to vector<16xi32>
      %broadcast_in_dim3A_882 = arith.constant 0 : i32
      %broadcast_in_dim3A_883 = vector.broadcast %broadcast_in_dim3A_882 : i32 to vector<16xi32>
      %scan3A_884 = arith.constant 0 : i32
      %scan3A_885 = arith.constant 64 : i32
      %scan3A_886 = arith.addi %scan3A_884, %scan3A_885 : i32
      %scan3A_887 = arith.constant 1 : i32
      %scan3A_888:16 = scf.for %scan3A_1377 = %scan3A_884 to %scan3A_886 step %scan3A_887 iter_args(%scan3A_1378 = %broadcast_in_dim3A_869, %scan3A_1379 = %broadcast_in_dim3A_871, %scan3A_1380 = %broadcast_in_dim3A_873, %scan3A_1381 = %broadcast_in_dim3A_875, %scan3A_1382 = %broadcast_in_dim3A_877, %scan3A_1383 = %broadcast_in_dim3A_879, %scan3A_1384 = %broadcast_in_dim3A_881, %scan3A_1385 = %broadcast_in_dim3A_883, %scan3A_1386 = %broadcast_in_dim3A_869, %scan3A_1387 = %broadcast_in_dim3A_871, %scan3A_1388 = %broadcast_in_dim3A_873, %scan3A_1389 = %broadcast_in_dim3A_875, %scan3A_1390 = %broadcast_in_dim3A_877, %scan3A_1391 = %broadcast_in_dim3A_879, %scan3A_1392 = %broadcast_in_dim3A_881, %scan3A_1393 = %broadcast_in_dim3A_883) -> (vector<16xf32>, vector<16xf32>, vector<16xf32>, vector<16xf32>, vector<16xi32>, vector<16xi32>, vector<16xi32>, vector<16xi32>, vector<16xf32>, vector<16xf32>, vector<16xf32>, vector<16xf32>, vector<16xi32>, vector<16xi32>, vector<16xi32>, vector<16xi32>)  : i32 {
        %mul3A_1394 = arith.constant 2 : i32
        %mul3A_1395 = arith.muli %scan3A_1377, %mul3A_1394 : i32
        %add3A_1396 = arith.constant 1 : i32
        %add3A_1397 = arith.addi %mul3A_1395, %add3A_1396 : i32
        %mul3A_1398 = arith.constant 16 : i32
        %mul3A_1399 = arith.muli %mul3A_1395, %mul3A_1398 : i32
        %add3A_1400 = arith.constant 16 : i32
        %add3A_1401 = arith.addi %mul3A_1399, %add3A_1400 : i32
        %get3A_1402 = arith.constant 0 : i32
        %get3A_1403 = arith.index_cast %get3A_1402 : i32 to index
        %get3A_1404 = arith.index_cast %mul3A_1399 : i32 to index
        %get3A_1405 = tpu.vector_load %arg10[%get3A_1403, %get3A_1404] {strides = array<i32>} : memref<8x2048xf32, #tpu.memory_space<vmem>>, vector<16xf32>,
        %get3A_1406 = arith.constant 1 : i32
        %get3A_1407 = arith.index_cast %get3A_1406 : i32 to index
        %get3A_1408 = arith.index_cast %mul3A_1399 : i32 to index
        %get3A_1409 = tpu.vector_load %arg10[%get3A_1407, %get3A_1408] {strides = array<i32>} : memref<8x2048xf32, #tpu.memory_space<vmem>>, vector<16xf32>,
        %get3A_1410 = arith.constant 2 : i32
        %get3A_1411 = arith.index_cast %get3A_1410 : i32 to index
        %get3A_1412 = arith.index_cast %mul3A_1399 : i32 to index
        %get3A_1413 = tpu.vector_load %arg10[%get3A_1411, %get3A_1412] {strides = array<i32>} : memref<8x2048xf32, #tpu.memory_space<vmem>>, vector<16xf32>,
        %get3A_1414 = arith.constant 3 : i32
        %get3A_1415 = arith.index_cast %get3A_1414 : i32 to index
        %get3A_1416 = arith.index_cast %mul3A_1399 : i32 to index
        %get3A_1417 = tpu.vector_load %arg10[%get3A_1415, %get3A_1416] {strides = array<i32>} : memref<8x2048xf32, #tpu.memory_space<vmem>>, vector<16xf32>,
        %get3A_1418 = arith.constant 4 : i32
        %get3A_1419 = arith.index_cast %get3A_1418 : i32 to index
        %get3A_1420 = arith.index_cast %mul3A_1399 : i32 to index
        %get3A_1421 = tpu.vector_load %arg10[%get3A_1419, %get3A_1420] {strides = array<i32>} : memref<8x2048xf32, #tpu.memory_space<vmem>>, vector<16xf32>,
        %get3A_1422 = arith.constant 0 : i32
        %get3A_1423 = arith.index_cast %get3A_1422 : i32 to index
        %get3A_1424 = arith.index_cast %add3A_1401 : i32 to index
        %get3A_1425 = tpu.vector_load %arg10[%get3A_1423, %get3A_1424] {strides = array<i32>} : memref<8x2048xf32, #tpu.memory_space<vmem>>, vector<16xf32>,
        %get3A_1426 = arith.constant 1 : i32
        %get3A_1427 = arith.index_cast %get3A_1426 : i32 to index
        %get3A_1428 = arith.index_cast %add3A_1401 : i32 to index
        %get3A_1429 = tpu.vector_load %arg10[%get3A_1427, %get3A_1428] {strides = array<i32>} : memref<8x2048xf32, #tpu.memory_space<vmem>>, vector<16xf32>,
        %get3A_1430 = arith.constant 2 : i32
        %get3A_1431 = arith.index_cast %get3A_1430 : i32 to index
        %get3A_1432 = arith.index_cast %add3A_1401 : i32 to index
        %get3A_1433 = tpu.vector_load %arg10[%get3A_1431, %get3A_1432] {strides = array<i32>} : memref<8x2048xf32, #tpu.memory_space<vmem>>, vector<16xf32>,
        %get3A_1434 = arith.constant 3 : i32
        %get3A_1435 = arith.index_cast %get3A_1434 : i32 to index
        %get3A_1436 = arith.index_cast %add3A_1401 : i32 to index
        %get3A_1437 = tpu.vector_load %arg10[%get3A_1435, %get3A_1436] {strides = array<i32>} : memref<8x2048xf32, #tpu.memory_space<vmem>>, vector<16xf32>,
        %get3A_1438 = arith.constant 4 : i32
        %get3A_1439 = arith.index_cast %get3A_1438 : i32 to index
        %get3A_1440 = arith.index_cast %add3A_1401 : i32 to index
        %get3A_1441 = tpu.vector_load %arg10[%get3A_1439, %get3A_1440] {strides = array<i32>} : memref<8x2048xf32, #tpu.memory_space<vmem>>, vector<16xf32>,
        %broadcast_in_dim3A_1442 = vector.broadcast %mul3A_1395 : i32 to vector<16xi32>
        %broadcast_in_dim3A_1443 = vector.broadcast %add3A_1397 : i32 to vector<16xi32>
        %mul3A_1444 = arith.mulf %get3A_1405, %gather3A_711 : vector<16xf32>
        %mul3A_1445 = arith.mulf %get3A_1409, %gather3A_721 : vector<16xf32>
        %add3A_1446 = arith.addf %mul3A_1444, %mul3A_1445 : vector<16xf32>
        %mul3A_1447 = arith.mulf %get3A_1413, %gather3A_731 : vector<16xf32>
        %add3A_1448 = arith.addf %add3A_1446, %mul3A_1447 : vector<16xf32>
        %mul3A_1449 = arith.mulf %get3A_1417, %gather3A_741 : vector<16xf32>
        %add3A_1450 = arith.addf %add3A_1448, %mul3A_1449 : vector<16xf32>
        %sub3A = arith.subf %get3A_1421, %add3A_1450 : vector<16xf32>
        %lt3A_1451 = arith.cmpf olt, %sub3A, %scan3A_1378 : vector<16xf32>
        %select_n3A_1452 = arith.select %lt3A_1451, %sub3A, %scan3A_1378 : vector<16xi1>, vector<16xf32>
        %select_n3A_1453 = arith.select %lt3A_1451, %broadcast_in_dim3A_1442, %scan3A_1382 : vector<16xi1>, vector<16xi32>
        %mul3A_1454 = arith.mulf %get3A_1425, %gather3A_711 : vector<16xf32>
        %mul3A_1455 = arith.mulf %get3A_1429, %gather3A_721 : vector<16xf32>
        %add3A_1456 = arith.addf %mul3A_1454, %mul3A_1455 : vector<16xf32>
        %mul3A_1457 = arith.mulf %get3A_1433, %gather3A_731 : vector<16xf32>
        %add3A_1458 = arith.addf %add3A_1456, %mul3A_1457 : vector<16xf32>
        %mul3A_1459 = arith.mulf %get3A_1437, %gather3A_741 : vector<16xf32>
        %add3A_1460 = arith.addf %add3A_1458, %mul3A_1459 : vector<16xf32>
        %sub3A_1461 = arith.subf %get3A_1441, %add3A_1460 : vector<16xf32>
        %lt3A_1462 = arith.cmpf olt, %sub3A_1461, %scan3A_1386 : vector<16xf32>
        %select_n3A_1463 = arith.select %lt3A_1462, %sub3A_1461, %scan3A_1386 : vector<16xi1>, vector<16xf32>
        %select_n3A_1464 = arith.select %lt3A_1462, %broadcast_in_dim3A_1443, %scan3A_1390 : vector<16xi1>, vector<16xi32>
        %mul3A_1465 = arith.mulf %get3A_1405, %gather3A_753 : vector<16xf32>
        %mul3A_1466 = arith.mulf %get3A_1409, %gather3A_763 : vector<16xf32>
        %add3A_1467 = arith.addf %mul3A_1465, %mul3A_1466 : vector<16xf32>
        %mul3A_1468 = arith.mulf %get3A_1413, %gather3A_773 : vector<16xf32>
        %add3A_1469 = arith.addf %add3A_1467, %mul3A_1468 : vector<16xf32>
        %mul3A_1470 = arith.mulf %get3A_1417, %gather3A_783 : vector<16xf32>
        %add3A_1471 = arith.addf %add3A_1469, %mul3A_1470 : vector<16xf32>
        %sub3A_1472 = arith.subf %get3A_1421, %add3A_1471 : vector<16xf32>
        %lt3A_1473 = arith.cmpf olt, %sub3A_1472, %scan3A_1379 : vector<16xf32>
        %select_n3A_1474 = arith.select %lt3A_1473, %sub3A_1472, %scan3A_1379 : vector<16xi1>, vector<16xf32>
        %select_n3A_1475 = arith.select %lt3A_1473, %broadcast_in_dim3A_1442, %scan3A_1383 : vector<16xi1>, vector<16xi32>
        %mul3A_1476 = arith.mulf %get3A_1425, %gather3A_753 : vector<16xf32>
        %mul3A_1477 = arith.mulf %get3A_1429, %gather3A_763 : vector<16xf32>
        %add3A_1478 = arith.addf %mul3A_1476, %mul3A_1477 : vector<16xf32>
        %mul3A_1479 = arith.mulf %get3A_1433, %gather3A_773 : vector<16xf32>
        %add3A_1480 = arith.addf %add3A_1478, %mul3A_1479 : vector<16xf32>
        %mul3A_1481 = arith.mulf %get3A_1437, %gather3A_783 : vector<16xf32>
        %add3A_1482 = arith.addf %add3A_1480, %mul3A_1481 : vector<16xf32>
        %sub3A_1483 = arith.subf %get3A_1441, %add3A_1482 : vector<16xf32>
        %lt3A_1484 = arith.cmpf olt, %sub3A_1483, %scan3A_1387 : vector<16xf32>
        %select_n3A_1485 = arith.select %lt3A_1484, %sub3A_1483, %scan3A_1387 : vector<16xi1>, vector<16xf32>
        %select_n3A_1486 = arith.select %lt3A_1484, %broadcast_in_dim3A_1443, %scan3A_1391 : vector<16xi1>, vector<16xi32>
        %mul3A_1487 = arith.mulf %get3A_1405, %gather3A_795 : vector<16xf32>
        %mul3A_1488 = arith.mulf %get3A_1409, %gather3A_805 : vector<16xf32>
        %add3A_1489 = arith.addf %mul3A_1487, %mul3A_1488 : vector<16xf32>
        %mul3A_1490 = arith.mulf %get3A_1413, %gather3A_815 : vector<16xf32>
        %add3A_1491 = arith.addf %add3A_1489, %mul3A_1490 : vector<16xf32>
        %mul3A_1492 = arith.mulf %get3A_1417, %gather3A_825 : vector<16xf32>
        %add3A_1493 = arith.addf %add3A_1491, %mul3A_1492 : vector<16xf32>
        %sub3A_1494 = arith.subf %get3A_1421, %add3A_1493 : vector<16xf32>
        %lt3A_1495 = arith.cmpf olt, %sub3A_1494, %scan3A_1380 : vector<16xf32>
        %select_n3A_1496 = arith.select %lt3A_1495, %sub3A_1494, %scan3A_1380 : vector<16xi1>, vector<16xf32>
        %select_n3A_1497 = arith.select %lt3A_1495, %broadcast_in_dim3A_1442, %scan3A_1384 : vector<16xi1>, vector<16xi32>
        %mul3A_1498 = arith.mulf %get3A_1425, %gather3A_795 : vector<16xf32>
        %mul3A_1499 = arith.mulf %get3A_1429, %gather3A_805 : vector<16xf32>
        %add3A_1500 = arith.addf %mul3A_1498, %mul3A_1499 : vector<16xf32>
        %mul3A_1501 = arith.mulf %get3A_1433, %gather3A_815 : vector<16xf32>
        %add3A_1502 = arith.addf %add3A_1500, %mul3A_1501 : vector<16xf32>
        %mul3A_1503 = arith.mulf %get3A_1437, %gather3A_825 : vector<16xf32>
        %add3A_1504 = arith.addf %add3A_1502, %mul3A_1503 : vector<16xf32>
        %sub3A_1505 = arith.subf %get3A_1441, %add3A_1504 : vector<16xf32>
        %lt3A_1506 = arith.cmpf olt, %sub3A_1505, %scan3A_1388 : vector<16xf32>
        %select_n3A_1507 = arith.select %lt3A_1506, %sub3A_1505, %scan3A_1388 : vector<16xi1>, vector<16xf32>
        %select_n3A_1508 = arith.select %lt3A_1506, %broadcast_in_dim3A_1443, %scan3A_1392 : vector<16xi1>, vector<16xi32>
        %mul3A_1509 = arith.mulf %get3A_1405, %gather3A_837 : vector<16xf32>
        %mul3A_1510 = arith.mulf %get3A_1409, %gather3A_847 : vector<16xf32>
        %add3A_1511 = arith.addf %mul3A_1509, %mul3A_1510 : vector<16xf32>
        %mul3A_1512 = arith.mulf %get3A_1413, %gather3A_857 : vector<16xf32>
        %add3A_1513 = arith.addf %add3A_1511, %mul3A_1512 : vector<16xf32>
        %mul3A_1514 = arith.mulf %get3A_1417, %gather3A_867 : vector<16xf32>
        %add3A_1515 = arith.addf %add3A_1513, %mul3A_1514 : vector<16xf32>
        %sub3A_1516 = arith.subf %get3A_1421, %add3A_1515 : vector<16xf32>
        %lt3A_1517 = arith.cmpf olt, %sub3A_1516, %scan3A_1381 : vector<16xf32>
        %select_n3A_1518 = arith.select %lt3A_1517, %sub3A_1516, %scan3A_1381 : vector<16xi1>, vector<16xf32>
        %select_n3A_1519 = arith.select %lt3A_1517, %broadcast_in_dim3A_1442, %scan3A_1385 : vector<16xi1>, vector<16xi32>
        %mul3A_1520 = arith.mulf %get3A_1425, %gather3A_837 : vector<16xf32>
        %mul3A_1521 = arith.mulf %get3A_1429, %gather3A_847 : vector<16xf32>
        %add3A_1522 = arith.addf %mul3A_1520, %mul3A_1521 : vector<16xf32>
        %mul3A_1523 = arith.mulf %get3A_1433, %gather3A_857 : vector<16xf32>
        %add3A_1524 = arith.addf %add3A_1522, %mul3A_1523 : vector<16xf32>
        %mul3A_1525 = arith.mulf %get3A_1437, %gather3A_867 : vector<16xf32>
        %add3A_1526 = arith.addf %add3A_1524, %mul3A_1525 : vector<16xf32>
        %sub3A_1527 = arith.subf %get3A_1441, %add3A_1526 : vector<16xf32>
        %lt3A_1528 = arith.cmpf olt, %sub3A_1527, %scan3A_1389 : vector<16xf32>
        %select_n3A_1529 = arith.select %lt3A_1528, %sub3A_1527, %scan3A_1389 : vector<16xi1>, vector<16xf32>
        %select_n3A_1530 = arith.select %lt3A_1528, %broadcast_in_dim3A_1443, %scan3A_1393 : vector<16xi1>, vector<16xi32>
        scf.yield %select_n3A_1452, %select_n3A_1474, %select_n3A_1496, %select_n3A_1518, %select_n3A_1453, %select_n3A_1475, %select_n3A_1497, %select_n3A_1519, %select_n3A_1463, %select_n3A_1485, %select_n3A_1507, %select_n3A_1529, %select_n3A_1464, %select_n3A_1486, %select_n3A_1508, %select_n3A_1530 : vector<16xf32>, vector<16xf32>, vector<16xf32>, vector<16xf32>, vector<16xi32>, vector<16xi32>, vector<16xi32>, vector<16xi32>, vector<16xf32>, vector<16xf32>, vector<16xf32>, vector<16xf32>, vector<16xi32>, vector<16xi32>, vector<16xi32>, vector<16xi32>
      }
      %scan3A_889 = arith.constant 64 : i32
      %lt3A_890 = arith.cmpf olt, %scan3A_888#8, %scan3A_888#0 : vector<16xf32>
      %eq3A_891 = arith.cmpf oeq, %scan3A_888#8, %scan3A_888#0 : vector<16xf32>
      %select_n3A_892 = arith.select %lt3A_890, %scan3A_888#8, %scan3A_888#0 : vector<16xi1>, vector<16xf32>
      %select_n3A_893 = arith.select %lt3A_890, %scan3A_888#12, %scan3A_888#4 : vector<16xi1>, vector<16xi32>
      %min3A_894 = arith.minsi %scan3A_888#4, %scan3A_888#12 : vector<16xi32>
      %select_n3A_895 = arith.select %eq3A_891, %min3A_894, %select_n3A_893 : vector<16xi1>, vector<16xi32>
      %reduce_min3A_896 = arith.constant true
      %reduce_min3A_897 = vector.broadcast %reduce_min3A_896 : i1 to vector<16xi1>
      %reduce_min3A_898 = tpu.scan <min>, %select_n3A_892 masked %reduce_min3A_897 : vector<16xf32>, vector<16xi1> -> vector<16xf32>
      %reduce_min3A_899 = vector.extract %reduce_min3A_898[15] : f32 from vector<16xf32>
      %eq3A_900 = vector.broadcast %reduce_min3A_899 : f32 to vector<16xf32>
      %eq3A_901 = arith.cmpf oeq, %select_n3A_892, %eq3A_900 : vector<16xf32>
      %mul3A_902 = arith.constant 16 : i32
      %mul3A_903 = vector.broadcast %mul3A_902 : i32 to vector<16xi32>
      %mul3A_904 = arith.muli %select_n3A_895, %mul3A_903 : vector<16xi32>
      %add3A_905 = arith.addi %mul3A_904, %iota3A : vector<16xi32>
      %jit3A_906 = arith.constant 2048 : i32
      %broadcast_in_dim3A_907 = vector.broadcast %jit3A_906 : i32 to vector<16xi32>
      %select_n3A_908 = arith.select %eq3A_901, %add3A_905, %broadcast_in_dim3A_907 : vector<16xi1>, vector<16xi32>
      %reduce_min3A_909 = arith.constant true
      %reduce_min3A_910 = vector.broadcast %reduce_min3A_909 : i1 to vector<16xi1>
      %reduce_min3A_911 = arith.constant -2147483648 : i32
      %reduce_min3A_912 = vector.broadcast %reduce_min3A_911 : i32 to vector<16xi32>
      %reduce_min3A_913 = arith.xori %select_n3A_908, %reduce_min3A_912 : vector<16xi32>
      %reduce_min3A_914 = tpu.scan <min>, %reduce_min3A_913 masked %reduce_min3A_910 : vector<16xi32>, vector<16xi1> -> vector<16xi32>
      %reduce_min3A_915 = arith.xori %reduce_min3A_914, %reduce_min3A_912 : vector<16xi32>
      %reduce_min3A_916 = vector.extract %reduce_min3A_915[15] : i32 from vector<16xi32>
      %add3A_917 = arith.constant 8 : i32
      %add3A_918 = arith.addi %mul3A_14, %add3A_917 : i32
      %add3A_919 = arith.constant 0 : i32
      %add3A_920 = arith.addi %add3A_918, %add3A_919 : i32
      %broadcast_in_dim3A_921 = vector.broadcast %add3A_920 : i32 to vector<16xi32>
      %broadcast_in_dim3A_922 = vector.broadcast %reduce_min3A_916 : i32 to vector<16xi32>
      tpu.vector_store_idx %arg12[%broadcast_in_dim3A_921], %broadcast_in_dim3A_922 masked %eq3A_4 : memref<160xi32, #tpu.memory_space<vmem>>[vector<16xi32>], vector<16xi32>, vector<16xi1>
      %slice3A_923 = vector.extract_strided_slice %get3A_33 {offsets = [8], sizes = [1], strides = [1]} : vector<16xf32> to vector<1xf32>
      %squeeze3A_924 = vector.extract %slice3A_923[0] : f32 from vector<1xf32>
      %add3A_925 = arith.addf %reduce_min3A_899, %squeeze3A_924 : f32
      %broadcast_in_dim3A_926 = vector.broadcast %add3A_925 : f32 to vector<16xf32>
      tpu.vector_store_idx %arg13[%broadcast_in_dim3A_921], %broadcast_in_dim3A_926 masked %eq3A_4 : memref<160xf32, #tpu.memory_space<vmem>>[vector<16xi32>], vector<16xf32>, vector<16xi1>
      %lt3A_927 = arith.cmpf olt, %scan3A_888#9, %scan3A_888#1 : vector<16xf32>
      %eq3A_928 = arith.cmpf oeq, %scan3A_888#9, %scan3A_888#1 : vector<16xf32>
      %select_n3A_929 = arith.select %lt3A_927, %scan3A_888#9, %scan3A_888#1 : vector<16xi1>, vector<16xf32>
      %select_n3A_930 = arith.select %lt3A_927, %scan3A_888#13, %scan3A_888#5 : vector<16xi1>, vector<16xi32>
      %min3A_931 = arith.minsi %scan3A_888#5, %scan3A_888#13 : vector<16xi32>
      %select_n3A_932 = arith.select %eq3A_928, %min3A_931, %select_n3A_930 : vector<16xi1>, vector<16xi32>
      %reduce_min3A_933 = arith.constant true
      %reduce_min3A_934 = vector.broadcast %reduce_min3A_933 : i1 to vector<16xi1>
      %reduce_min3A_935 = tpu.scan <min>, %select_n3A_929 masked %reduce_min3A_934 : vector<16xf32>, vector<16xi1> -> vector<16xf32>
      %reduce_min3A_936 = vector.extract %reduce_min3A_935[15] : f32 from vector<16xf32>
      %eq3A_937 = vector.broadcast %reduce_min3A_936 : f32 to vector<16xf32>
      %eq3A_938 = arith.cmpf oeq, %select_n3A_929, %eq3A_937 : vector<16xf32>
      %mul3A_939 = arith.constant 16 : i32
      %mul3A_940 = vector.broadcast %mul3A_939 : i32 to vector<16xi32>
      %mul3A_941 = arith.muli %select_n3A_932, %mul3A_940 : vector<16xi32>
      %add3A_942 = arith.addi %mul3A_941, %iota3A : vector<16xi32>
      %jit3A_943 = arith.constant 2048 : i32
      %broadcast_in_dim3A_944 = vector.broadcast %jit3A_943 : i32 to vector<16xi32>
      %select_n3A_945 = arith.select %eq3A_938, %add3A_942, %broadcast_in_dim3A_944 : vector<16xi1>, vector<16xi32>
      %reduce_min3A_946 = arith.constant true
      %reduce_min3A_947 = vector.broadcast %reduce_min3A_946 : i1 to vector<16xi1>
      %reduce_min3A_948 = arith.constant -2147483648 : i32
      %reduce_min3A_949 = vector.broadcast %reduce_min3A_948 : i32 to vector<16xi32>
      %reduce_min3A_950 = arith.xori %select_n3A_945, %reduce_min3A_949 : vector<16xi32>
      %reduce_min3A_951 = tpu.scan <min>, %reduce_min3A_950 masked %reduce_min3A_947 : vector<16xi32>, vector<16xi1> -> vector<16xi32>
      %reduce_min3A_952 = arith.xori %reduce_min3A_951, %reduce_min3A_949 : vector<16xi32>
      %reduce_min3A_953 = vector.extract %reduce_min3A_952[15] : i32 from vector<16xi32>
      %add3A_954 = arith.constant 8 : i32
      %add3A_955 = arith.addi %mul3A_14, %add3A_954 : i32
      %add3A_956 = arith.constant 1 : i32
      %add3A_957 = arith.addi %add3A_955, %add3A_956 : i32
      %broadcast_in_dim3A_958 = vector.broadcast %add3A_957 : i32 to vector<16xi32>
      %broadcast_in_dim3A_959 = vector.broadcast %reduce_min3A_953 : i32 to vector<16xi32>
      tpu.vector_store_idx %arg12[%broadcast_in_dim3A_958], %broadcast_in_dim3A_959 masked %eq3A_4 : memref<160xi32, #tpu.memory_space<vmem>>[vector<16xi32>], vector<16xi32>, vector<16xi1>
      %slice3A_960 = vector.extract_strided_slice %get3A_33 {offsets = [9], sizes = [1], strides = [1]} : vector<16xf32> to vector<1xf32>
      %squeeze3A_961 = vector.extract %slice3A_960[0] : f32 from vector<1xf32>
      %add3A_962 = arith.addf %reduce_min3A_936, %squeeze3A_961 : f32
      %broadcast_in_dim3A_963 = vector.broadcast %add3A_962 : f32 to vector<16xf32>
      tpu.vector_store_idx %arg13[%broadcast_in_dim3A_958], %broadcast_in_dim3A_963 masked %eq3A_4 : memref<160xf32, #tpu.memory_space<vmem>>[vector<16xi32>], vector<16xf32>, vector<16xi1>
      %lt3A_964 = arith.cmpf olt, %scan3A_888#10, %scan3A_888#2 : vector<16xf32>
      %eq3A_965 = arith.cmpf oeq, %scan3A_888#10, %scan3A_888#2 : vector<16xf32>
      %select_n3A_966 = arith.select %lt3A_964, %scan3A_888#10, %scan3A_888#2 : vector<16xi1>, vector<16xf32>
      %select_n3A_967 = arith.select %lt3A_964, %scan3A_888#14, %scan3A_888#6 : vector<16xi1>, vector<16xi32>
      %min3A_968 = arith.minsi %scan3A_888#6, %scan3A_888#14 : vector<16xi32>
      %select_n3A_969 = arith.select %eq3A_965, %min3A_968, %select_n3A_967 : vector<16xi1>, vector<16xi32>
      %reduce_min3A_970 = arith.constant true
      %reduce_min3A_971 = vector.broadcast %reduce_min3A_970 : i1 to vector<16xi1>
      %reduce_min3A_972 = tpu.scan <min>, %select_n3A_966 masked %reduce_min3A_971 : vector<16xf32>, vector<16xi1> -> vector<16xf32>
      %reduce_min3A_973 = vector.extract %reduce_min3A_972[15] : f32 from vector<16xf32>
      %eq3A_974 = vector.broadcast %reduce_min3A_973 : f32 to vector<16xf32>
      %eq3A_975 = arith.cmpf oeq, %select_n3A_966, %eq3A_974 : vector<16xf32>
      %mul3A_976 = arith.constant 16 : i32
      %mul3A_977 = vector.broadcast %mul3A_976 : i32 to vector<16xi32>
      %mul3A_978 = arith.muli %select_n3A_969, %mul3A_977 : vector<16xi32>
      %add3A_979 = arith.addi %mul3A_978, %iota3A : vector<16xi32>
      %jit3A_980 = arith.constant 2048 : i32
      %broadcast_in_dim3A_981 = vector.broadcast %jit3A_980 : i32 to vector<16xi32>
      %select_n3A_982 = arith.select %eq3A_975, %add3A_979, %broadcast_in_dim3A_981 : vector<16xi1>, vector<16xi32>
      %reduce_min3A_983 = arith.constant true
      %reduce_min3A_984 = vector.broadcast %reduce_min3A_983 : i1 to vector<16xi1>
      %reduce_min3A_985 = arith.constant -2147483648 : i32
      %reduce_min3A_986 = vector.broadcast %reduce_min3A_985 : i32 to vector<16xi32>
      %reduce_min3A_987 = arith.xori %select_n3A_982, %reduce_min3A_986 : vector<16xi32>
      %reduce_min3A_988 = tpu.scan <min>, %reduce_min3A_987 masked %reduce_min3A_984 : vector<16xi32>, vector<16xi1> -> vector<16xi32>
      %reduce_min3A_989 = arith.xori %reduce_min3A_988, %reduce_min3A_986 : vector<16xi32>
      %reduce_min3A_990 = vector.extract %reduce_min3A_989[15] : i32 from vector<16xi32>
      %add3A_991 = arith.constant 8 : i32
      %add3A_992 = arith.addi %mul3A_14, %add3A_991 : i32
      %add3A_993 = arith.constant 2 : i32
      %add3A_994 = arith.addi %add3A_992, %add3A_993 : i32
      %broadcast_in_dim3A_995 = vector.broadcast %add3A_994 : i32 to vector<16xi32>
      %broadcast_in_dim3A_996 = vector.broadcast %reduce_min3A_990 : i32 to vector<16xi32>
      tpu.vector_store_idx %arg12[%broadcast_in_dim3A_995], %broadcast_in_dim3A_996 masked %eq3A_4 : memref<160xi32, #tpu.memory_space<vmem>>[vector<16xi32>], vector<16xi32>, vector<16xi1>
      %slice3A_997 = vector.extract_strided_slice %get3A_33 {offsets = [10], sizes = [1], strides = [1]} : vector<16xf32> to vector<1xf32>
      %squeeze3A_998 = vector.extract %slice3A_997[0] : f32 from vector<1xf32>
      %add3A_999 = arith.addf %reduce_min3A_973, %squeeze3A_998 : f32
      %broadcast_in_dim3A_1000 = vector.broadcast %add3A_999 : f32 to vector<16xf32>
      tpu.vector_store_idx %arg13[%broadcast_in_dim3A_995], %broadcast_in_dim3A_1000 masked %eq3A_4 : memref<160xf32, #tpu.memory_space<vmem>>[vector<16xi32>], vector<16xf32>, vector<16xi1>
      %lt3A_1001 = arith.cmpf olt, %scan3A_888#11, %scan3A_888#3 : vector<16xf32>
      %eq3A_1002 = arith.cmpf oeq, %scan3A_888#11, %scan3A_888#3 : vector<16xf32>
      %select_n3A_1003 = arith.select %lt3A_1001, %scan3A_888#11, %scan3A_888#3 : vector<16xi1>, vector<16xf32>
      %select_n3A_1004 = arith.select %lt3A_1001, %scan3A_888#15, %scan3A_888#7 : vector<16xi1>, vector<16xi32>
      %min3A_1005 = arith.minsi %scan3A_888#7, %scan3A_888#15 : vector<16xi32>
      %select_n3A_1006 = arith.select %eq3A_1002, %min3A_1005, %select_n3A_1004 : vector<16xi1>, vector<16xi32>
      %reduce_min3A_1007 = arith.constant true
      %reduce_min3A_1008 = vector.broadcast %reduce_min3A_1007 : i1 to vector<16xi1>
      %reduce_min3A_1009 = tpu.scan <min>, %select_n3A_1003 masked %reduce_min3A_1008 : vector<16xf32>, vector<16xi1> -> vector<16xf32>
      %reduce_min3A_1010 = vector.extract %reduce_min3A_1009[15] : f32 from vector<16xf32>
      %eq3A_1011 = vector.broadcast %reduce_min3A_1010 : f32 to vector<16xf32>
      %eq3A_1012 = arith.cmpf oeq, %select_n3A_1003, %eq3A_1011 : vector<16xf32>
      %mul3A_1013 = arith.constant 16 : i32
      %mul3A_1014 = vector.broadcast %mul3A_1013 : i32 to vector<16xi32>
      %mul3A_1015 = arith.muli %select_n3A_1006, %mul3A_1014 : vector<16xi32>
      %add3A_1016 = arith.addi %mul3A_1015, %iota3A : vector<16xi32>
      %jit3A_1017 = arith.constant 2048 : i32
      %broadcast_in_dim3A_1018 = vector.broadcast %jit3A_1017 : i32 to vector<16xi32>
      %select_n3A_1019 = arith.select %eq3A_1012, %add3A_1016, %broadcast_in_dim3A_1018 : vector<16xi1>, vector<16xi32>
      %reduce_min3A_1020 = arith.constant true
      %reduce_min3A_1021 = vector.broadcast %reduce_min3A_1020 : i1 to vector<16xi1>
      %reduce_min3A_1022 = arith.constant -2147483648 : i32
      %reduce_min3A_1023 = vector.broadcast %reduce_min3A_1022 : i32 to vector<16xi32>
      %reduce_min3A_1024 = arith.xori %select_n3A_1019, %reduce_min3A_1023 : vector<16xi32>
      %reduce_min3A_1025 = tpu.scan <min>, %reduce_min3A_1024 masked %reduce_min3A_1021 : vector<16xi32>, vector<16xi1> -> vector<16xi32>
      %reduce_min3A_1026 = arith.xori %reduce_min3A_1025, %reduce_min3A_1023 : vector<16xi32>
      %reduce_min3A_1027 = vector.extract %reduce_min3A_1026[15] : i32 from vector<16xi32>
      %add3A_1028 = arith.constant 8 : i32
      %add3A_1029 = arith.addi %mul3A_14, %add3A_1028 : i32
      %add3A_1030 = arith.constant 3 : i32
      %add3A_1031 = arith.addi %add3A_1029, %add3A_1030 : i32
      %broadcast_in_dim3A_1032 = vector.broadcast %add3A_1031 : i32 to vector<16xi32>
      %broadcast_in_dim3A_1033 = vector.broadcast %reduce_min3A_1027 : i32 to vector<16xi32>
      tpu.vector_store_idx %arg12[%broadcast_in_dim3A_1032], %broadcast_in_dim3A_1033 masked %eq3A_4 : memref<160xi32, #tpu.memory_space<vmem>>[vector<16xi32>], vector<16xi32>, vector<16xi1>
      %slice3A_1034 = vector.extract_strided_slice %get3A_33 {offsets = [11], sizes = [1], strides = [1]} : vector<16xf32> to vector<1xf32>
      %squeeze3A_1035 = vector.extract %slice3A_1034[0] : f32 from vector<1xf32>
      %add3A_1036 = arith.addf %reduce_min3A_1010, %squeeze3A_1035 : f32
      %broadcast_in_dim3A_1037 = vector.broadcast %add3A_1036 : f32 to vector<16xf32>
      tpu.vector_store_idx %arg13[%broadcast_in_dim3A_1032], %broadcast_in_dim3A_1037 masked %eq3A_4 : memref<160xf32, #tpu.memory_space<vmem>>[vector<16xi32>], vector<16xf32>, vector<16xi1>
      %broadcast_in_dim3A_1038 = arith.constant 12 : i32
      %broadcast_in_dim3A_1039 = vector.broadcast %broadcast_in_dim3A_1038 : i32 to vector<16xi32>
      %lt3A_1040 = arith.constant 0 : i32
      %lt3A_1041 = vector.broadcast %lt3A_1040 : i32 to vector<16xi32>
      %lt3A_1042 = arith.cmpi slt, %broadcast_in_dim3A_1039, %lt3A_1041 : vector<16xi32>
      %add3A_1043 = arith.constant 16 : i32
      %add3A_1044 = vector.broadcast %add3A_1043 : i32 to vector<16xi32>
      %add3A_1045 = arith.addi %broadcast_in_dim3A_1039, %add3A_1044 : vector<16xi32>
      %select_n3A_1046 = arith.select %lt3A_1042, %add3A_1045, %broadcast_in_dim3A_1039 : vector<16xi1>, vector<16xi32>
      %reshape3A_1047 = vector.shape_cast %select_n3A_1046 : vector<16xi32> to vector<16x1xi32>
      %gather3A_1048 = vector.shape_cast %reshape3A_1047 : vector<16x1xi32> to vector<16xi32>
      %gather3A_1049 = tpu.dynamic_gather %get3A_17[%gather3A_1048] in [0] : vector<16xf32>, vector<16xi32> -> vector<16xf32>
      %lt3A_1050 = arith.constant 0 : i32
      %lt3A_1051 = vector.broadcast %lt3A_1050 : i32 to vector<16xi32>
      %lt3A_1052 = arith.cmpi slt, %broadcast_in_dim3A_1039, %lt3A_1051 : vector<16xi32>
      %add3A_1053 = arith.constant 16 : i32
      %add3A_1054 = vector.broadcast %add3A_1053 : i32 to vector<16xi32>
      %add3A_1055 = arith.addi %broadcast_in_dim3A_1039, %add3A_1054 : vector<16xi32>
      %select_n3A_1056 = arith.select %lt3A_1052, %add3A_1055, %broadcast_in_dim3A_1039 : vector<16xi1>, vector<16xi32>
      %reshape3A_1057 = vector.shape_cast %select_n3A_1056 : vector<16xi32> to vector<16x1xi32>
      %gather3A_1058 = vector.shape_cast %reshape3A_1057 : vector<16x1xi32> to vector<16xi32>
      %gather3A_1059 = tpu.dynamic_gather %get3A_21[%gather3A_1058] in [0] : vector<16xf32>, vector<16xi32> -> vector<16xf32>
      %lt3A_1060 = arith.constant 0 : i32
      %lt3A_1061 = vector.broadcast %lt3A_1060 : i32 to vector<16xi32>
      %lt3A_1062 = arith.cmpi slt, %broadcast_in_dim3A_1039, %lt3A_1061 : vector<16xi32>
      %add3A_1063 = arith.constant 16 : i32
      %add3A_1064 = vector.broadcast %add3A_1063 : i32 to vector<16xi32>
      %add3A_1065 = arith.addi %broadcast_in_dim3A_1039, %add3A_1064 : vector<16xi32>
      %select_n3A_1066 = arith.select %lt3A_1062, %add3A_1065, %broadcast_in_dim3A_1039 : vector<16xi1>, vector<16xi32>
      %reshape3A_1067 = vector.shape_cast %select_n3A_1066 : vector<16xi32> to vector<16x1xi32>
      %gather3A_1068 = vector.shape_cast %reshape3A_1067 : vector<16x1xi32> to vector<16xi32>
      %gather3A_1069 = tpu.dynamic_gather %get3A_25[%gather3A_1068] in [0] : vector<16xf32>, vector<16xi32> -> vector<16xf32>
      %lt3A_1070 = arith.constant 0 : i32
      %lt3A_1071 = vector.broadcast %lt3A_1070 : i32 to vector<16xi32>
      %lt3A_1072 = arith.cmpi slt, %broadcast_in_dim3A_1039, %lt3A_1071 : vector<16xi32>
      %add3A_1073 = arith.constant 16 : i32
      %add3A_1074 = vector.broadcast %add3A_1073 : i32 to vector<16xi32>
      %add3A_1075 = arith.addi %broadcast_in_dim3A_1039, %add3A_1074 : vector<16xi32>
      %select_n3A_1076 = arith.select %lt3A_1072, %add3A_1075, %broadcast_in_dim3A_1039 : vector<16xi1>, vector<16xi32>
      %reshape3A_1077 = vector.shape_cast %select_n3A_1076 : vector<16xi32> to vector<16x1xi32>
      %gather3A_1078 = vector.shape_cast %reshape3A_1077 : vector<16x1xi32> to vector<16xi32>
      %gather3A_1079 = tpu.dynamic_gather %get3A_29[%gather3A_1078] in [0] : vector<16xf32>, vector<16xi32> -> vector<16xf32>
      %broadcast_in_dim3A_1080 = arith.constant 13 : i32
      %broadcast_in_dim3A_1081 = vector.broadcast %broadcast_in_dim3A_1080 : i32 to vector<16xi32>
      %lt3A_1082 = arith.constant 0 : i32
      %lt3A_1083 = vector.broadcast %lt3A_1082 : i32 to vector<16xi32>
      %lt3A_1084 = arith.cmpi slt, %broadcast_in_dim3A_1081, %lt3A_1083 : vector<16xi32>
      %add3A_1085 = arith.constant 16 : i32
      %add3A_1086 = vector.broadcast %add3A_1085 : i32 to vector<16xi32>
      %add3A_1087 = arith.addi %broadcast_in_dim3A_1081, %add3A_1086 : vector<16xi32>
      %select_n3A_1088 = arith.select %lt3A_1084, %add3A_1087, %broadcast_in_dim3A_1081 : vector<16xi1>, vector<16xi32>
      %reshape3A_1089 = vector.shape_cast %select_n3A_1088 : vector<16xi32> to vector<16x1xi32>
      %gather3A_1090 = vector.shape_cast %reshape3A_1089 : vector<16x1xi32> to vector<16xi32>
      %gather3A_1091 = tpu.dynamic_gather %get3A_17[%gather3A_1090] in [0] : vector<16xf32>, vector<16xi32> -> vector<16xf32>
      %lt3A_1092 = arith.constant 0 : i32
      %lt3A_1093 = vector.broadcast %lt3A_1092 : i32 to vector<16xi32>
      %lt3A_1094 = arith.cmpi slt, %broadcast_in_dim3A_1081, %lt3A_1093 : vector<16xi32>
      %add3A_1095 = arith.constant 16 : i32
      %add3A_1096 = vector.broadcast %add3A_1095 : i32 to vector<16xi32>
      %add3A_1097 = arith.addi %broadcast_in_dim3A_1081, %add3A_1096 : vector<16xi32>
      %select_n3A_1098 = arith.select %lt3A_1094, %add3A_1097, %broadcast_in_dim3A_1081 : vector<16xi1>, vector<16xi32>
      %reshape3A_1099 = vector.shape_cast %select_n3A_1098 : vector<16xi32> to vector<16x1xi32>
      %gather3A_1100 = vector.shape_cast %reshape3A_1099 : vector<16x1xi32> to vector<16xi32>
      %gather3A_1101 = tpu.dynamic_gather %get3A_21[%gather3A_1100] in [0] : vector<16xf32>, vector<16xi32> -> vector<16xf32>
      %lt3A_1102 = arith.constant 0 : i32
      %lt3A_1103 = vector.broadcast %lt3A_1102 : i32 to vector<16xi32>
      %lt3A_1104 = arith.cmpi slt, %broadcast_in_dim3A_1081, %lt3A_1103 : vector<16xi32>
      %add3A_1105 = arith.constant 16 : i32
      %add3A_1106 = vector.broadcast %add3A_1105 : i32 to vector<16xi32>
      %add3A_1107 = arith.addi %broadcast_in_dim3A_1081, %add3A_1106 : vector<16xi32>
      %select_n3A_1108 = arith.select %lt3A_1104, %add3A_1107, %broadcast_in_dim3A_1081 : vector<16xi1>, vector<16xi32>
      %reshape3A_1109 = vector.shape_cast %select_n3A_1108 : vector<16xi32> to vector<16x1xi32>
      %gather3A_1110 = vector.shape_cast %reshape3A_1109 : vector<16x1xi32> to vector<16xi32>
      %gather3A_1111 = tpu.dynamic_gather %get3A_25[%gather3A_1110] in [0] : vector<16xf32>, vector<16xi32> -> vector<16xf32>
      %lt3A_1112 = arith.constant 0 : i32
      %lt3A_1113 = vector.broadcast %lt3A_1112 : i32 to vector<16xi32>
      %lt3A_1114 = arith.cmpi slt, %broadcast_in_dim3A_1081, %lt3A_1113 : vector<16xi32>
      %add3A_1115 = arith.constant 16 : i32
      %add3A_1116 = vector.broadcast %add3A_1115 : i32 to vector<16xi32>
      %add3A_1117 = arith.addi %broadcast_in_dim3A_1081, %add3A_1116 : vector<16xi32>
      %select_n3A_1118 = arith.select %lt3A_1114, %add3A_1117, %broadcast_in_dim3A_1081 : vector<16xi1>, vector<16xi32>
      %reshape3A_1119 = vector.shape_cast %select_n3A_1118 : vector<16xi32> to vector<16x1xi32>
      %gather3A_1120 = vector.shape_cast %reshape3A_1119 : vector<16x1xi32> to vector<16xi32>
      %gather3A_1121 = tpu.dynamic_gather %get3A_29[%gather3A_1120] in [0] : vector<16xf32>, vector<16xi32> -> vector<16xf32>
      %broadcast_in_dim3A_1122 = arith.constant 14 : i32
      %broadcast_in_dim3A_1123 = vector.broadcast %broadcast_in_dim3A_1122 : i32 to vector<16xi32>
      %lt3A_1124 = arith.constant 0 : i32
      %lt3A_1125 = vector.broadcast %lt3A_1124 : i32 to vector<16xi32>
      %lt3A_1126 = arith.cmpi slt, %broadcast_in_dim3A_1123, %lt3A_1125 : vector<16xi32>
      %add3A_1127 = arith.constant 16 : i32
      %add3A_1128 = vector.broadcast %add3A_1127 : i32 to vector<16xi32>
      %add3A_1129 = arith.addi %broadcast_in_dim3A_1123, %add3A_1128 : vector<16xi32>
      %select_n3A_1130 = arith.select %lt3A_1126, %add3A_1129, %broadcast_in_dim3A_1123 : vector<16xi1>, vector<16xi32>
      %reshape3A_1131 = vector.shape_cast %select_n3A_1130 : vector<16xi32> to vector<16x1xi32>
      %gather3A_1132 = vector.shape_cast %reshape3A_1131 : vector<16x1xi32> to vector<16xi32>
      %gather3A_1133 = tpu.dynamic_gather %get3A_17[%gather3A_1132] in [0] : vector<16xf32>, vector<16xi32> -> vector<16xf32>
      %lt3A_1134 = arith.constant 0 : i32
      %lt3A_1135 = vector.broadcast %lt3A_1134 : i32 to vector<16xi32>
      %lt3A_1136 = arith.cmpi slt, %broadcast_in_dim3A_1123, %lt3A_1135 : vector<16xi32>
      %add3A_1137 = arith.constant 16 : i32
      %add3A_1138 = vector.broadcast %add3A_1137 : i32 to vector<16xi32>
      %add3A_1139 = arith.addi %broadcast_in_dim3A_1123, %add3A_1138 : vector<16xi32>
      %select_n3A_1140 = arith.select %lt3A_1136, %add3A_1139, %broadcast_in_dim3A_1123 : vector<16xi1>, vector<16xi32>
      %reshape3A_1141 = vector.shape_cast %select_n3A_1140 : vector<16xi32> to vector<16x1xi32>
      %gather3A_1142 = vector.shape_cast %reshape3A_1141 : vector<16x1xi32> to vector<16xi32>
      %gather3A_1143 = tpu.dynamic_gather %get3A_21[%gather3A_1142] in [0] : vector<16xf32>, vector<16xi32> -> vector<16xf32>
      %lt3A_1144 = arith.constant 0 : i32
      %lt3A_1145 = vector.broadcast %lt3A_1144 : i32 to vector<16xi32>
      %lt3A_1146 = arith.cmpi slt, %broadcast_in_dim3A_1123, %lt3A_1145 : vector<16xi32>
      %add3A_1147 = arith.constant 16 : i32
      %add3A_1148 = vector.broadcast %add3A_1147 : i32 to vector<16xi32>
      %add3A_1149 = arith.addi %broadcast_in_dim3A_1123, %add3A_1148 : vector<16xi32>
      %select_n3A_1150 = arith.select %lt3A_1146, %add3A_1149, %broadcast_in_dim3A_1123 : vector<16xi1>, vector<16xi32>
      %reshape3A_1151 = vector.shape_cast %select_n3A_1150 : vector<16xi32> to vector<16x1xi32>
      %gather3A_1152 = vector.shape_cast %reshape3A_1151 : vector<16x1xi32> to vector<16xi32>
      %gather3A_1153 = tpu.dynamic_gather %get3A_25[%gather3A_1152] in [0] : vector<16xf32>, vector<16xi32> -> vector<16xf32>
      %lt3A_1154 = arith.constant 0 : i32
      %lt3A_1155 = vector.broadcast %lt3A_1154 : i32 to vector<16xi32>
      %lt3A_1156 = arith.cmpi slt, %broadcast_in_dim3A_1123, %lt3A_1155 : vector<16xi32>
      %add3A_1157 = arith.constant 16 : i32
      %add3A_1158 = vector.broadcast %add3A_1157 : i32 to vector<16xi32>
      %add3A_1159 = arith.addi %broadcast_in_dim3A_1123, %add3A_1158 : vector<16xi32>
      %select_n3A_1160 = arith.select %lt3A_1156, %add3A_1159, %broadcast_in_dim3A_1123 : vector<16xi1>, vector<16xi32>
      %reshape3A_1161 = vector.shape_cast %select_n3A_1160 : vector<16xi32> to vector<16x1xi32>
      %gather3A_1162 = vector.shape_cast %reshape3A_1161 : vector<16x1xi32> to vector<16xi32>
      %gather3A_1163 = tpu.dynamic_gather %get3A_29[%gather3A_1162] in [0] : vector<16xf32>, vector<16xi32> -> vector<16xf32>
      %broadcast_in_dim3A_1164 = arith.constant 15 : i32
      %broadcast_in_dim3A_1165 = vector.broadcast %broadcast_in_dim3A_1164 : i32 to vector<16xi32>
      %lt3A_1166 = arith.constant 0 : i32
      %lt3A_1167 = vector.broadcast %lt3A_1166 : i32 to vector<16xi32>
      %lt3A_1168 = arith.cmpi slt, %broadcast_in_dim3A_1165, %lt3A_1167 : vector<16xi32>
      %add3A_1169 = arith.constant 16 : i32
      %add3A_1170 = vector.broadcast %add3A_1169 : i32 to vector<16xi32>
      %add3A_1171 = arith.addi %broadcast_in_dim3A_1165, %add3A_1170 : vector<16xi32>
      %select_n3A_1172 = arith.select %lt3A_1168, %add3A_1171, %broadcast_in_dim3A_1165 : vector<16xi1>, vector<16xi32>
      %reshape3A_1173 = vector.shape_cast %select_n3A_1172 : vector<16xi32> to vector<16x1xi32>
      %gather3A_1174 = vector.shape_cast %reshape3A_1173 : vector<16x1xi32> to vector<16xi32>
      %gather3A_1175 = tpu.dynamic_gather %get3A_17[%gather3A_1174] in [0] : vector<16xf32>, vector<16xi32> -> vector<16xf32>
      %lt3A_1176 = arith.constant 0 : i32
      %lt3A_1177 = vector.broadcast %lt3A_1176 : i32 to vector<16xi32>
      %lt3A_1178 = arith.cmpi slt, %broadcast_in_dim3A_1165, %lt3A_1177 : vector<16xi32>
      %add3A_1179 = arith.constant 16 : i32
      %add3A_1180 = vector.broadcast %add3A_1179 : i32 to vector<16xi32>
      %add3A_1181 = arith.addi %broadcast_in_dim3A_1165, %add3A_1180 : vector<16xi32>
      %select_n3A_1182 = arith.select %lt3A_1178, %add3A_1181, %broadcast_in_dim3A_1165 : vector<16xi1>, vector<16xi32>
      %reshape3A_1183 = vector.shape_cast %select_n3A_1182 : vector<16xi32> to vector<16x1xi32>
      %gather3A_1184 = vector.shape_cast %reshape3A_1183 : vector<16x1xi32> to vector<16xi32>
      %gather3A_1185 = tpu.dynamic_gather %get3A_21[%gather3A_1184] in [0] : vector<16xf32>, vector<16xi32> -> vector<16xf32>
      %lt3A_1186 = arith.constant 0 : i32
      %lt3A_1187 = vector.broadcast %lt3A_1186 : i32 to vector<16xi32>
      %lt3A_1188 = arith.cmpi slt, %broadcast_in_dim3A_1165, %lt3A_1187 : vector<16xi32>
      %add3A_1189 = arith.constant 16 : i32
      %add3A_1190 = vector.broadcast %add3A_1189 : i32 to vector<16xi32>
      %add3A_1191 = arith.addi %broadcast_in_dim3A_1165, %add3A_1190 : vector<16xi32>
      %select_n3A_1192 = arith.select %lt3A_1188, %add3A_1191, %broadcast_in_dim3A_1165 : vector<16xi1>, vector<16xi32>
      %reshape3A_1193 = vector.shape_cast %select_n3A_1192 : vector<16xi32> to vector<16x1xi32>
      %gather3A_1194 = vector.shape_cast %reshape3A_1193 : vector<16x1xi32> to vector<16xi32>
      %gather3A_1195 = tpu.dynamic_gather %get3A_25[%gather3A_1194] in [0] : vector<16xf32>, vector<16xi32> -> vector<16xf32>
      %lt3A_1196 = arith.constant 0 : i32
      %lt3A_1197 = vector.broadcast %lt3A_1196 : i32 to vector<16xi32>
      %lt3A_1198 = arith.cmpi slt, %broadcast_in_dim3A_1165, %lt3A_1197 : vector<16xi32>
      %add3A_1199 = arith.constant 16 : i32
      %add3A_1200 = vector.broadcast %add3A_1199 : i32 to vector<16xi32>
      %add3A_1201 = arith.addi %broadcast_in_dim3A_1165, %add3A_1200 : vector<16xi32>
      %select_n3A_1202 = arith.select %lt3A_1198, %add3A_1201, %broadcast_in_dim3A_1165 : vector<16xi1>, vector<16xi32>
      %reshape3A_1203 = vector.shape_cast %select_n3A_1202 : vector<16xi32> to vector<16x1xi32>
      %gather3A_1204 = vector.shape_cast %reshape3A_1203 : vector<16x1xi32> to vector<16xi32>
      %gather3A_1205 = tpu.dynamic_gather %get3A_29[%gather3A_1204] in [0] : vector<16xf32>, vector<16xi32> -> vector<16xf32>
      %broadcast_in_dim3A_1206 = arith.constant 0x7F800000 : f32
      %broadcast_in_dim3A_1207 = vector.broadcast %broadcast_in_dim3A_1206 : f32 to vector<16xf32>
      %broadcast_in_dim3A_1208 = arith.constant 0x7F800000 : f32
      %broadcast_in_dim3A_1209 = vector.broadcast %broadcast_in_dim3A_1208 : f32 to vector<16xf32>
      %broadcast_in_dim3A_1210 = arith.constant 0x7F800000 : f32
      %broadcast_in_dim3A_1211 = vector.broadcast %broadcast_in_dim3A_1210 : f32 to vector<16xf32>
      %broadcast_in_dim3A_1212 = arith.constant 0x7F800000 : f32
      %broadcast_in_dim3A_1213 = vector.broadcast %broadcast_in_dim3A_1212 : f32 to vector<16xf32>
      %broadcast_in_dim3A_1214 = arith.constant 0 : i32
      %broadcast_in_dim3A_1215 = vector.broadcast %broadcast_in_dim3A_1214 : i32 to vector<16xi32>
      %broadcast_in_dim3A_1216 = arith.constant 0 : i32
      %broadcast_in_dim3A_1217 = vector.broadcast %broadcast_in_dim3A_1216 : i32 to vector<16xi32>
      %broadcast_in_dim3A_1218 = arith.constant 0 : i32
      %broadcast_in_dim3A_1219 = vector.broadcast %broadcast_in_dim3A_1218 : i32 to vector<16xi32>
      %broadcast_in_dim3A_1220 = arith.constant 0 : i32
      %broadcast_in_dim3A_1221 = vector.broadcast %broadcast_in_dim3A_1220 : i32 to vector<16xi32>
      %scan3A_1222 = arith.constant 0 : i32
      %scan3A_1223 = arith.constant 64 : i32
      %scan3A_1224 = arith.addi %scan3A_1222, %scan3A_1223 : i32
      %scan3A_1225 = arith.constant 1 : i32
      %scan3A_1226:16 = scf.for %scan3A_1377 = %scan3A_1222 to %scan3A_1224 step %scan3A_1225 iter_args(%scan3A_1378 = %broadcast_in_dim3A_1207, %scan3A_1379 = %broadcast_in_dim3A_1209, %scan3A_1380 = %broadcast_in_dim3A_1211, %scan3A_1381 = %broadcast_in_dim3A_1213, %scan3A_1382 = %broadcast_in_dim3A_1215, %scan3A_1383 = %broadcast_in_dim3A_1217, %scan3A_1384 = %broadcast_in_dim3A_1219, %scan3A_1385 = %broadcast_in_dim3A_1221, %scan3A_1386 = %broadcast_in_dim3A_1207, %scan3A_1387 = %broadcast_in_dim3A_1209, %scan3A_1388 = %broadcast_in_dim3A_1211, %scan3A_1389 = %broadcast_in_dim3A_1213, %scan3A_1390 = %broadcast_in_dim3A_1215, %scan3A_1391 = %broadcast_in_dim3A_1217, %scan3A_1392 = %broadcast_in_dim3A_1219, %scan3A_1393 = %broadcast_in_dim3A_1221) -> (vector<16xf32>, vector<16xf32>, vector<16xf32>, vector<16xf32>, vector<16xi32>, vector<16xi32>, vector<16xi32>, vector<16xi32>, vector<16xf32>, vector<16xf32>, vector<16xf32>, vector<16xf32>, vector<16xi32>, vector<16xi32>, vector<16xi32>, vector<16xi32>)  : i32 {
        %mul3A_1394 = arith.constant 2 : i32
        %mul3A_1395 = arith.muli %scan3A_1377, %mul3A_1394 : i32
        %add3A_1396 = arith.constant 1 : i32
        %add3A_1397 = arith.addi %mul3A_1395, %add3A_1396 : i32
        %mul3A_1398 = arith.constant 16 : i32
        %mul3A_1399 = arith.muli %mul3A_1395, %mul3A_1398 : i32
        %add3A_1400 = arith.constant 16 : i32
        %add3A_1401 = arith.addi %mul3A_1399, %add3A_1400 : i32
        %get3A_1402 = arith.constant 0 : i32
        %get3A_1403 = arith.index_cast %get3A_1402 : i32 to index
        %get3A_1404 = arith.index_cast %mul3A_1399 : i32 to index
        %get3A_1405 = tpu.vector_load %arg10[%get3A_1403, %get3A_1404] {strides = array<i32>} : memref<8x2048xf32, #tpu.memory_space<vmem>>, vector<16xf32>,
        %get3A_1406 = arith.constant 1 : i32
        %get3A_1407 = arith.index_cast %get3A_1406 : i32 to index
        %get3A_1408 = arith.index_cast %mul3A_1399 : i32 to index
        %get3A_1409 = tpu.vector_load %arg10[%get3A_1407, %get3A_1408] {strides = array<i32>} : memref<8x2048xf32, #tpu.memory_space<vmem>>, vector<16xf32>,
        %get3A_1410 = arith.constant 2 : i32
        %get3A_1411 = arith.index_cast %get3A_1410 : i32 to index
        %get3A_1412 = arith.index_cast %mul3A_1399 : i32 to index
        %get3A_1413 = tpu.vector_load %arg10[%get3A_1411, %get3A_1412] {strides = array<i32>} : memref<8x2048xf32, #tpu.memory_space<vmem>>, vector<16xf32>,
        %get3A_1414 = arith.constant 3 : i32
        %get3A_1415 = arith.index_cast %get3A_1414 : i32 to index
        %get3A_1416 = arith.index_cast %mul3A_1399 : i32 to index
        %get3A_1417 = tpu.vector_load %arg10[%get3A_1415, %get3A_1416] {strides = array<i32>} : memref<8x2048xf32, #tpu.memory_space<vmem>>, vector<16xf32>,
        %get3A_1418 = arith.constant 4 : i32
        %get3A_1419 = arith.index_cast %get3A_1418 : i32 to index
        %get3A_1420 = arith.index_cast %mul3A_1399 : i32 to index
        %get3A_1421 = tpu.vector_load %arg10[%get3A_1419, %get3A_1420] {strides = array<i32>} : memref<8x2048xf32, #tpu.memory_space<vmem>>, vector<16xf32>,
        %get3A_1422 = arith.constant 0 : i32
        %get3A_1423 = arith.index_cast %get3A_1422 : i32 to index
        %get3A_1424 = arith.index_cast %add3A_1401 : i32 to index
        %get3A_1425 = tpu.vector_load %arg10[%get3A_1423, %get3A_1424] {strides = array<i32>} : memref<8x2048xf32, #tpu.memory_space<vmem>>, vector<16xf32>,
        %get3A_1426 = arith.constant 1 : i32
        %get3A_1427 = arith.index_cast %get3A_1426 : i32 to index
        %get3A_1428 = arith.index_cast %add3A_1401 : i32 to index
        %get3A_1429 = tpu.vector_load %arg10[%get3A_1427, %get3A_1428] {strides = array<i32>} : memref<8x2048xf32, #tpu.memory_space<vmem>>, vector<16xf32>,
        %get3A_1430 = arith.constant 2 : i32
        %get3A_1431 = arith.index_cast %get3A_1430 : i32 to index
        %get3A_1432 = arith.index_cast %add3A_1401 : i32 to index
        %get3A_1433 = tpu.vector_load %arg10[%get3A_1431, %get3A_1432] {strides = array<i32>} : memref<8x2048xf32, #tpu.memory_space<vmem>>, vector<16xf32>,
        %get3A_1434 = arith.constant 3 : i32
        %get3A_1435 = arith.index_cast %get3A_1434 : i32 to index
        %get3A_1436 = arith.index_cast %add3A_1401 : i32 to index
        %get3A_1437 = tpu.vector_load %arg10[%get3A_1435, %get3A_1436] {strides = array<i32>} : memref<8x2048xf32, #tpu.memory_space<vmem>>, vector<16xf32>,
        %get3A_1438 = arith.constant 4 : i32
        %get3A_1439 = arith.index_cast %get3A_1438 : i32 to index
        %get3A_1440 = arith.index_cast %add3A_1401 : i32 to index
        %get3A_1441 = tpu.vector_load %arg10[%get3A_1439, %get3A_1440] {strides = array<i32>} : memref<8x2048xf32, #tpu.memory_space<vmem>>, vector<16xf32>,
        %broadcast_in_dim3A_1442 = vector.broadcast %mul3A_1395 : i32 to vector<16xi32>
        %broadcast_in_dim3A_1443 = vector.broadcast %add3A_1397 : i32 to vector<16xi32>
        %mul3A_1444 = arith.mulf %get3A_1405, %gather3A_1049 : vector<16xf32>
        %mul3A_1445 = arith.mulf %get3A_1409, %gather3A_1059 : vector<16xf32>
        %add3A_1446 = arith.addf %mul3A_1444, %mul3A_1445 : vector<16xf32>
        %mul3A_1447 = arith.mulf %get3A_1413, %gather3A_1069 : vector<16xf32>
        %add3A_1448 = arith.addf %add3A_1446, %mul3A_1447 : vector<16xf32>
        %mul3A_1449 = arith.mulf %get3A_1417, %gather3A_1079 : vector<16xf32>
        %add3A_1450 = arith.addf %add3A_1448, %mul3A_1449 : vector<16xf32>
        %sub3A = arith.subf %get3A_1421, %add3A_1450 : vector<16xf32>
        %lt3A_1451 = arith.cmpf olt, %sub3A, %scan3A_1378 : vector<16xf32>
        %select_n3A_1452 = arith.select %lt3A_1451, %sub3A, %scan3A_1378 : vector<16xi1>, vector<16xf32>
        %select_n3A_1453 = arith.select %lt3A_1451, %broadcast_in_dim3A_1442, %scan3A_1382 : vector<16xi1>, vector<16xi32>
        %mul3A_1454 = arith.mulf %get3A_1425, %gather3A_1049 : vector<16xf32>
        %mul3A_1455 = arith.mulf %get3A_1429, %gather3A_1059 : vector<16xf32>
        %add3A_1456 = arith.addf %mul3A_1454, %mul3A_1455 : vector<16xf32>
        %mul3A_1457 = arith.mulf %get3A_1433, %gather3A_1069 : vector<16xf32>
        %add3A_1458 = arith.addf %add3A_1456, %mul3A_1457 : vector<16xf32>
        %mul3A_1459 = arith.mulf %get3A_1437, %gather3A_1079 : vector<16xf32>
        %add3A_1460 = arith.addf %add3A_1458, %mul3A_1459 : vector<16xf32>
        %sub3A_1461 = arith.subf %get3A_1441, %add3A_1460 : vector<16xf32>
        %lt3A_1462 = arith.cmpf olt, %sub3A_1461, %scan3A_1386 : vector<16xf32>
        %select_n3A_1463 = arith.select %lt3A_1462, %sub3A_1461, %scan3A_1386 : vector<16xi1>, vector<16xf32>
        %select_n3A_1464 = arith.select %lt3A_1462, %broadcast_in_dim3A_1443, %scan3A_1390 : vector<16xi1>, vector<16xi32>
        %mul3A_1465 = arith.mulf %get3A_1405, %gather3A_1091 : vector<16xf32>
        %mul3A_1466 = arith.mulf %get3A_1409, %gather3A_1101 : vector<16xf32>
        %add3A_1467 = arith.addf %mul3A_1465, %mul3A_1466 : vector<16xf32>
        %mul3A_1468 = arith.mulf %get3A_1413, %gather3A_1111 : vector<16xf32>
        %add3A_1469 = arith.addf %add3A_1467, %mul3A_1468 : vector<16xf32>
        %mul3A_1470 = arith.mulf %get3A_1417, %gather3A_1121 : vector<16xf32>
        %add3A_1471 = arith.addf %add3A_1469, %mul3A_1470 : vector<16xf32>
        %sub3A_1472 = arith.subf %get3A_1421, %add3A_1471 : vector<16xf32>
        %lt3A_1473 = arith.cmpf olt, %sub3A_1472, %scan3A_1379 : vector<16xf32>
        %select_n3A_1474 = arith.select %lt3A_1473, %sub3A_1472, %scan3A_1379 : vector<16xi1>, vector<16xf32>
        %select_n3A_1475 = arith.select %lt3A_1473, %broadcast_in_dim3A_1442, %scan3A_1383 : vector<16xi1>, vector<16xi32>
        %mul3A_1476 = arith.mulf %get3A_1425, %gather3A_1091 : vector<16xf32>
        %mul3A_1477 = arith.mulf %get3A_1429, %gather3A_1101 : vector<16xf32>
        %add3A_1478 = arith.addf %mul3A_1476, %mul3A_1477 : vector<16xf32>
        %mul3A_1479 = arith.mulf %get3A_1433, %gather3A_1111 : vector<16xf32>
        %add3A_1480 = arith.addf %add3A_1478, %mul3A_1479 : vector<16xf32>
        %mul3A_1481 = arith.mulf %get3A_1437, %gather3A_1121 : vector<16xf32>
        %add3A_1482 = arith.addf %add3A_1480, %mul3A_1481 : vector<16xf32>
        %sub3A_1483 = arith.subf %get3A_1441, %add3A_1482 : vector<16xf32>
        %lt3A_1484 = arith.cmpf olt, %sub3A_1483, %scan3A_1387 : vector<16xf32>
        %select_n3A_1485 = arith.select %lt3A_1484, %sub3A_1483, %scan3A_1387 : vector<16xi1>, vector<16xf32>
        %select_n3A_1486 = arith.select %lt3A_1484, %broadcast_in_dim3A_1443, %scan3A_1391 : vector<16xi1>, vector<16xi32>
        %mul3A_1487 = arith.mulf %get3A_1405, %gather3A_1133 : vector<16xf32>
        %mul3A_1488 = arith.mulf %get3A_1409, %gather3A_1143 : vector<16xf32>
        %add3A_1489 = arith.addf %mul3A_1487, %mul3A_1488 : vector<16xf32>
        %mul3A_1490 = arith.mulf %get3A_1413, %gather3A_1153 : vector<16xf32>
        %add3A_1491 = arith.addf %add3A_1489, %mul3A_1490 : vector<16xf32>
        %mul3A_1492 = arith.mulf %get3A_1417, %gather3A_1163 : vector<16xf32>
        %add3A_1493 = arith.addf %add3A_1491, %mul3A_1492 : vector<16xf32>
        %sub3A_1494 = arith.subf %get3A_1421, %add3A_1493 : vector<16xf32>
        %lt3A_1495 = arith.cmpf olt, %sub3A_1494, %scan3A_1380 : vector<16xf32>
        %select_n3A_1496 = arith.select %lt3A_1495, %sub3A_1494, %scan3A_1380 : vector<16xi1>, vector<16xf32>
        %select_n3A_1497 = arith.select %lt3A_1495, %broadcast_in_dim3A_1442, %scan3A_1384 : vector<16xi1>, vector<16xi32>
        %mul3A_1498 = arith.mulf %get3A_1425, %gather3A_1133 : vector<16xf32>
        %mul3A_1499 = arith.mulf %get3A_1429, %gather3A_1143 : vector<16xf32>
        %add3A_1500 = arith.addf %mul3A_1498, %mul3A_1499 : vector<16xf32>
        %mul3A_1501 = arith.mulf %get3A_1433, %gather3A_1153 : vector<16xf32>
        %add3A_1502 = arith.addf %add3A_1500, %mul3A_1501 : vector<16xf32>
        %mul3A_1503 = arith.mulf %get3A_1437, %gather3A_1163 : vector<16xf32>
        %add3A_1504 = arith.addf %add3A_1502, %mul3A_1503 : vector<16xf32>
        %sub3A_1505 = arith.subf %get3A_1441, %add3A_1504 : vector<16xf32>
        %lt3A_1506 = arith.cmpf olt, %sub3A_1505, %scan3A_1388 : vector<16xf32>
        %select_n3A_1507 = arith.select %lt3A_1506, %sub3A_1505, %scan3A_1388 : vector<16xi1>, vector<16xf32>
        %select_n3A_1508 = arith.select %lt3A_1506, %broadcast_in_dim3A_1443, %scan3A_1392 : vector<16xi1>, vector<16xi32>
        %mul3A_1509 = arith.mulf %get3A_1405, %gather3A_1175 : vector<16xf32>
        %mul3A_1510 = arith.mulf %get3A_1409, %gather3A_1185 : vector<16xf32>
        %add3A_1511 = arith.addf %mul3A_1509, %mul3A_1510 : vector<16xf32>
        %mul3A_1512 = arith.mulf %get3A_1413, %gather3A_1195 : vector<16xf32>
        %add3A_1513 = arith.addf %add3A_1511, %mul3A_1512 : vector<16xf32>
        %mul3A_1514 = arith.mulf %get3A_1417, %gather3A_1205 : vector<16xf32>
        %add3A_1515 = arith.addf %add3A_1513, %mul3A_1514 : vector<16xf32>
        %sub3A_1516 = arith.subf %get3A_1421, %add3A_1515 : vector<16xf32>
        %lt3A_1517 = arith.cmpf olt, %sub3A_1516, %scan3A_1381 : vector<16xf32>
        %select_n3A_1518 = arith.select %lt3A_1517, %sub3A_1516, %scan3A_1381 : vector<16xi1>, vector<16xf32>
        %select_n3A_1519 = arith.select %lt3A_1517, %broadcast_in_dim3A_1442, %scan3A_1385 : vector<16xi1>, vector<16xi32>
        %mul3A_1520 = arith.mulf %get3A_1425, %gather3A_1175 : vector<16xf32>
        %mul3A_1521 = arith.mulf %get3A_1429, %gather3A_1185 : vector<16xf32>
        %add3A_1522 = arith.addf %mul3A_1520, %mul3A_1521 : vector<16xf32>
        %mul3A_1523 = arith.mulf %get3A_1433, %gather3A_1195 : vector<16xf32>
        %add3A_1524 = arith.addf %add3A_1522, %mul3A_1523 : vector<16xf32>
        %mul3A_1525 = arith.mulf %get3A_1437, %gather3A_1205 : vector<16xf32>
        %add3A_1526 = arith.addf %add3A_1524, %mul3A_1525 : vector<16xf32>
        %sub3A_1527 = arith.subf %get3A_1441, %add3A_1526 : vector<16xf32>
        %lt3A_1528 = arith.cmpf olt, %sub3A_1527, %scan3A_1389 : vector<16xf32>
        %select_n3A_1529 = arith.select %lt3A_1528, %sub3A_1527, %scan3A_1389 : vector<16xi1>, vector<16xf32>
        %select_n3A_1530 = arith.select %lt3A_1528, %broadcast_in_dim3A_1443, %scan3A_1393 : vector<16xi1>, vector<16xi32>
        scf.yield %select_n3A_1452, %select_n3A_1474, %select_n3A_1496, %select_n3A_1518, %select_n3A_1453, %select_n3A_1475, %select_n3A_1497, %select_n3A_1519, %select_n3A_1463, %select_n3A_1485, %select_n3A_1507, %select_n3A_1529, %select_n3A_1464, %select_n3A_1486, %select_n3A_1508, %select_n3A_1530 : vector<16xf32>, vector<16xf32>, vector<16xf32>, vector<16xf32>, vector<16xi32>, vector<16xi32>, vector<16xi32>, vector<16xi32>, vector<16xf32>, vector<16xf32>, vector<16xf32>, vector<16xf32>, vector<16xi32>, vector<16xi32>, vector<16xi32>, vector<16xi32>
      }
      %scan3A_1227 = arith.constant 64 : i32
      %lt3A_1228 = arith.cmpf olt, %scan3A_1226#8, %scan3A_1226#0 : vector<16xf32>
      %eq3A_1229 = arith.cmpf oeq, %scan3A_1226#8, %scan3A_1226#0 : vector<16xf32>
      %select_n3A_1230 = arith.select %lt3A_1228, %scan3A_1226#8, %scan3A_1226#0 : vector<16xi1>, vector<16xf32>
      %select_n3A_1231 = arith.select %lt3A_1228, %scan3A_1226#12, %scan3A_1226#4 : vector<16xi1>, vector<16xi32>
      %min3A_1232 = arith.minsi %scan3A_1226#4, %scan3A_1226#12 : vector<16xi32>
      %select_n3A_1233 = arith.select %eq3A_1229, %min3A_1232, %select_n3A_1231 : vector<16xi1>, vector<16xi32>
      %reduce_min3A_1234 = arith.constant true
      %reduce_min3A_1235 = vector.broadcast %reduce_min3A_1234 : i1 to vector<16xi1>
      %reduce_min3A_1236 = tpu.scan <min>, %select_n3A_1230 masked %reduce_min3A_1235 : vector<16xf32>, vector<16xi1> -> vector<16xf32>
      %reduce_min3A_1237 = vector.extract %reduce_min3A_1236[15] : f32 from vector<16xf32>
      %eq3A_1238 = vector.broadcast %reduce_min3A_1237 : f32 to vector<16xf32>
      %eq3A_1239 = arith.cmpf oeq, %select_n3A_1230, %eq3A_1238 : vector<16xf32>
      %mul3A_1240 = arith.constant 16 : i32
      %mul3A_1241 = vector.broadcast %mul3A_1240 : i32 to vector<16xi32>
      %mul3A_1242 = arith.muli %select_n3A_1233, %mul3A_1241 : vector<16xi32>
      %add3A_1243 = arith.addi %mul3A_1242, %iota3A : vector<16xi32>
      %jit3A_1244 = arith.constant 2048 : i32
      %broadcast_in_dim3A_1245 = vector.broadcast %jit3A_1244 : i32 to vector<16xi32>
      %select_n3A_1246 = arith.select %eq3A_1239, %add3A_1243, %broadcast_in_dim3A_1245 : vector<16xi1>, vector<16xi32>
      %reduce_min3A_1247 = arith.constant true
      %reduce_min3A_1248 = vector.broadcast %reduce_min3A_1247 : i1 to vector<16xi1>
      %reduce_min3A_1249 = arith.constant -2147483648 : i32
      %reduce_min3A_1250 = vector.broadcast %reduce_min3A_1249 : i32 to vector<16xi32>
      %reduce_min3A_1251 = arith.xori %select_n3A_1246, %reduce_min3A_1250 : vector<16xi32>
      %reduce_min3A_1252 = tpu.scan <min>, %reduce_min3A_1251 masked %reduce_min3A_1248 : vector<16xi32>, vector<16xi1> -> vector<16xi32>
      %reduce_min3A_1253 = arith.xori %reduce_min3A_1252, %reduce_min3A_1250 : vector<16xi32>
      %reduce_min3A_1254 = vector.extract %reduce_min3A_1253[15] : i32 from vector<16xi32>
      %add3A_1255 = arith.constant 12 : i32
      %add3A_1256 = arith.addi %mul3A_14, %add3A_1255 : i32
      %add3A_1257 = arith.constant 0 : i32
      %add3A_1258 = arith.addi %add3A_1256, %add3A_1257 : i32
      %broadcast_in_dim3A_1259 = vector.broadcast %add3A_1258 : i32 to vector<16xi32>
      %broadcast_in_dim3A_1260 = vector.broadcast %reduce_min3A_1254 : i32 to vector<16xi32>
      tpu.vector_store_idx %arg12[%broadcast_in_dim3A_1259], %broadcast_in_dim3A_1260 masked %eq3A_4 : memref<160xi32, #tpu.memory_space<vmem>>[vector<16xi32>], vector<16xi32>, vector<16xi1>
      %slice3A_1261 = vector.extract_strided_slice %get3A_33 {offsets = [12], sizes = [1], strides = [1]} : vector<16xf32> to vector<1xf32>
      %squeeze3A_1262 = vector.extract %slice3A_1261[0] : f32 from vector<1xf32>
      %add3A_1263 = arith.addf %reduce_min3A_1237, %squeeze3A_1262 : f32
      %broadcast_in_dim3A_1264 = vector.broadcast %add3A_1263 : f32 to vector<16xf32>
      tpu.vector_store_idx %arg13[%broadcast_in_dim3A_1259], %broadcast_in_dim3A_1264 masked %eq3A_4 : memref<160xf32, #tpu.memory_space<vmem>>[vector<16xi32>], vector<16xf32>, vector<16xi1>
      %lt3A_1265 = arith.cmpf olt, %scan3A_1226#9, %scan3A_1226#1 : vector<16xf32>
      %eq3A_1266 = arith.cmpf oeq, %scan3A_1226#9, %scan3A_1226#1 : vector<16xf32>
      %select_n3A_1267 = arith.select %lt3A_1265, %scan3A_1226#9, %scan3A_1226#1 : vector<16xi1>, vector<16xf32>
      %select_n3A_1268 = arith.select %lt3A_1265, %scan3A_1226#13, %scan3A_1226#5 : vector<16xi1>, vector<16xi32>
      %min3A_1269 = arith.minsi %scan3A_1226#5, %scan3A_1226#13 : vector<16xi32>
      %select_n3A_1270 = arith.select %eq3A_1266, %min3A_1269, %select_n3A_1268 : vector<16xi1>, vector<16xi32>
      %reduce_min3A_1271 = arith.constant true
      %reduce_min3A_1272 = vector.broadcast %reduce_min3A_1271 : i1 to vector<16xi1>
      %reduce_min3A_1273 = tpu.scan <min>, %select_n3A_1267 masked %reduce_min3A_1272 : vector<16xf32>, vector<16xi1> -> vector<16xf32>
      %reduce_min3A_1274 = vector.extract %reduce_min3A_1273[15] : f32 from vector<16xf32>
      %eq3A_1275 = vector.broadcast %reduce_min3A_1274 : f32 to vector<16xf32>
      %eq3A_1276 = arith.cmpf oeq, %select_n3A_1267, %eq3A_1275 : vector<16xf32>
      %mul3A_1277 = arith.constant 16 : i32
      %mul3A_1278 = vector.broadcast %mul3A_1277 : i32 to vector<16xi32>
      %mul3A_1279 = arith.muli %select_n3A_1270, %mul3A_1278 : vector<16xi32>
      %add3A_1280 = arith.addi %mul3A_1279, %iota3A : vector<16xi32>
      %jit3A_1281 = arith.constant 2048 : i32
      %broadcast_in_dim3A_1282 = vector.broadcast %jit3A_1281 : i32 to vector<16xi32>
      %select_n3A_1283 = arith.select %eq3A_1276, %add3A_1280, %broadcast_in_dim3A_1282 : vector<16xi1>, vector<16xi32>
      %reduce_min3A_1284 = arith.constant true
      %reduce_min3A_1285 = vector.broadcast %reduce_min3A_1284 : i1 to vector<16xi1>
      %reduce_min3A_1286 = arith.constant -2147483648 : i32
      %reduce_min3A_1287 = vector.broadcast %reduce_min3A_1286 : i32 to vector<16xi32>
      %reduce_min3A_1288 = arith.xori %select_n3A_1283, %reduce_min3A_1287 : vector<16xi32>
      %reduce_min3A_1289 = tpu.scan <min>, %reduce_min3A_1288 masked %reduce_min3A_1285 : vector<16xi32>, vector<16xi1> -> vector<16xi32>
      %reduce_min3A_1290 = arith.xori %reduce_min3A_1289, %reduce_min3A_1287 : vector<16xi32>
      %reduce_min3A_1291 = vector.extract %reduce_min3A_1290[15] : i32 from vector<16xi32>
      %add3A_1292 = arith.constant 12 : i32
      %add3A_1293 = arith.addi %mul3A_14, %add3A_1292 : i32
      %add3A_1294 = arith.constant 1 : i32
      %add3A_1295 = arith.addi %add3A_1293, %add3A_1294 : i32
      %broadcast_in_dim3A_1296 = vector.broadcast %add3A_1295 : i32 to vector<16xi32>
      %broadcast_in_dim3A_1297 = vector.broadcast %reduce_min3A_1291 : i32 to vector<16xi32>
      tpu.vector_store_idx %arg12[%broadcast_in_dim3A_1296], %broadcast_in_dim3A_1297 masked %eq3A_4 : memref<160xi32, #tpu.memory_space<vmem>>[vector<16xi32>], vector<16xi32>, vector<16xi1>
      %slice3A_1298 = vector.extract_strided_slice %get3A_33 {offsets = [13], sizes = [1], strides = [1]} : vector<16xf32> to vector<1xf32>
      %squeeze3A_1299 = vector.extract %slice3A_1298[0] : f32 from vector<1xf32>
      %add3A_1300 = arith.addf %reduce_min3A_1274, %squeeze3A_1299 : f32
      %broadcast_in_dim3A_1301 = vector.broadcast %add3A_1300 : f32 to vector<16xf32>
      tpu.vector_store_idx %arg13[%broadcast_in_dim3A_1296], %broadcast_in_dim3A_1301 masked %eq3A_4 : memref<160xf32, #tpu.memory_space<vmem>>[vector<16xi32>], vector<16xf32>, vector<16xi1>
      %lt3A_1302 = arith.cmpf olt, %scan3A_1226#10, %scan3A_1226#2 : vector<16xf32>
      %eq3A_1303 = arith.cmpf oeq, %scan3A_1226#10, %scan3A_1226#2 : vector<16xf32>
      %select_n3A_1304 = arith.select %lt3A_1302, %scan3A_1226#10, %scan3A_1226#2 : vector<16xi1>, vector<16xf32>
      %select_n3A_1305 = arith.select %lt3A_1302, %scan3A_1226#14, %scan3A_1226#6 : vector<16xi1>, vector<16xi32>
      %min3A_1306 = arith.minsi %scan3A_1226#6, %scan3A_1226#14 : vector<16xi32>
      %select_n3A_1307 = arith.select %eq3A_1303, %min3A_1306, %select_n3A_1305 : vector<16xi1>, vector<16xi32>
      %reduce_min3A_1308 = arith.constant true
      %reduce_min3A_1309 = vector.broadcast %reduce_min3A_1308 : i1 to vector<16xi1>
      %reduce_min3A_1310 = tpu.scan <min>, %select_n3A_1304 masked %reduce_min3A_1309 : vector<16xf32>, vector<16xi1> -> vector<16xf32>
      %reduce_min3A_1311 = vector.extract %reduce_min3A_1310[15] : f32 from vector<16xf32>
      %eq3A_1312 = vector.broadcast %reduce_min3A_1311 : f32 to vector<16xf32>
      %eq3A_1313 = arith.cmpf oeq, %select_n3A_1304, %eq3A_1312 : vector<16xf32>
      %mul3A_1314 = arith.constant 16 : i32
      %mul3A_1315 = vector.broadcast %mul3A_1314 : i32 to vector<16xi32>
      %mul3A_1316 = arith.muli %select_n3A_1307, %mul3A_1315 : vector<16xi32>
      %add3A_1317 = arith.addi %mul3A_1316, %iota3A : vector<16xi32>
      %jit3A_1318 = arith.constant 2048 : i32
      %broadcast_in_dim3A_1319 = vector.broadcast %jit3A_1318 : i32 to vector<16xi32>
      %select_n3A_1320 = arith.select %eq3A_1313, %add3A_1317, %broadcast_in_dim3A_1319 : vector<16xi1>, vector<16xi32>
      %reduce_min3A_1321 = arith.constant true
      %reduce_min3A_1322 = vector.broadcast %reduce_min3A_1321 : i1 to vector<16xi1>
      %reduce_min3A_1323 = arith.constant -2147483648 : i32
      %reduce_min3A_1324 = vector.broadcast %reduce_min3A_1323 : i32 to vector<16xi32>
      %reduce_min3A_1325 = arith.xori %select_n3A_1320, %reduce_min3A_1324 : vector<16xi32>
      %reduce_min3A_1326 = tpu.scan <min>, %reduce_min3A_1325 masked %reduce_min3A_1322 : vector<16xi32>, vector<16xi1> -> vector<16xi32>
      %reduce_min3A_1327 = arith.xori %reduce_min3A_1326, %reduce_min3A_1324 : vector<16xi32>
      %reduce_min3A_1328 = vector.extract %reduce_min3A_1327[15] : i32 from vector<16xi32>
      %add3A_1329 = arith.constant 12 : i32
      %add3A_1330 = arith.addi %mul3A_14, %add3A_1329 : i32
      %add3A_1331 = arith.constant 2 : i32
      %add3A_1332 = arith.addi %add3A_1330, %add3A_1331 : i32
      %broadcast_in_dim3A_1333 = vector.broadcast %add3A_1332 : i32 to vector<16xi32>
      %broadcast_in_dim3A_1334 = vector.broadcast %reduce_min3A_1328 : i32 to vector<16xi32>
      tpu.vector_store_idx %arg12[%broadcast_in_dim3A_1333], %broadcast_in_dim3A_1334 masked %eq3A_4 : memref<160xi32, #tpu.memory_space<vmem>>[vector<16xi32>], vector<16xi32>, vector<16xi1>
      %slice3A_1335 = vector.extract_strided_slice %get3A_33 {offsets = [14], sizes = [1], strides = [1]} : vector<16xf32> to vector<1xf32>
      %squeeze3A_1336 = vector.extract %slice3A_1335[0] : f32 from vector<1xf32>
      %add3A_1337 = arith.addf %reduce_min3A_1311, %squeeze3A_1336 : f32
      %broadcast_in_dim3A_1338 = vector.broadcast %add3A_1337 : f32 to vector<16xf32>
      tpu.vector_store_idx %arg13[%broadcast_in_dim3A_1333], %broadcast_in_dim3A_1338 masked %eq3A_4 : memref<160xf32, #tpu.memory_space<vmem>>[vector<16xi32>], vector<16xf32>, vector<16xi1>
      %lt3A_1339 = arith.cmpf olt, %scan3A_1226#11, %scan3A_1226#3 : vector<16xf32>
      %eq3A_1340 = arith.cmpf oeq, %scan3A_1226#11, %scan3A_1226#3 : vector<16xf32>
      %select_n3A_1341 = arith.select %lt3A_1339, %scan3A_1226#11, %scan3A_1226#3 : vector<16xi1>, vector<16xf32>
      %select_n3A_1342 = arith.select %lt3A_1339, %scan3A_1226#15, %scan3A_1226#7 : vector<16xi1>, vector<16xi32>
      %min3A_1343 = arith.minsi %scan3A_1226#7, %scan3A_1226#15 : vector<16xi32>
      %select_n3A_1344 = arith.select %eq3A_1340, %min3A_1343, %select_n3A_1342 : vector<16xi1>, vector<16xi32>
      %reduce_min3A_1345 = arith.constant true
      %reduce_min3A_1346 = vector.broadcast %reduce_min3A_1345 : i1 to vector<16xi1>
      %reduce_min3A_1347 = tpu.scan <min>, %select_n3A_1341 masked %reduce_min3A_1346 : vector<16xf32>, vector<16xi1> -> vector<16xf32>
      %reduce_min3A_1348 = vector.extract %reduce_min3A_1347[15] : f32 from vector<16xf32>
      %eq3A_1349 = vector.broadcast %reduce_min3A_1348 : f32 to vector<16xf32>
      %eq3A_1350 = arith.cmpf oeq, %select_n3A_1341, %eq3A_1349 : vector<16xf32>
      %mul3A_1351 = arith.constant 16 : i32
      %mul3A_1352 = vector.broadcast %mul3A_1351 : i32 to vector<16xi32>
      %mul3A_1353 = arith.muli %select_n3A_1344, %mul3A_1352 : vector<16xi32>
      %add3A_1354 = arith.addi %mul3A_1353, %iota3A : vector<16xi32>
      %jit3A_1355 = arith.constant 2048 : i32
      %broadcast_in_dim3A_1356 = vector.broadcast %jit3A_1355 : i32 to vector<16xi32>
      %select_n3A_1357 = arith.select %eq3A_1350, %add3A_1354, %broadcast_in_dim3A_1356 : vector<16xi1>, vector<16xi32>
      %reduce_min3A_1358 = arith.constant true
      %reduce_min3A_1359 = vector.broadcast %reduce_min3A_1358 : i1 to vector<16xi1>
      %reduce_min3A_1360 = arith.constant -2147483648 : i32
      %reduce_min3A_1361 = vector.broadcast %reduce_min3A_1360 : i32 to vector<16xi32>
      %reduce_min3A_1362 = arith.xori %select_n3A_1357, %reduce_min3A_1361 : vector<16xi32>
      %reduce_min3A_1363 = tpu.scan <min>, %reduce_min3A_1362 masked %reduce_min3A_1359 : vector<16xi32>, vector<16xi1> -> vector<16xi32>
      %reduce_min3A_1364 = arith.xori %reduce_min3A_1363, %reduce_min3A_1361 : vector<16xi32>
      %reduce_min3A_1365 = vector.extract %reduce_min3A_1364[15] : i32 from vector<16xi32>
      %add3A_1366 = arith.constant 12 : i32
      %add3A_1367 = arith.addi %mul3A_14, %add3A_1366 : i32
      %add3A_1368 = arith.constant 3 : i32
      %add3A_1369 = arith.addi %add3A_1367, %add3A_1368 : i32
      %broadcast_in_dim3A_1370 = vector.broadcast %add3A_1369 : i32 to vector<16xi32>
      %broadcast_in_dim3A_1371 = vector.broadcast %reduce_min3A_1365 : i32 to vector<16xi32>
      tpu.vector_store_idx %arg12[%broadcast_in_dim3A_1370], %broadcast_in_dim3A_1371 masked %eq3A_4 : memref<160xi32, #tpu.memory_space<vmem>>[vector<16xi32>], vector<16xi32>, vector<16xi1>
      %slice3A_1372 = vector.extract_strided_slice %get3A_33 {offsets = [15], sizes = [1], strides = [1]} : vector<16xf32> to vector<1xf32>
      %squeeze3A_1373 = vector.extract %slice3A_1372[0] : f32 from vector<1xf32>
      %add3A_1374 = arith.addf %reduce_min3A_1348, %squeeze3A_1373 : f32
      %broadcast_in_dim3A_1375 = vector.broadcast %add3A_1374 : f32 to vector<16xf32>
      tpu.vector_store_idx %arg13[%broadcast_in_dim3A_1370], %broadcast_in_dim3A_1375 masked %eq3A_4 : memref<160xf32, #tpu.memory_space<vmem>>[vector<16xi32>], vector<16xf32>, vector<16xi1>
      %scan3A_1376 = arith.constant 0 : i32
      scf.yield %scan3A_1376 : i32
    }
    %scan3A_10 = arith.constant 10 : i32
    "tpu.region"() ({
      %run_scoped3A = tpu.sem_alloc : memref<!tpu.dma_semaphore, #tpu.memory_space<semaphore_mem>>
      %dma_start3A = tpu.memref_slice %arg8[%mul3A_2] : memref<5120xi32, #tpu.memory_space<hbm>> -> memref<160xi32, #tpu.memory_space<hbm>>
      %dma_start3A_11 = tpu.memref_slice %arg8[%mul3A_2] : memref<5120xi32, #tpu.memory_space<hbm>> -> memref<160xi32, #tpu.memory_space<hbm>>
      tpu.enqueue_dma source(%arg12 : memref<160xi32, #tpu.memory_space<vmem>>) target(%dma_start3A_11 : memref<160xi32, #tpu.memory_space<hbm>>) target_semaphore(%run_scoped3A : memref<!tpu.dma_semaphore, #tpu.memory_space<semaphore_mem>>)
      %dma_wait3A = tpu.memref_slice %arg8[%mul3A_2] : memref<5120xi32, #tpu.memory_space<hbm>> -> memref<160xi32, #tpu.memory_space<hbm>>
      %dma_wait3A_12 = tpu.memref_slice %arg8[%mul3A_2] : memref<5120xi32, #tpu.memory_space<hbm>> -> memref<160xi32, #tpu.memory_space<hbm>>
      tpu.wait_dma2 semaphore(%run_scoped3A : memref<!tpu.dma_semaphore, #tpu.memory_space<semaphore_mem>>) src(%arg12 : memref<160xi32, #tpu.memory_space<vmem>>) dst(%dma_wait3A_12 : memref<160xi32, #tpu.memory_space<hbm>>)
      tpu.yield
    }) : () -> ()
    "tpu.region"() ({
      %run_scoped3A = tpu.sem_alloc : memref<!tpu.dma_semaphore, #tpu.memory_space<semaphore_mem>>
      %dma_start3A = tpu.memref_slice %arg9[%mul3A_2] : memref<5120xf32, #tpu.memory_space<hbm>> -> memref<160xf32, #tpu.memory_space<hbm>>
      %dma_start3A_11 = tpu.memref_slice %arg9[%mul3A_2] : memref<5120xf32, #tpu.memory_space<hbm>> -> memref<160xf32, #tpu.memory_space<hbm>>
      tpu.enqueue_dma source(%arg13 : memref<160xf32, #tpu.memory_space<vmem>>) target(%dma_start3A_11 : memref<160xf32, #tpu.memory_space<hbm>>) target_semaphore(%run_scoped3A : memref<!tpu.dma_semaphore, #tpu.memory_space<semaphore_mem>>)
      %dma_wait3A = tpu.memref_slice %arg9[%mul3A_2] : memref<5120xf32, #tpu.memory_space<hbm>> -> memref<160xf32, #tpu.memory_space<hbm>>
      %dma_wait3A_12 = tpu.memref_slice %arg9[%mul3A_2] : memref<5120xf32, #tpu.memory_space<hbm>> -> memref<160xf32, #tpu.memory_space<hbm>>
      tpu.wait_dma2 semaphore(%run_scoped3A : memref<!tpu.dma_semaphore, #tpu.memory_space<semaphore_mem>>) src(%arg13 : memref<160xf32, #tpu.memory_space<vmem>>) dst(%dma_wait3A_12 : memref<160xf32, #tpu.memory_space<hbm>>)
      tpu.yield
    }) : () -> ()
    return
  }
}

module attributes {stable_mosaic.version = 14 : i64} {
  func.func @_prep_body(%arg0: i32, %arg1: memref<6x5120xf32, #tpu.memory_space<vmem>>, %arg2: memref<1x5120xf32, #tpu.memory_space<vmem>>, %arg3: memref<6x2048xf32, #tpu.memory_space<vmem>>, %arg4: memref<5120xf32, #tpu.memory_space<vmem>>, %arg5: memref<5120xf32, #tpu.memory_space<vmem>>, %arg6: memref<5120xf32, #tpu.memory_space<vmem>>, %arg7: memref<5120xf32, #tpu.memory_space<vmem>>, %arg8: memref<5120xf32, #tpu.memory_space<vmem>>, %arg9: memref<8x2048xf32, #tpu.memory_space<vmem>>) attributes {dimension_semantics = [#tpu.dimension_semantics<arbitrary>], iteration_bounds = array<i64: 1>, scalar_prefetch = 0 : i64, scratch_operands = 0 : i64, tpu.core_type = #tpu.core_type<tc>, window_params = [{transform_indices = @transform_0, window_bounds = array<i64: 6, 5120>}, {transform_indices = @transform_1, window_bounds = array<i64: 1, 5120>}, {pipeline_mode = #tpu.pipeline_mode<synchronous>, transform_indices = @transform_2, window_bounds = array<i64: 6, 2048>}, {pipeline_mode = #tpu.pipeline_mode<synchronous>, transform_indices = @transform_3, window_bounds = array<i64: 5120>}, {pipeline_mode = #tpu.pipeline_mode<synchronous>, transform_indices = @transform_4, window_bounds = array<i64: 5120>}, {pipeline_mode = #tpu.pipeline_mode<synchronous>, transform_indices = @transform_5, window_bounds = array<i64: 5120>}, {pipeline_mode = #tpu.pipeline_mode<synchronous>, transform_indices = @transform_6, window_bounds = array<i64: 5120>}, {pipeline_mode = #tpu.pipeline_mode<synchronous>, transform_indices = @transform_7, window_bounds = array<i64: 5120>}, {pipeline_mode = #tpu.pipeline_mode<synchronous>, transform_indices = @transform_8, window_bounds = array<i64: 8, 2048>}]} {
    %get3A = arith.constant 0 : index
    %get3A_0 = arith.constant 0 : index
    %get3A_1 = vector.load %arg1[%get3A, %get3A_0] : memref<6x5120xf32, #tpu.memory_space<vmem>>, vector<6x5120xf32>
    %get3A_2 = arith.constant 0 : index
    %get3A_3 = arith.constant 0 : index
    %get3A_4 = vector.load %arg2[%get3A_2, %get3A_3] : memref<1x5120xf32, #tpu.memory_space<vmem>>, vector<1x5120xf32>
    %cos3A = math.cos %get3A_4 : vector<1x5120xf32>
    %sin3A = math.sin %get3A_4 : vector<1x5120xf32>
    %slice3A = vector.extract_strided_slice %get3A_1 {offsets = [2, 0], sizes = [1, 5120], strides = [1, 1]} : vector<6x5120xf32> to vector<1x5120xf32>
    %slice3A_5 = vector.extract_strided_slice %get3A_1 {offsets = [0, 0], sizes = [1, 5120], strides = [1, 1]} : vector<6x5120xf32> to vector<1x5120xf32>
    %sub3A = arith.subf %slice3A, %slice3A_5 : vector<1x5120xf32>
    %slice3A_6 = vector.extract_strided_slice %get3A_1 {offsets = [3, 0], sizes = [1, 5120], strides = [1, 1]} : vector<6x5120xf32> to vector<1x5120xf32>
    %slice3A_7 = vector.extract_strided_slice %get3A_1 {offsets = [1, 0], sizes = [1, 5120], strides = [1, 1]} : vector<6x5120xf32> to vector<1x5120xf32>
    %sub3A_8 = arith.subf %slice3A_6, %slice3A_7 : vector<1x5120xf32>
    %slice3A_9 = vector.extract_strided_slice %get3A_1 {offsets = [4, 0], sizes = [1, 5120], strides = [1, 1]} : vector<6x5120xf32> to vector<1x5120xf32>
    %slice3A_10 = vector.extract_strided_slice %get3A_1 {offsets = [0, 0], sizes = [1, 5120], strides = [1, 1]} : vector<6x5120xf32> to vector<1x5120xf32>
    %sub3A_11 = arith.subf %slice3A_9, %slice3A_10 : vector<1x5120xf32>
    %slice3A_12 = vector.extract_strided_slice %get3A_1 {offsets = [5, 0], sizes = [1, 5120], strides = [1, 1]} : vector<6x5120xf32> to vector<1x5120xf32>
    %slice3A_13 = vector.extract_strided_slice %get3A_1 {offsets = [1, 0], sizes = [1, 5120], strides = [1, 1]} : vector<6x5120xf32> to vector<1x5120xf32>
    %sub3A_14 = arith.subf %slice3A_12, %slice3A_13 : vector<1x5120xf32>
    %mul3A = arith.mulf %sub3A, %cos3A : vector<1x5120xf32>
    %mul3A_15 = arith.mulf %sub3A_8, %sin3A : vector<1x5120xf32>
    %add3A = arith.addf %mul3A, %mul3A_15 : vector<1x5120xf32>
    %mul3A_16 = arith.mulf %sub3A_8, %cos3A : vector<1x5120xf32>
    %mul3A_17 = arith.mulf %sub3A, %sin3A : vector<1x5120xf32>
    %sub3A_18 = arith.subf %mul3A_16, %mul3A_17 : vector<1x5120xf32>
    %mul3A_19 = arith.mulf %sub3A_11, %cos3A : vector<1x5120xf32>
    %mul3A_20 = arith.mulf %sub3A_14, %sin3A : vector<1x5120xf32>
    %add3A_21 = arith.addf %mul3A_19, %mul3A_20 : vector<1x5120xf32>
    %mul3A_22 = arith.mulf %sub3A_14, %cos3A : vector<1x5120xf32>
    %mul3A_23 = arith.mulf %sub3A_11, %sin3A : vector<1x5120xf32>
    %sub3A_24 = arith.subf %mul3A_22, %mul3A_23 : vector<1x5120xf32>
    %mul3A_25 = arith.mulf %sub3A, %sub3A : vector<1x5120xf32>
    %mul3A_26 = arith.mulf %sub3A_8, %sub3A_8 : vector<1x5120xf32>
    %add3A_27 = arith.addf %mul3A_25, %mul3A_26 : vector<1x5120xf32>
    %mul3A_28 = arith.mulf %sub3A_11, %sub3A_11 : vector<1x5120xf32>
    %add3A_29 = arith.addf %add3A_27, %mul3A_28 : vector<1x5120xf32>
    %mul3A_30 = arith.mulf %sub3A_14, %sub3A_14 : vector<1x5120xf32>
    %add3A_31 = arith.addf %add3A_29, %mul3A_30 : vector<1x5120xf32>
    %squeeze3A = vector.shape_cast %add3A : vector<1x5120xf32> to vector<5120xf32>
    %swap3A = arith.constant 0 : index
    %swap3A_32 = vector.load %arg4[%swap3A] : memref<5120xf32, #tpu.memory_space<vmem>>, vector<5120xf32>
    tpu.vector_store %arg4[%swap3A], %squeeze3A {strides = array<i32>} : memref<5120xf32, #tpu.memory_space<vmem>>, vector<5120xf32>,
    %squeeze3A_33 = vector.shape_cast %sub3A_18 : vector<1x5120xf32> to vector<5120xf32>
    %swap3A_34 = arith.constant 0 : index
    %swap3A_35 = vector.load %arg5[%swap3A_34] : memref<5120xf32, #tpu.memory_space<vmem>>, vector<5120xf32>
    tpu.vector_store %arg5[%swap3A_34], %squeeze3A_33 {strides = array<i32>} : memref<5120xf32, #tpu.memory_space<vmem>>, vector<5120xf32>,
    %squeeze3A_36 = vector.shape_cast %add3A_21 : vector<1x5120xf32> to vector<5120xf32>
    %swap3A_37 = arith.constant 0 : index
    %swap3A_38 = vector.load %arg6[%swap3A_37] : memref<5120xf32, #tpu.memory_space<vmem>>, vector<5120xf32>
    tpu.vector_store %arg6[%swap3A_37], %squeeze3A_36 {strides = array<i32>} : memref<5120xf32, #tpu.memory_space<vmem>>, vector<5120xf32>,
    %squeeze3A_39 = vector.shape_cast %sub3A_24 : vector<1x5120xf32> to vector<5120xf32>
    %swap3A_40 = arith.constant 0 : index
    %swap3A_41 = vector.load %arg7[%swap3A_40] : memref<5120xf32, #tpu.memory_space<vmem>>, vector<5120xf32>
    tpu.vector_store %arg7[%swap3A_40], %squeeze3A_39 {strides = array<i32>} : memref<5120xf32, #tpu.memory_space<vmem>>, vector<5120xf32>,
    %squeeze3A_42 = vector.shape_cast %add3A_31 : vector<1x5120xf32> to vector<5120xf32>
    %swap3A_43 = arith.constant 0 : index
    %swap3A_44 = vector.load %arg8[%swap3A_43] : memref<5120xf32, #tpu.memory_space<vmem>>, vector<5120xf32>
    tpu.vector_store %arg8[%swap3A_43], %squeeze3A_42 {strides = array<i32>} : memref<5120xf32, #tpu.memory_space<vmem>>, vector<5120xf32>,
    %get3A_45 = arith.constant 0 : index
    %get3A_46 = arith.constant 0 : index
    %get3A_47 = vector.load %arg3[%get3A_45, %get3A_46] : memref<6x2048xf32, #tpu.memory_space<vmem>>, vector<6x2048xf32>
    %slice3A_48 = vector.extract_strided_slice %get3A_47 {offsets = [2, 0], sizes = [1, 2048], strides = [1, 1]} : vector<6x2048xf32> to vector<1x2048xf32>
    %slice3A_49 = vector.extract_strided_slice %get3A_47 {offsets = [3, 0], sizes = [1, 2048], strides = [1, 1]} : vector<6x2048xf32> to vector<1x2048xf32>
    %slice3A_50 = vector.extract_strided_slice %get3A_47 {offsets = [4, 0], sizes = [1, 2048], strides = [1, 1]} : vector<6x2048xf32> to vector<1x2048xf32>
    %slice3A_51 = vector.extract_strided_slice %get3A_47 {offsets = [5, 0], sizes = [1, 2048], strides = [1, 1]} : vector<6x2048xf32> to vector<1x2048xf32>
    %slice3A_52 = vector.extract_strided_slice %get3A_47 {offsets = [0, 0], sizes = [1, 2048], strides = [1, 1]} : vector<6x2048xf32> to vector<1x2048xf32>
    %slice3A_53 = vector.extract_strided_slice %get3A_47 {offsets = [0, 0], sizes = [1, 2048], strides = [1, 1]} : vector<6x2048xf32> to vector<1x2048xf32>
    %mul3A_54 = arith.mulf %slice3A_52, %slice3A_53 : vector<1x2048xf32>
    %slice3A_55 = vector.extract_strided_slice %get3A_47 {offsets = [1, 0], sizes = [1, 2048], strides = [1, 1]} : vector<6x2048xf32> to vector<1x2048xf32>
    %slice3A_56 = vector.extract_strided_slice %get3A_47 {offsets = [1, 0], sizes = [1, 2048], strides = [1, 1]} : vector<6x2048xf32> to vector<1x2048xf32>
    %mul3A_57 = arith.mulf %slice3A_55, %slice3A_56 : vector<1x2048xf32>
    %add3A_58 = arith.addf %mul3A_54, %mul3A_57 : vector<1x2048xf32>
    %mul3A_59 = arith.mulf %slice3A_48, %slice3A_48 : vector<1x2048xf32>
    %add3A_60 = arith.addf %add3A_58, %mul3A_59 : vector<1x2048xf32>
    %mul3A_61 = arith.mulf %slice3A_49, %slice3A_49 : vector<1x2048xf32>
    %add3A_62 = arith.addf %add3A_60, %mul3A_61 : vector<1x2048xf32>
    %mul3A_63 = arith.mulf %slice3A_50, %slice3A_50 : vector<1x2048xf32>
    %add3A_64 = arith.addf %add3A_62, %mul3A_63 : vector<1x2048xf32>
    %mul3A_65 = arith.mulf %slice3A_51, %slice3A_51 : vector<1x2048xf32>
    %add3A_66 = arith.addf %add3A_64, %mul3A_65 : vector<1x2048xf32>
    %broadcast_in_dim3A = arith.constant 0.000000e+00 : f32
    %broadcast_in_dim3A_67 = vector.broadcast %broadcast_in_dim3A : f32 to vector<3x2048xf32>
    %mul3A_68 = arith.constant 2.000000e+00 : f32
    %mul3A_69 = vector.broadcast %mul3A_68 : f32 to vector<1x2048xf32>
    %mul3A_70 = arith.mulf %mul3A_69, %slice3A_48 : vector<1x2048xf32>
    %mul3A_71 = arith.constant 2.000000e+00 : f32
    %mul3A_72 = vector.broadcast %mul3A_71 : f32 to vector<1x2048xf32>
    %mul3A_73 = arith.mulf %mul3A_72, %slice3A_49 : vector<1x2048xf32>
    %mul3A_74 = arith.constant 2.000000e+00 : f32
    %mul3A_75 = vector.broadcast %mul3A_74 : f32 to vector<1x2048xf32>
    %mul3A_76 = arith.mulf %mul3A_75, %slice3A_50 : vector<1x2048xf32>
    %mul3A_77 = arith.constant 2.000000e+00 : f32
    %mul3A_78 = vector.broadcast %mul3A_77 : f32 to vector<1x2048xf32>
    %mul3A_79 = arith.mulf %mul3A_78, %slice3A_51 : vector<1x2048xf32>
    %concatenate3A = tpu.concatenate %mul3A_70, %mul3A_73, %mul3A_76, %mul3A_79, %add3A_66, %broadcast_in_dim3A_67 in 0 : vector<1x2048xf32>, vector<1x2048xf32>, vector<1x2048xf32>, vector<1x2048xf32>, vector<1x2048xf32>, vector<3x2048xf32> -> vector<8x2048xf32>
    %swap3A_80 = arith.constant 0 : index
    %swap3A_81 = arith.constant 0 : index
    %swap3A_82 = vector.load %arg9[%swap3A_80, %swap3A_81] : memref<8x2048xf32, #tpu.memory_space<vmem>>, vector<8x2048xf32>
    tpu.vector_store %arg9[%swap3A_80, %swap3A_81], %concatenate3A {strides = array<i32>} : memref<8x2048xf32, #tpu.memory_space<vmem>>, vector<8x2048xf32>,
    return
  }
  func.func @transform_0(%arg0: i32) -> (i32, i32) {
    %c0_i32 = arith.constant 0 : i32
    %c0_i32_0 = arith.constant 0 : i32
    %c0_i32_1 = arith.constant 0 : i32
    return %c0_i32, %c0_i32_0 : i32, i32
  }
  func.func @transform_1(%arg0: i32) -> (i32, i32) {
    %c0_i32 = arith.constant 0 : i32
    %c0_i32_0 = arith.constant 0 : i32
    %c0_i32_1 = arith.constant 0 : i32
    return %c0_i32, %c0_i32_0 : i32, i32
  }
  func.func @transform_2(%arg0: i32) -> (i32, i32) {
    %c0_i32 = arith.constant 0 : i32
    %c0_i32_0 = arith.constant 0 : i32
    %c0_i32_1 = arith.constant 0 : i32
    return %c0_i32, %c0_i32_0 : i32, i32
  }
  func.func @transform_3(%arg0: i32) -> i32 {
    %c0_i32 = arith.constant 0 : i32
    %c0_i32_0 = arith.constant 0 : i32
    return %c0_i32 : i32
  }
  func.func @transform_4(%arg0: i32) -> i32 {
    %c0_i32 = arith.constant 0 : i32
    %c0_i32_0 = arith.constant 0 : i32
    return %c0_i32 : i32
  }
  func.func @transform_5(%arg0: i32) -> i32 {
    %c0_i32 = arith.constant 0 : i32
    %c0_i32_0 = arith.constant 0 : i32
    return %c0_i32 : i32
  }
  func.func @transform_6(%arg0: i32) -> i32 {
    %c0_i32 = arith.constant 0 : i32
    %c0_i32_0 = arith.constant 0 : i32
    return %c0_i32 : i32
  }
  func.func @transform_7(%arg0: i32) -> i32 {
    %c0_i32 = arith.constant 0 : i32
    %c0_i32_0 = arith.constant 0 : i32
    return %c0_i32 : i32
  }
  func.func @transform_8(%arg0: i32) -> (i32, i32) {
    %c0_i32 = arith.constant 0 : i32
    %c0_i32_0 = arith.constant 0 : i32
    %c0_i32_1 = arith.constant 0 : i32
    return %c0_i32, %c0_i32_0 : i32, i32
  }
}

module attributes {stable_mosaic.version = 14 : i64} {
  func.func @_tc_match_body(%arg0: i32, %arg1: memref<6x1024xf32, #tpu.memory_space<vmem>>, %arg2: memref<1x1024xf32, #tpu.memory_space<vmem>>, %arg3: memref<2048x6xf32, #tpu.memory_space<vmem>>, %arg4: memref<1x1024xi32, #tpu.memory_space<vmem>>, %arg5: memref<1x1024xf32, #tpu.memory_space<vmem>>) attributes {dimension_semantics = [#tpu.dimension_semantics<arbitrary>], iteration_bounds = array<i64: 11>, scalar_prefetch = 0 : i64, scratch_operands = 0 : i64, tpu.core_type = #tpu.core_type<tc>, window_params = [{transform_indices = @transform_0, window_bounds = array<i64: 6, 1024>}, {transform_indices = @transform_1, window_bounds = array<i64: 1, 1024>}, {pipeline_mode = #tpu.pipeline_mode<synchronous>, transform_indices = @transform_2, window_bounds = array<i64: 2048, 6>}, {transform_indices = @transform_3, window_bounds = array<i64: 1, 1024>}, {transform_indices = @transform_4, window_bounds = array<i64: 1, 1024>}]} {
    %get3A = arith.constant 0 : index
    %get3A_0 = arith.constant 0 : index
    %get3A_1 = vector.load %arg1[%get3A, %get3A_0] : memref<6x1024xf32, #tpu.memory_space<vmem>>, vector<6x1024xf32>
    %get3A_2 = arith.constant 0 : index
    %get3A_3 = arith.constant 0 : index
    %get3A_4 = vector.load %arg2[%get3A_2, %get3A_3] : memref<1x1024xf32, #tpu.memory_space<vmem>>, vector<1x1024xf32>
    %cos3A = math.cos %get3A_4 : vector<1x1024xf32>
    %sin3A = math.sin %get3A_4 : vector<1x1024xf32>
    %slice3A = vector.extract_strided_slice %get3A_1 {offsets = [2, 0], sizes = [1, 1024], strides = [1, 1]} : vector<6x1024xf32> to vector<1x1024xf32>
    %slice3A_5 = vector.extract_strided_slice %get3A_1 {offsets = [0, 0], sizes = [1, 1024], strides = [1, 1]} : vector<6x1024xf32> to vector<1x1024xf32>
    %sub3A = arith.subf %slice3A, %slice3A_5 : vector<1x1024xf32>
    %slice3A_6 = vector.extract_strided_slice %get3A_1 {offsets = [3, 0], sizes = [1, 1024], strides = [1, 1]} : vector<6x1024xf32> to vector<1x1024xf32>
    %slice3A_7 = vector.extract_strided_slice %get3A_1 {offsets = [1, 0], sizes = [1, 1024], strides = [1, 1]} : vector<6x1024xf32> to vector<1x1024xf32>
    %sub3A_8 = arith.subf %slice3A_6, %slice3A_7 : vector<1x1024xf32>
    %slice3A_9 = vector.extract_strided_slice %get3A_1 {offsets = [4, 0], sizes = [1, 1024], strides = [1, 1]} : vector<6x1024xf32> to vector<1x1024xf32>
    %slice3A_10 = vector.extract_strided_slice %get3A_1 {offsets = [0, 0], sizes = [1, 1024], strides = [1, 1]} : vector<6x1024xf32> to vector<1x1024xf32>
    %sub3A_11 = arith.subf %slice3A_9, %slice3A_10 : vector<1x1024xf32>
    %slice3A_12 = vector.extract_strided_slice %get3A_1 {offsets = [5, 0], sizes = [1, 1024], strides = [1, 1]} : vector<6x1024xf32> to vector<1x1024xf32>
    %slice3A_13 = vector.extract_strided_slice %get3A_1 {offsets = [1, 0], sizes = [1, 1024], strides = [1, 1]} : vector<6x1024xf32> to vector<1x1024xf32>
    %sub3A_14 = arith.subf %slice3A_12, %slice3A_13 : vector<1x1024xf32>
    %mul3A = arith.mulf %sub3A, %cos3A : vector<1x1024xf32>
    %mul3A_15 = arith.mulf %sub3A_8, %sin3A : vector<1x1024xf32>
    %add3A = arith.addf %mul3A, %mul3A_15 : vector<1x1024xf32>
    %mul3A_16 = arith.mulf %sub3A_8, %cos3A : vector<1x1024xf32>
    %mul3A_17 = arith.mulf %sub3A, %sin3A : vector<1x1024xf32>
    %sub3A_18 = arith.subf %mul3A_16, %mul3A_17 : vector<1x1024xf32>
    %mul3A_19 = arith.mulf %sub3A_11, %cos3A : vector<1x1024xf32>
    %mul3A_20 = arith.mulf %sub3A_14, %sin3A : vector<1x1024xf32>
    %add3A_21 = arith.addf %mul3A_19, %mul3A_20 : vector<1x1024xf32>
    %mul3A_22 = arith.mulf %sub3A_14, %cos3A : vector<1x1024xf32>
    %mul3A_23 = arith.mulf %sub3A_11, %sin3A : vector<1x1024xf32>
    %sub3A_24 = arith.subf %mul3A_22, %mul3A_23 : vector<1x1024xf32>
    %mul3A_25 = arith.mulf %sub3A, %sub3A : vector<1x1024xf32>
    %mul3A_26 = arith.mulf %sub3A_8, %sub3A_8 : vector<1x1024xf32>
    %add3A_27 = arith.addf %mul3A_25, %mul3A_26 : vector<1x1024xf32>
    %mul3A_28 = arith.mulf %sub3A_11, %sub3A_11 : vector<1x1024xf32>
    %add3A_29 = arith.addf %add3A_27, %mul3A_28 : vector<1x1024xf32>
    %mul3A_30 = arith.mulf %sub3A_14, %sub3A_14 : vector<1x1024xf32>
    %add3A_31 = arith.addf %add3A_29, %mul3A_30 : vector<1x1024xf32>
    %get3A_32 = arith.constant 0 : index
    %get3A_33 = arith.constant 0 : index
    %get3A_34 = vector.load %arg3[%get3A_32, %get3A_33] : memref<2048x6xf32, #tpu.memory_space<vmem>>, vector<2048x6xf32>
    %mul3A_35 = arith.mulf %get3A_34, %get3A_34 : vector<2048x6xf32>
    %reduce_sum3A = arith.constant dense<0.000000e+00> : vector<2048xf32>
    %reduce_sum3A_36 = vector.multi_reduction <add>, %mul3A_35, %reduce_sum3A [1] : vector<2048x6xf32> to vector<2048xf32>
    %broadcast_in_dim3A = vector.shape_cast %reduce_sum3A_36 : vector<2048xf32> to vector<2048x1xf32>
    %broadcast_in_dim3A_37 = arith.constant 0x7F800000 : f32
    %broadcast_in_dim3A_38 = vector.broadcast %broadcast_in_dim3A_37 : f32 to vector<1x1024xf32>
    %broadcast_in_dim3A_39 = arith.constant 2048 : i32
    %broadcast_in_dim3A_40 = vector.broadcast %broadcast_in_dim3A_39 : i32 to vector<1x1024xi32>
    %iota3A = tpu.iota {dimensions = array<i32: 0>} : vector<512x1024xi32>
    %slice3A_41 = vector.extract_strided_slice %get3A_34 {offsets = [0, 2], sizes = [512, 1], strides = [1, 1]} : vector<2048x6xf32> to vector<512x1xf32>
    %slice3A_42 = vector.extract_strided_slice %get3A_34 {offsets = [0, 3], sizes = [512, 1], strides = [1, 1]} : vector<2048x6xf32> to vector<512x1xf32>
    %slice3A_43 = vector.extract_strided_slice %get3A_34 {offsets = [0, 4], sizes = [512, 1], strides = [1, 1]} : vector<2048x6xf32> to vector<512x1xf32>
    %slice3A_44 = vector.extract_strided_slice %get3A_34 {offsets = [0, 5], sizes = [512, 1], strides = [1, 1]} : vector<2048x6xf32> to vector<512x1xf32>
    %slice3A_45 = vector.extract_strided_slice %broadcast_in_dim3A {offsets = [0, 0], sizes = [512, 1], strides = [1, 1]} : vector<2048x1xf32> to vector<512x1xf32>
    %add3A_46 = arith.addf %slice3A_41, %slice3A_41 : vector<512x1xf32>
    %mul3A_47 = vector.broadcast %add3A_46 : vector<512x1xf32> to vector<512x1024xf32>
    %mul3A_48 = vector.broadcast %add3A : vector<1x1024xf32> to vector<512x1024xf32>
    %mul3A_49 = arith.mulf %mul3A_47, %mul3A_48 : vector<512x1024xf32>
    %add3A_50 = arith.addf %slice3A_42, %slice3A_42 : vector<512x1xf32>
    %mul3A_51 = vector.broadcast %add3A_50 : vector<512x1xf32> to vector<512x1024xf32>
    %mul3A_52 = vector.broadcast %sub3A_18 : vector<1x1024xf32> to vector<512x1024xf32>
    %mul3A_53 = arith.mulf %mul3A_51, %mul3A_52 : vector<512x1024xf32>
    %add3A_54 = arith.addf %mul3A_49, %mul3A_53 : vector<512x1024xf32>
    %add3A_55 = arith.addf %slice3A_43, %slice3A_43 : vector<512x1xf32>
    %mul3A_56 = vector.broadcast %add3A_55 : vector<512x1xf32> to vector<512x1024xf32>
    %mul3A_57 = vector.broadcast %add3A_21 : vector<1x1024xf32> to vector<512x1024xf32>
    %mul3A_58 = arith.mulf %mul3A_56, %mul3A_57 : vector<512x1024xf32>
    %add3A_59 = arith.addf %add3A_54, %mul3A_58 : vector<512x1024xf32>
    %add3A_60 = arith.addf %slice3A_44, %slice3A_44 : vector<512x1xf32>
    %mul3A_61 = vector.broadcast %add3A_60 : vector<512x1xf32> to vector<512x1024xf32>
    %mul3A_62 = vector.broadcast %sub3A_24 : vector<1x1024xf32> to vector<512x1024xf32>
    %mul3A_63 = arith.mulf %mul3A_61, %mul3A_62 : vector<512x1024xf32>
    %add3A_64 = arith.addf %add3A_59, %mul3A_63 : vector<512x1024xf32>
    %sub3A_65 = vector.broadcast %slice3A_45 : vector<512x1xf32> to vector<512x1024xf32>
    %sub3A_66 = arith.subf %sub3A_65, %add3A_64 : vector<512x1024xf32>
    %reduce_min3A = arith.constant dense<0x7F800000> : vector<1024xf32>
    %reduce_min3A_67 = vector.multi_reduction <minimumf>, %sub3A_66, %reduce_min3A [0] : vector<512x1024xf32> to vector<1024xf32>
    %broadcast_in_dim3A_68 = vector.shape_cast %reduce_min3A_67 : vector<1024xf32> to vector<1x1024xf32>
    %le3A = vector.broadcast %broadcast_in_dim3A_68 : vector<1x1024xf32> to vector<512x1024xf32>
    %le3A_69 = arith.cmpf ole, %sub3A_66, %le3A : vector<512x1024xf32>
    %jit3A = arith.constant 2048 : i32
    %broadcast_in_dim3A_70 = vector.broadcast %jit3A : i32 to vector<512x1024xi32>
    %select_n3A = arith.select %le3A_69, %iota3A, %broadcast_in_dim3A_70 : vector<512x1024xi1>, vector<512x1024xi32>
    %reduce_min3A_71 = arith.constant dense<2147483647> : vector<1024xi32>
    %reduce_min3A_72 = vector.multi_reduction <minsi>, %select_n3A, %reduce_min3A_71 [0] : vector<512x1024xi32> to vector<1024xi32>
    %broadcast_in_dim3A_73 = vector.shape_cast %reduce_min3A_72 : vector<1024xi32> to vector<1x1024xi32>
    %add3A_74 = arith.constant 0 : i32
    %add3A_75 = vector.broadcast %add3A_74 : i32 to vector<1x1024xi32>
    %add3A_76 = arith.addi %broadcast_in_dim3A_73, %add3A_75 : vector<1x1024xi32>
    %lt3A = arith.cmpf olt, %broadcast_in_dim3A_68, %broadcast_in_dim3A_38 : vector<1x1024xf32>
    %select_n3A_77 = arith.select %lt3A, %broadcast_in_dim3A_68, %broadcast_in_dim3A_38 : vector<1x1024xi1>, vector<1x1024xf32>
    %select_n3A_78 = arith.select %lt3A, %add3A_76, %broadcast_in_dim3A_40 : vector<1x1024xi1>, vector<1x1024xi32>
    %slice3A_79 = vector.extract_strided_slice %get3A_34 {offsets = [512, 2], sizes = [512, 1], strides = [1, 1]} : vector<2048x6xf32> to vector<512x1xf32>
    %slice3A_80 = vector.extract_strided_slice %get3A_34 {offsets = [512, 3], sizes = [512, 1], strides = [1, 1]} : vector<2048x6xf32> to vector<512x1xf32>
    %slice3A_81 = vector.extract_strided_slice %get3A_34 {offsets = [512, 4], sizes = [512, 1], strides = [1, 1]} : vector<2048x6xf32> to vector<512x1xf32>
    %slice3A_82 = vector.extract_strided_slice %get3A_34 {offsets = [512, 5], sizes = [512, 1], strides = [1, 1]} : vector<2048x6xf32> to vector<512x1xf32>
    %slice3A_83 = vector.extract_strided_slice %broadcast_in_dim3A {offsets = [512, 0], sizes = [512, 1], strides = [1, 1]} : vector<2048x1xf32> to vector<512x1xf32>
    %add3A_84 = arith.addf %slice3A_79, %slice3A_79 : vector<512x1xf32>
    %mul3A_85 = vector.broadcast %add3A_84 : vector<512x1xf32> to vector<512x1024xf32>
    %mul3A_86 = vector.broadcast %add3A : vector<1x1024xf32> to vector<512x1024xf32>
    %mul3A_87 = arith.mulf %mul3A_85, %mul3A_86 : vector<512x1024xf32>
    %add3A_88 = arith.addf %slice3A_80, %slice3A_80 : vector<512x1xf32>
    %mul3A_89 = vector.broadcast %add3A_88 : vector<512x1xf32> to vector<512x1024xf32>
    %mul3A_90 = vector.broadcast %sub3A_18 : vector<1x1024xf32> to vector<512x1024xf32>
    %mul3A_91 = arith.mulf %mul3A_89, %mul3A_90 : vector<512x1024xf32>
    %add3A_92 = arith.addf %mul3A_87, %mul3A_91 : vector<512x1024xf32>
    %add3A_93 = arith.addf %slice3A_81, %slice3A_81 : vector<512x1xf32>
    %mul3A_94 = vector.broadcast %add3A_93 : vector<512x1xf32> to vector<512x1024xf32>
    %mul3A_95 = vector.broadcast %add3A_21 : vector<1x1024xf32> to vector<512x1024xf32>
    %mul3A_96 = arith.mulf %mul3A_94, %mul3A_95 : vector<512x1024xf32>
    %add3A_97 = arith.addf %add3A_92, %mul3A_96 : vector<512x1024xf32>
    %add3A_98 = arith.addf %slice3A_82, %slice3A_82 : vector<512x1xf32>
    %mul3A_99 = vector.broadcast %add3A_98 : vector<512x1xf32> to vector<512x1024xf32>
    %mul3A_100 = vector.broadcast %sub3A_24 : vector<1x1024xf32> to vector<512x1024xf32>
    %mul3A_101 = arith.mulf %mul3A_99, %mul3A_100 : vector<512x1024xf32>
    %add3A_102 = arith.addf %add3A_97, %mul3A_101 : vector<512x1024xf32>
    %sub3A_103 = vector.broadcast %slice3A_83 : vector<512x1xf32> to vector<512x1024xf32>
    %sub3A_104 = arith.subf %sub3A_103, %add3A_102 : vector<512x1024xf32>
    %reduce_min3A_105 = arith.constant dense<0x7F800000> : vector<1024xf32>
    %reduce_min3A_106 = vector.multi_reduction <minimumf>, %sub3A_104, %reduce_min3A_105 [0] : vector<512x1024xf32> to vector<1024xf32>
    %broadcast_in_dim3A_107 = vector.shape_cast %reduce_min3A_106 : vector<1024xf32> to vector<1x1024xf32>
    %le3A_108 = vector.broadcast %broadcast_in_dim3A_107 : vector<1x1024xf32> to vector<512x1024xf32>
    %le3A_109 = arith.cmpf ole, %sub3A_104, %le3A_108 : vector<512x1024xf32>
    %jit3A_110 = arith.constant 2048 : i32
    %broadcast_in_dim3A_111 = vector.broadcast %jit3A_110 : i32 to vector<512x1024xi32>
    %select_n3A_112 = arith.select %le3A_109, %iota3A, %broadcast_in_dim3A_111 : vector<512x1024xi1>, vector<512x1024xi32>
    %reduce_min3A_113 = arith.constant dense<2147483647> : vector<1024xi32>
    %reduce_min3A_114 = vector.multi_reduction <minsi>, %select_n3A_112, %reduce_min3A_113 [0] : vector<512x1024xi32> to vector<1024xi32>
    %broadcast_in_dim3A_115 = vector.shape_cast %reduce_min3A_114 : vector<1024xi32> to vector<1x1024xi32>
    %add3A_116 = arith.constant 512 : i32
    %add3A_117 = vector.broadcast %add3A_116 : i32 to vector<1x1024xi32>
    %add3A_118 = arith.addi %broadcast_in_dim3A_115, %add3A_117 : vector<1x1024xi32>
    %lt3A_119 = arith.cmpf olt, %broadcast_in_dim3A_107, %select_n3A_77 : vector<1x1024xf32>
    %select_n3A_120 = arith.select %lt3A_119, %broadcast_in_dim3A_107, %select_n3A_77 : vector<1x1024xi1>, vector<1x1024xf32>
    %select_n3A_121 = arith.select %lt3A_119, %add3A_118, %select_n3A_78 : vector<1x1024xi1>, vector<1x1024xi32>
    %slice3A_122 = vector.extract_strided_slice %get3A_34 {offsets = [1024, 2], sizes = [512, 1], strides = [1, 1]} : vector<2048x6xf32> to vector<512x1xf32>
    %slice3A_123 = vector.extract_strided_slice %get3A_34 {offsets = [1024, 3], sizes = [512, 1], strides = [1, 1]} : vector<2048x6xf32> to vector<512x1xf32>
    %slice3A_124 = vector.extract_strided_slice %get3A_34 {offsets = [1024, 4], sizes = [512, 1], strides = [1, 1]} : vector<2048x6xf32> to vector<512x1xf32>
    %slice3A_125 = vector.extract_strided_slice %get3A_34 {offsets = [1024, 5], sizes = [512, 1], strides = [1, 1]} : vector<2048x6xf32> to vector<512x1xf32>
    %slice3A_126 = vector.extract_strided_slice %broadcast_in_dim3A {offsets = [1024, 0], sizes = [512, 1], strides = [1, 1]} : vector<2048x1xf32> to vector<512x1xf32>
    %add3A_127 = arith.addf %slice3A_122, %slice3A_122 : vector<512x1xf32>
    %mul3A_128 = vector.broadcast %add3A_127 : vector<512x1xf32> to vector<512x1024xf32>
    %mul3A_129 = vector.broadcast %add3A : vector<1x1024xf32> to vector<512x1024xf32>
    %mul3A_130 = arith.mulf %mul3A_128, %mul3A_129 : vector<512x1024xf32>
    %add3A_131 = arith.addf %slice3A_123, %slice3A_123 : vector<512x1xf32>
    %mul3A_132 = vector.broadcast %add3A_131 : vector<512x1xf32> to vector<512x1024xf32>
    %mul3A_133 = vector.broadcast %sub3A_18 : vector<1x1024xf32> to vector<512x1024xf32>
    %mul3A_134 = arith.mulf %mul3A_132, %mul3A_133 : vector<512x1024xf32>
    %add3A_135 = arith.addf %mul3A_130, %mul3A_134 : vector<512x1024xf32>
    %add3A_136 = arith.addf %slice3A_124, %slice3A_124 : vector<512x1xf32>
    %mul3A_137 = vector.broadcast %add3A_136 : vector<512x1xf32> to vector<512x1024xf32>
    %mul3A_138 = vector.broadcast %add3A_21 : vector<1x1024xf32> to vector<512x1024xf32>
    %mul3A_139 = arith.mulf %mul3A_137, %mul3A_138 : vector<512x1024xf32>
    %add3A_140 = arith.addf %add3A_135, %mul3A_139 : vector<512x1024xf32>
    %add3A_141 = arith.addf %slice3A_125, %slice3A_125 : vector<512x1xf32>
    %mul3A_142 = vector.broadcast %add3A_141 : vector<512x1xf32> to vector<512x1024xf32>
    %mul3A_143 = vector.broadcast %sub3A_24 : vector<1x1024xf32> to vector<512x1024xf32>
    %mul3A_144 = arith.mulf %mul3A_142, %mul3A_143 : vector<512x1024xf32>
    %add3A_145 = arith.addf %add3A_140, %mul3A_144 : vector<512x1024xf32>
    %sub3A_146 = vector.broadcast %slice3A_126 : vector<512x1xf32> to vector<512x1024xf32>
    %sub3A_147 = arith.subf %sub3A_146, %add3A_145 : vector<512x1024xf32>
    %reduce_min3A_148 = arith.constant dense<0x7F800000> : vector<1024xf32>
    %reduce_min3A_149 = vector.multi_reduction <minimumf>, %sub3A_147, %reduce_min3A_148 [0] : vector<512x1024xf32> to vector<1024xf32>
    %broadcast_in_dim3A_150 = vector.shape_cast %reduce_min3A_149 : vector<1024xf32> to vector<1x1024xf32>
    %le3A_151 = vector.broadcast %broadcast_in_dim3A_150 : vector<1x1024xf32> to vector<512x1024xf32>
    %le3A_152 = arith.cmpf ole, %sub3A_147, %le3A_151 : vector<512x1024xf32>
    %jit3A_153 = arith.constant 2048 : i32
    %broadcast_in_dim3A_154 = vector.broadcast %jit3A_153 : i32 to vector<512x1024xi32>
    %select_n3A_155 = arith.select %le3A_152, %iota3A, %broadcast_in_dim3A_154 : vector<512x1024xi1>, vector<512x1024xi32>
    %reduce_min3A_156 = arith.constant dense<2147483647> : vector<1024xi32>
    %reduce_min3A_157 = vector.multi_reduction <minsi>, %select_n3A_155, %reduce_min3A_156 [0] : vector<512x1024xi32> to vector<1024xi32>
    %broadcast_in_dim3A_158 = vector.shape_cast %reduce_min3A_157 : vector<1024xi32> to vector<1x1024xi32>
    %add3A_159 = arith.constant 1024 : i32
    %add3A_160 = vector.broadcast %add3A_159 : i32 to vector<1x1024xi32>
    %add3A_161 = arith.addi %broadcast_in_dim3A_158, %add3A_160 : vector<1x1024xi32>
    %lt3A_162 = arith.cmpf olt, %broadcast_in_dim3A_150, %select_n3A_120 : vector<1x1024xf32>
    %select_n3A_163 = arith.select %lt3A_162, %broadcast_in_dim3A_150, %select_n3A_120 : vector<1x1024xi1>, vector<1x1024xf32>
    %select_n3A_164 = arith.select %lt3A_162, %add3A_161, %select_n3A_121 : vector<1x1024xi1>, vector<1x1024xi32>
    %slice3A_165 = vector.extract_strided_slice %get3A_34 {offsets = [1536, 2], sizes = [512, 1], strides = [1, 1]} : vector<2048x6xf32> to vector<512x1xf32>
    %slice3A_166 = vector.extract_strided_slice %get3A_34 {offsets = [1536, 3], sizes = [512, 1], strides = [1, 1]} : vector<2048x6xf32> to vector<512x1xf32>
    %slice3A_167 = vector.extract_strided_slice %get3A_34 {offsets = [1536, 4], sizes = [512, 1], strides = [1, 1]} : vector<2048x6xf32> to vector<512x1xf32>
    %slice3A_168 = vector.extract_strided_slice %get3A_34 {offsets = [1536, 5], sizes = [512, 1], strides = [1, 1]} : vector<2048x6xf32> to vector<512x1xf32>
    %slice3A_169 = vector.extract_strided_slice %broadcast_in_dim3A {offsets = [1536, 0], sizes = [512, 1], strides = [1, 1]} : vector<2048x1xf32> to vector<512x1xf32>
    %add3A_170 = arith.addf %slice3A_165, %slice3A_165 : vector<512x1xf32>
    %mul3A_171 = vector.broadcast %add3A_170 : vector<512x1xf32> to vector<512x1024xf32>
    %mul3A_172 = vector.broadcast %add3A : vector<1x1024xf32> to vector<512x1024xf32>
    %mul3A_173 = arith.mulf %mul3A_171, %mul3A_172 : vector<512x1024xf32>
    %add3A_174 = arith.addf %slice3A_166, %slice3A_166 : vector<512x1xf32>
    %mul3A_175 = vector.broadcast %add3A_174 : vector<512x1xf32> to vector<512x1024xf32>
    %mul3A_176 = vector.broadcast %sub3A_18 : vector<1x1024xf32> to vector<512x1024xf32>
    %mul3A_177 = arith.mulf %mul3A_175, %mul3A_176 : vector<512x1024xf32>
    %add3A_178 = arith.addf %mul3A_173, %mul3A_177 : vector<512x1024xf32>
    %add3A_179 = arith.addf %slice3A_167, %slice3A_167 : vector<512x1xf32>
    %mul3A_180 = vector.broadcast %add3A_179 : vector<512x1xf32> to vector<512x1024xf32>
    %mul3A_181 = vector.broadcast %add3A_21 : vector<1x1024xf32> to vector<512x1024xf32>
    %mul3A_182 = arith.mulf %mul3A_180, %mul3A_181 : vector<512x1024xf32>
    %add3A_183 = arith.addf %add3A_178, %mul3A_182 : vector<512x1024xf32>
    %add3A_184 = arith.addf %slice3A_168, %slice3A_168 : vector<512x1xf32>
    %mul3A_185 = vector.broadcast %add3A_184 : vector<512x1xf32> to vector<512x1024xf32>
    %mul3A_186 = vector.broadcast %sub3A_24 : vector<1x1024xf32> to vector<512x1024xf32>
    %mul3A_187 = arith.mulf %mul3A_185, %mul3A_186 : vector<512x1024xf32>
    %add3A_188 = arith.addf %add3A_183, %mul3A_187 : vector<512x1024xf32>
    %sub3A_189 = vector.broadcast %slice3A_169 : vector<512x1xf32> to vector<512x1024xf32>
    %sub3A_190 = arith.subf %sub3A_189, %add3A_188 : vector<512x1024xf32>
    %reduce_min3A_191 = arith.constant dense<0x7F800000> : vector<1024xf32>
    %reduce_min3A_192 = vector.multi_reduction <minimumf>, %sub3A_190, %reduce_min3A_191 [0] : vector<512x1024xf32> to vector<1024xf32>
    %broadcast_in_dim3A_193 = vector.shape_cast %reduce_min3A_192 : vector<1024xf32> to vector<1x1024xf32>
    %le3A_194 = vector.broadcast %broadcast_in_dim3A_193 : vector<1x1024xf32> to vector<512x1024xf32>
    %le3A_195 = arith.cmpf ole, %sub3A_190, %le3A_194 : vector<512x1024xf32>
    %jit3A_196 = arith.constant 2048 : i32
    %broadcast_in_dim3A_197 = vector.broadcast %jit3A_196 : i32 to vector<512x1024xi32>
    %select_n3A_198 = arith.select %le3A_195, %iota3A, %broadcast_in_dim3A_197 : vector<512x1024xi1>, vector<512x1024xi32>
    %reduce_min3A_199 = arith.constant dense<2147483647> : vector<1024xi32>
    %reduce_min3A_200 = vector.multi_reduction <minsi>, %select_n3A_198, %reduce_min3A_199 [0] : vector<512x1024xi32> to vector<1024xi32>
    %broadcast_in_dim3A_201 = vector.shape_cast %reduce_min3A_200 : vector<1024xi32> to vector<1x1024xi32>
    %add3A_202 = arith.constant 1536 : i32
    %add3A_203 = vector.broadcast %add3A_202 : i32 to vector<1x1024xi32>
    %add3A_204 = arith.addi %broadcast_in_dim3A_201, %add3A_203 : vector<1x1024xi32>
    %lt3A_205 = arith.cmpf olt, %broadcast_in_dim3A_193, %select_n3A_163 : vector<1x1024xf32>
    %select_n3A_206 = arith.select %lt3A_205, %broadcast_in_dim3A_193, %select_n3A_163 : vector<1x1024xi1>, vector<1x1024xf32>
    %select_n3A_207 = arith.select %lt3A_205, %add3A_204, %select_n3A_164 : vector<1x1024xi1>, vector<1x1024xi32>
    %swap3A = arith.constant 0 : index
    %swap3A_208 = arith.constant 0 : index
    %swap3A_209 = vector.load %arg4[%swap3A, %swap3A_208] : memref<1x1024xi32, #tpu.memory_space<vmem>>, vector<1x1024xi32>
    tpu.vector_store %arg4[%swap3A, %swap3A_208], %select_n3A_207 {strides = array<i32>} : memref<1x1024xi32, #tpu.memory_space<vmem>>, vector<1x1024xi32>,
    %add3A_210 = arith.addf %select_n3A_206, %add3A_31 : vector<1x1024xf32>
    %swap3A_211 = arith.constant 0 : index
    %swap3A_212 = arith.constant 0 : index
    %swap3A_213 = vector.load %arg5[%swap3A_211, %swap3A_212] : memref<1x1024xf32, #tpu.memory_space<vmem>>, vector<1x1024xf32>
    tpu.vector_store %arg5[%swap3A_211, %swap3A_212], %add3A_210 {strides = array<i32>} : memref<1x1024xf32, #tpu.memory_space<vmem>>, vector<1x1024xf32>,
    return
  }
  func.func @transform_0(%arg0: i32) -> (i32, i32) {
    %add3A = arith.constant 5 : i32
    %add3A_0 = arith.addi %arg0, %add3A : i32
    %c0_i32 = arith.constant 0 : i32
    %c0_i32_1 = arith.constant 0 : i32
    return %c0_i32, %add3A_0 : i32, i32
  }
  func.func @transform_1(%arg0: i32) -> (i32, i32) {
    %add3A = arith.constant 5 : i32
    %add3A_0 = arith.addi %arg0, %add3A : i32
    %c0_i32 = arith.constant 0 : i32
    %c0_i32_1 = arith.constant 0 : i32
    return %c0_i32, %add3A_0 : i32, i32
  }
  func.func @transform_2(%arg0: i32) -> (i32, i32) {
    %c0_i32 = arith.constant 0 : i32
    %c0_i32_0 = arith.constant 0 : i32
    %c0_i32_1 = arith.constant 0 : i32
    return %c0_i32, %c0_i32_0 : i32, i32
  }
  func.func @transform_3(%arg0: i32) -> (i32, i32) {
    %c0_i32 = arith.constant 0 : i32
    %c0_i32_0 = arith.constant 0 : i32
    return %c0_i32, %arg0 : i32, i32
  }
  func.func @transform_4(%arg0: i32) -> (i32, i32) {
    %c0_i32 = arith.constant 0 : i32
    %c0_i32_0 = arith.constant 0 : i32
    return %c0_i32, %arg0 : i32, i32
  }
}

</mosaic_0001>

<sc_bundles>
// kernel: kernel.5.cloned.1.call-start
scs
__scs_entry_jumppad:
0x0: {  	(pc) =	sbr.rel $0x88, $3  }
0x1: {  	(tag) =	ssettag $0x0;
	lr =	simm.s32 $0x1  }
0x2: {  	[smem:$0x3F9E] =	sst lr;
	_ =	strace $0xD0000000  }
0x3: {  	_ = 	snop  }
0x4: {  	_ = 	snop  }
0x5: {  	_ = 	snop  }
0x6: {  	_ = 	snop  }
0x7: {  	_ = 	snop  }
__scs_overlays_trampoline_lowered:
0x8: {  	[smem:$0x3FAD] =	sst s0  }
0x9: {  	[smem:$0x3FAE] =	sst s1  }
0xa: {  	[smem:$0x3FAF] =	sst s2  }
0xb: {  	[smem:$0x3FB0] =	sst s3  }
0xc: {  	[smem:$0x3FB1] =	sst s4  }
0xd: {  	[smem:$0x3FB2] =	sst s5  }
0xe: {  	[smem:$0x3FB3] =	sst s6  }
0xf: {  	[smem:$0x3FB4] =	sst s7  }
0x10: {  	[smem:$0x3FB5] =	sst s8  }
0x11: {  	[smem:$0x3FB6] =	sst s9;
	s0 =	simm.s32 @!p0 $0x0  }
0x12: {  	s1 =	sld [smem:$0x3F9C];
	s0 =	simm.s32 @p0 $0x1  }
0x13: {  	[smem:$0x3FB7] =	sst s0;
	s0 =	simm.s32 @!p1 $0x0  }
0x14: {  	s2 =	sld [smem:$0x3F9B];
	s0 =	simm.s32 @p1 $0x1  }
0x15: {  	[smem:$0x3FB8] =	sst s0;
	s0 =	simm.s32 @!p2 $0x0  }
0x16: {  	s3 =	sld [smem:$0x3FDB];
	s0 =	simm.s32 @p2 $0x1  }
0x17: {  	s4 =	simm.s32 $0x1BF5;
	[smem:$0x3FBA] =	sst s0  }
0x18: {  	s0 =	sld [smem:$0x3F9D];
	_ =	swait.ge [sflag:s4], $0x0  }
0x19: {  	s7 =	sld [smem:$0x3F9E]  }
0x1a: {  	s8 =	sadd.s32 $0xFFFFE003, lr  }
0x1b: {  	s9 =	sadd.s32 $0xFFFFFEF7, lr;
	s5 =	simm.s32 $0xFFFFFFFF;
	p2 =	slt.u32 s8, $0xFFFFF086  }
0x1c: {  	p1 =	slt.u32 s9, $0xF7A;
	s5 =	simm.s32 @!p2 $0x0  }
0x1d: {  	s5 =	simm.s32 @p1 $0x1;
	p0 =	seq.s32 s7, s2  }
0x1e: {  	s7 =	smul.u32 @!p0 $0xF7A, s2;
	p2 =	seq.s32 @!p0 s5, $0x0  }
0x1f: {  	s9 =	smul.u32 $0xF7A, s1;
	s8 =	simm.s32 @!p0 $0x1BF5;
	p2 =	por !p2, p0  }
0x20: {  	[sflag:s8] =	ssyncset.s32 @!p0 $0xFFFFF086;
	s6 =	sadd.s32 @!p0 s3, s7;
	s7 =	simm.s32 @!p0 $0x108  }
0x21: {  	s3 =	sadd.s32 s3, s9;
	s6 =	sadd.s32 @!p0 $0x88, s6;
	s7 =	simm.s32 @p2 $0x1082  }
0x22: {  	[simem:s7], [sflag:s8] =	dma.local @!p0 [hbm:s6], $0xF7A  }
0x23: {  	s9 =	sor.u32 $0xD0000000, s2;
	s6 =	simm.s32 $0x108;
	_ =	swait.ge @!p0 [sflag:s8], $0x0  }
0x24: {  	s3 =	sadd.s32 $0x88, s3;
	s6 =	simm.s32 @!p1 $0x1082;
	[sflag:s4] =	ssyncset.s32 $0xFFFFF086  }
0x25: {  	[simem:s6], [sflag:s4] =	dma.local [hbm:s3], $0xF7A  }
0x26: {  	[smem:$0x3F9E] =	sst s1;
	(tag) =	ssettag s2;
	_ =	strace s9  }
0x27: {  	s1 =	sld [smem:$0x3FAE]  }
0x28: {  	s2 =	sld [smem:$0x3FAF]  }
0x29: {  	s4 =	sld [smem:$0x3FB1]  }
0x2a: {  	p0 =	seq.s32 s5, $0x0;
	s5 =	sld [smem:$0x3FB2]  }
0x2b: {  	s6 =	sld [smem:$0x3FB3]  }
0x2c: {  	s7 =	sld [smem:$0x3FB4]  }
0x2d: {  	s3 =	simm.s32 $0x108;
	s8 =	sld [smem:$0x3FB5]  }
0x2e: {  	s3 =	simm.s32 @!p0 $0x1082;
	s9 =	sld [smem:$0x3FB6]  }
0x2f: {  	lr =	sadd.s32 s0, s3;
	s0 =	sld [smem:$0x3FAD]  }
0x30: {  	s3 =	sld [smem:$0x3FB0]  }
0x31: {  	[smem:$0x3FB9] =	sst s10  }
0x32: {  	s10 =	sld [smem:$0x3FB7];
	_ =	sdelay $0x3  }
0x33: {  	p0 =	seq.s32 s10, $0x1;
	s10 =	sld [smem:$0x3FB9];
	_ =	sdelay $0x3  }
0x34: {  	[smem:$0x3FB9] =	sst s10  }
0x35: {  	s10 =	sld [smem:$0x3FB8];
	_ =	sdelay $0x3  }
0x36: {  	p1 =	seq.s32 s10, $0x1;
	s10 =	sld [smem:$0x3FB9];
	_ =	sdelay $0x3  }
0x37: {  	[smem:$0x3FB9] =	sst s10  }
0x38: {  	s10 =	sld [smem:$0x3FBA]  }
0x39: {  	_ = 	snop;
	(pc) =	sbr.ind lr, $3  }
0x3a: {  	_ = 	snop  }
0x3b: {  	_ = 	snop  }
0x3c: {  	p2 =	seq.s32 s10, $0x1;
	s10 =	sld [smem:$0x3FB9]  }
0x3d: {  	_ =	shalt  }
0x3e: {  	_ =	shalt  }
0x3f: {  	_ =	shalt  }
0x40: {  	_ =	shalt  }
0x41: {  	_ =	shalt  }
0x42: {  	_ =	shalt  }
0x43: {  	_ =	shalt  }
0x44: {  	_ =	shalt  }
0x45: {  	_ =	shalt  }
0x46: {  	_ =	shalt  }
0x47: {  	_ =	shalt  }
0x48: {  	_ =	shalt  }
0x49: {  	_ =	shalt  }
0x4a: {  	_ =	shalt  }
0x4b: {  	_ =	shalt  }
0x4c: {  	_ =	shalt  }
0x4d: {  	_ =	shalt  }
0x4e: {  	_ =	shalt  }
0x4f: {  	_ =	shalt  }
0x50: {  	_ =	shalt  }
0x51: {  	_ =	shalt  }
0x52: {  	_ =	shalt  }
0x53: {  	_ =	shalt  }
0x54: {  	_ =	shalt  }
0x55: {  	_ =	shalt  }
0x56: {  	_ =	shalt  }
0x57: {  	_ =	shalt  }
0x58: {  	_ =	shalt  }
0x59: {  	_ =	shalt  }
0x5a: {  	_ =	shalt  }
0x5b: {  	_ =	shalt  }
0x5c: {  	_ =	shalt  }
0x5d: {  	_ =	shalt  }
0x5e: {  	_ =	shalt  }
0x5f: {  	_ =	shalt  }
0x60: {  	_ =	shalt  }
0x61: {  	_ =	shalt  }
0x62: {  	_ =	shalt  }
0x63: {  	_ =	shalt  }
0x64: {  	_ =	shalt  }
0x65: {  	_ =	shalt  }
0x66: {  	_ =	shalt  }
0x67: {  	_ =	shalt  }
0x68: {  	_ =	shalt  }
0x69: {  	_ =	shalt  }
0x6a: {  	_ =	shalt  }
0x6b: {  	_ =	shalt  }
0x6c: {  	_ =	shalt  }
0x6d: {  	_ =	shalt  }
0x6e: {  	_ =	shalt  }
0x6f: {  	_ =	shalt  }
0x70: {  	_ =	shalt  }
0x71: {  	_ =	shalt  }
0x72: {  	_ =	shalt  }
0x73: {  	_ =	shalt  }
0x74: {  	_ =	shalt  }
0x75: {  	_ =	shalt  }
0x76: {  	_ =	shalt  }
0x77: {  	_ =	shalt  }
0x78: {  	_ =	shalt  }
0x79: {  	_ =	shalt  }
0x7a: {  	_ =	shalt  }
0x7b: {  	_ =	shalt  }
0x7c: {  	_ =	shalt  }
0x7d: {  	_ =	shalt  }
0x7e: {  	_ =	shalt  }
0x7f: {  	_ =	shalt  }
0x80: {  	_ =	shalt  }
0x81: {  	_ =	shalt  }
0x82: {  	_ =	shalt  }
0x83: {  	_ =	shalt  }
0x84: {  	_ =	shalt  }
0x85: {  	_ =	shalt  }
0x86: {  	_ =	shalt  }
0x87: {  	_ =	shalt  }
.Lfunc_end0:
.L_simem_size_0:
called_computation_lowered:
.L_overlay_start_0:
0x88: {  	s2 =	sld [smem:$0x3FD9]  }
0x89: {  	s3 =	sld [smem:$0x3FFE];
	_ =	sdelay $0x1  }
0x8a: {  	s1 =	srdreg.scid  }
0x8b: {  	s0 =	sand.u32 $0x1, s1  }
0x8c: {  	s14 =	sshll.u32 s0, $0xA;
	s2 =	sadd.s32 s3, s2  }
0x8d: {  	s2 =	sadd.s32 s2, s14  }
0x8e: {  	[smem:$0x3FC5] =	sst s2  }
0x8f: {  	_ = 	snop  }
0x90: {  	s2 =	sld [smem:$0x3FD0];
	_ =	sdelay $0x2  }
0x91: {  	s15 =	simm.s32 $0xA;
	s4 =	simm.s32 $0x10  }
0x92: {  	[smem:s4], [sflag:s15] =	dma.local [hbm:s2], $0x1  }
0x93: {  	_ =	swait.eq [sflag:s15], $0x1  }
0x94: {  	s16 =	sld [smem:$0x11];
	[sflag:s15] =	ssyncset.done $0x0  }
0x95: {  	s17 =	sld [smem:$0x12];
	[sflag:s15] =	ssyncadd.s32 $0xFFFFFFFF  }
0x96: {  	s18 =	sld [smem:$0x13];
	(tm) =	ssettm $0x1  }
0x97: {  	s5 =	sld [smem:$0x3FFB];
	_ =	sdelay $0x3  }
0x98: {  	_ =	strace s5  }
0x99: {  	s5 =	sld [smem:$0x3FFC];
	_ =	sdelay $0x3  }
0x9a: {  	_ =	strace s5  }
0x9b: {  	s5 =	sld [smem:$0x3FFD];
	_ =	sdelay $0x3  }
0x9c: {  	_ =	strace s5  }
0x9d: {  	_ =	strace $0x8FFFFFFF  }
0x9e: {  	s19 =	sld [smem:$0x3FDB];
	_ =	sdelay $0x1  }
0x9f: {  	s6 =	simm.s32 $_scs_section_size  }
0xa0: {  	s7 =	simm.s32 $_size__tile_overlayer_lowered;
	s8 =	simm.s32 $_tile_overlayer_lowered  }
0xa1: {  	s22 =	simm.s32 $0x1BFF;
	s21 =	sshll.u32 s8, $0x1;
	s5 =	sadd.s32 s6, s19  }
0xa2: {  	s9 =	simm.s32 $0x0;
	s20 =	sshll.u32 s7, $0x1;
	s7 =	sadd.s32 s21, s5  }
0xa3: {  	[timem:s9], [sflag:s22] =	dma.local [hbm:s7], s20  }
0xa4: {  	_ =	swait.ge [sflag:s22], s20  }
0xa5: {  	s6 =	ssub.s32 $0x0, s20;
	[sflag:s22] =	ssyncset.done $0x0  }
0xa6: {  	[sflag:s22] =	ssyncadd.s32 s6;
	_ =	sdelay $0x1  }
0xa7: {  	s23 =	simm.s32 $0x1B8B  }
0xa8: {  	_ =	swait.ge [sflag:s23], $0x1  }
0xa9: {  	[sflag:s23] =	ssyncset.done $0x0  }
0xaa: {  	s25 =	simm.s32 $0x1B8E;
	s24 =	sld [smem:$0x3FFE];
	[sflag:s23] =	ssyncadd.s32 $0xFFFFFFFF  }
0xab: {  	s26 =	simm.s32 $execute0_lowered;
	[smem:$0x3FD2] =	sst s25  }
0xac: {  	s7 =	sshll.u32 s26, $0x1;
	_ =	strace $0x80000046;
	[dreg:$0x1] =	wrdreg $0xFFFFFFFF  }
0xad: {  	s28 =	simm.s32 $_size_execute0_lowered;
	s5 =	sadd.s32 s5, s7;
	[dreg:$0x0] =	wrdreg $0x0  }
0xae: {  	s7 =	sshll.u32 s28, $0x1;
	[dreg:$0x2] =	wrdreg s5  }
0xaf: {  	[dreg:$0x3] =	wrdreg s7  }
0xb0: {  	[dreg:$0x4] =	wrdreg $0xC0  }
0xb1: {  	_ =	task [dreg:s9], $0x5FFFF  }
0xb2: {  	[dreg:$0x1] =	wrdreg $0xFFFFFFFF  }
0xb3: {  	[dreg:$0x0] =	wrdreg $0x60  }
0xb4: {  	[dreg:$0x2] =	wrdreg s18  }
0xb5: {  	[dreg:$0x3] =	wrdreg s17  }
0xb6: {  	[dreg:$0x4] =	wrdreg s16  }
0xb7: {  	[dreg:$0x5] =	wrdreg s24  }
0xb8: {  	[dreg:$0x6] =	wrdreg $0x9  }
0xb9: {  	_ =	task.clear_ibuf [dreg:s9], $0x7FFFF;
	_ =	strace $0x90000046  }
0xba: {  	s29 =	simm.s32 $0x9;
	_ =	strace $0x80000048  }
0xbb: {  	_ =	swait.ge [sflag:s29], $0x1  }
0xbc: {  	[sflag:s29] =	ssyncadd.s32 $0xFFFFFFFF  }
0xbd: {  	_ =	strace $0x90000048  }
0xbe: {  	_ =	sfence  }
0xbf: {  	s30 =	sld [smem:$0x0];
	_ =	sdelay $0x2  }
0xc0: {  	s31 =	sshll.u32 s1, $0xD;
	s1 =	sshrl.u32 s1, $0x2  }
0xc1: {  	s3 =	sand.u32 $0x4000, s31;
	s1 =	sadd.s32 s1, s30  }
0xc2: {  	s0 =	sor.u32 s3, s0;
	s1 =	sshll.u32 s1, $0x11  }
0xc3: {  	s0 =	sor.u32 s1, s0  }
0xc4: {  	s0 =	sadd.s32 $0x8F2B, s0  }
0xc5: {  	[sflag:s0] =	ssyncadd.remote.s32 $0x1  }
0xc6: {  	_ =	sfence.sel $0xFFFF  }
0xc7: {  	[dreg:$0x0] =	wrdreg $0xFFFFFFFF;
	(pc) =	sbr.abs _section_cstart, $3  }
0xc8: {  	[dreg:$0x1] =	wrdreg $0xFFFFFFFF  }
0xc9: {  	_ =	task.clear_ibuf [dreg:s9], $0x2FFFF;
	_ =	strace $0x9FFFFFFF  }
0xca: {  	(tm) =	ssettm $0x7FFFFFFF  }
0xcb: {  	_ =	shalt  }
tec
execute0_lowered:
.L_overlay_start_1:
0x0: {  	(tag) =	ssettag $0x1  }
0x1: {  	s1 =	rddreg [dreg:$0x0]  }
0x2: {  	s4 =	rddreg [dreg:$0x1];
	s2 =	srdreg.scid  }
0x3: {  	s0 =	stileid.u32;
	s5 =	rddreg [dreg:$0x2]  }
0x4: {  	s7 =	rddreg [dreg:$0x3];
	s3 =	simm.s32 $0x0;
	s12 =	simm.s32 $0x1  }
0x5: {  	s13 =	simm.s32 $0x4000;
	s14 =	simm.s32 $0x40A0;
	s15 =	simm.s32 $0x4140  }
0x6: {  	s16 =	simm.s32 $0x41E0;
	s17 =	simm.s32 $0x4280;
	s18 =	simm.s32 $0x4380  }
0x7: {  	s19 =	simm.s32 $0x4480;
	s6 =	sand.u32 $0x1, s2;
	s30 =	sshll.u32 s0, $0x1  }
0x8: {  	s20 =	simm.s32 $0x0;
	s8 =	sor.u32 s6, s30;
	s6 =	ssub.s32 $0x2, s6  }
0x9: {  	[smem:$0x7FF] =	sst s3;
	s8 =	smul.u32 $0x14, s8;
	s31 =	sshrl.u32 s6, $0x1  }
0xa: {  	s2 =	rddreg [dreg:$0x4];
	_ =	strace $0x80000047;
	s11 =	ssub.s32 s6, s31  }
0xb: {  	v0 =	vlaneseq.u32;
	s10 =	sadd.s32 s8, s7;
	s4 =	sadd.s32 s4, s8;
	s5 =	sadd.s32 s5, s8  }
0xc: {  	v0 =	vor.u32 $0x80000000, v0;
	s11 =	smax.u32 s11, $0x1;
	s6 =	sadd.s32 $0x1E00, s10;
	s7 =	sadd.s32 $0x2200, s10  }
0xd: {  	[tilespmem:$0x1FFF0] =	vst v0;
	s8 =	sadd.s32 $0x2600, s10;
	s9 =	sadd.s32 $0x2E00, s10;
	s10 =	sadd.s32 $0x2A00, s10  }
.LBB2_1:
0xe: {  	[tilespmem:s3], [sflag:$0x1] =	stream.linear.gather [hbm4b:s1+s3], $0x4000, $0x38;
	[tilespmem:$0x4580] =	vst v63  }
0xf: {  	_ =	swait.ge [sflag:s12], $0x4000  }
0x10: {  	[sflag:s12] =	ssyncset.done $0x0  }
0x11: {  	[sflag:s12] =	ssyncadd.s32 $0xFFFFC000  }
0x12: {  	[tilespmem:s13], [sflag:$0x1] =	stream.linear.gather [hbm4b:s4+s3], $0xA0, $0x38;
	[tilespmem:$0x4580] =	vst v63  }
0x13: {  	_ =	swait.ge [sflag:s12], $0xA0  }
0x14: {  	[sflag:s12] =	ssyncset.done $0x0  }
0x15: {  	[sflag:s12] =	ssyncadd.s32 $0xFFFFFF60  }
0x16: {  	[tilespmem:s14], [sflag:$0x1] =	stream.linear.gather [hbm4b:s5+s3], $0xA0, $0x38;
	[tilespmem:$0x4580] =	vst v63  }
0x17: {  	_ =	swait.ge [sflag:s12], $0xA0  }
0x18: {  	[sflag:s12] =	ssyncset.done $0x0  }
0x19: {  	[sflag:s12] =	ssyncadd.s32 $0xFFFFFF60  }
0x1a: {  	[tilespmem:s15], [sflag:$0x1] =	stream.linear.gather [hbm4b:s6+s3], $0xA0, $0x38;
	[tilespmem:$0x4580] =	vst v63  }
0x1b: {  	_ =	swait.ge [sflag:s12], $0xA0  }
0x1c: {  	[sflag:s12] =	ssyncset.done $0x0  }
0x1d: {  	[sflag:s12] =	ssyncadd.s32 $0xFFFFFF60  }
0x1e: {  	[tilespmem:s16], [sflag:$0x1] =	stream.linear.gather [hbm4b:s7+s3], $0xA0, $0x38;
	[tilespmem:$0x4580] =	vst v63  }
0x1f: {  	_ =	swait.ge [sflag:s12], $0xA0  }
0x20: {  	[sflag:s12] =	ssyncset.done $0x0  }
0x21: {  	[sflag:s12] =	ssyncadd.s32 $0xFFFFFF60  }
0x22: {  	[tilespmem:s17], [sflag:$0x1] =	stream.linear.gather [hbm4b:s8+s3], $0xA0, $0x38;
	[tilespmem:$0x4580] =	vst v63  }
0x23: {  	_ =	swait.ge [sflag:s12], $0xA0  }
0x24: {  	[sflag:s12] =	ssyncset.done $0x0  }
0x25: {  	s21 =	simm.s32 $0x0;
	[sflag:s12] =	ssyncadd.s32 $0xFFFFFF60  }
.LBB2_2:
0x26: {  	s22 =	sshll.u32 s21, $0x4  }
0x27: {  	v2 =	vld [tilespmem:s22+$0x4000]  }
0x28: {  	v3 =	vld [tilespmem:s22+$0x40A0]  }
0x29: {  	v4 =	vld [tilespmem:s22+$0x4140];
	_ =	sdelay $0x1  }
0x2a: {  	v1 =	vld [tilespmem:s22+$0x41E0]  }
0x2b: {  	v31 =	vimm.s32 $0x0;
	s24 =	simm.s32 $0x0  }
0x2c: {  	s23 =	sand.u32 $0x60, s24;
	s25 =	sand.u32 $0x3C00, s24;
	v38 =	vperm.xlane v2, v31  }
0x2d: {  	v0 =	vimm.s32 $0x1;
	s25 =	sor.u32 s23, s25;
	v39 =	vperm.xlane v3, v31;
	v40 =	vperm.xlane v4, v31  }
0x2e: {  	v21 =	vld [tilespmem:s25+$0x180];
	v42 =	vperm.xlane v2, v0;
	v43 =	vperm.xlane v3, v0  }
0x2f: {  	v22 =	vld [tilespmem:s25+$0x190];
	v44 =	vperm.xlane v4, v0;
	v45 =	vperm.xlane v1, v0;
	v0 =	vimm.s32 $0x2  }
0x30: {  	v34 =	vld [tilespmem:s25+$0x100];
	v46 =	vperm.xlane v2, v0;
	v47 =	vperm.xlane v3, v0  }
0x31: {  	v32 =	vld [tilespmem:s25+$0x110];
	v30 =	vperm.xlane v4, v0;
	v29 =	vperm.xlane v1, v0;
	v0 =	vimm.s32 $0x3  }
0x32: {  	v5 =	vld [tilespmem:s25+$0x80];
	v41 =	vperm.xlane v1, v31;
	v50 =	vperm.xlane v2, v0  }
0x33: {  	v6 =	vld [tilespmem:s25+$0x10];
	v51 =	vperm.xlane v3, v0;
	v24 =	vperm.xlane v4, v0  }
0x34: {  	v7 =	vld [tilespmem:s25+$0x90];
	v23 =	vperm.xlane v1, v0;
	v55 =	vmul.f32 v21, v41  }
0x35: {  	v57 =	vimm.f32 $+Inf;
	v58 =	vmul.f32 v22, v41;
	v54 =	vmul.f32 v21, v45  }
0x36: {  	v60 =	vimm.f32 $+Inf;
	v56 =	vmul.f32 v22, v45;
	v0 =	vmul.f32 v34, v40  }
0x37: {  	v53 =	vimm.f32 $+Inf;
	[tilespmem:$0x1FFD0] =	vst v1;
	v1 =	vmul.f32 v32, v40;
	v61 =	vmul.f32 v34, v44  }
0x38: {  	v52 =	vimm.f32 $+Inf;
	v62 =	vmul.f32 v32, v44;
	v9 =	vmul.f32 v5, v39  }
0x39: {  	v37 =	vimm.f32 $+Inf;
	v10 =	vmul.f32 v6, v38;
	v12 =	vmul.f32 v7, v39  }
0x3a: {  	v59 =	vimm.s32 $0x0;
	[tilespmem:$0x1FFA0] =	vst v2;
	v2 =	vld [tilespmem:s25+$0x0];
	v25 =	vmul.f32 v5, v43;
	v26 =	vmul.f32 v6, v42  }
0x3b: {  	v48 =	vimm.s32 $0x0;
	v27 =	vmul.f32 v7, v43;
	v33 =	vmul.f32 v5, v47  }
0x3c: {  	v49 =	vimm.s32 $0x0;
	v35 =	vmul.f32 v6, v46;
	v36 =	vmul.f32 v7, v47  }
0x3d: {  	s31 =	sand.u32 $0xF0, s22;
	v5 =	vmul.f32 v5, v51;
	v12 =	vadd.f32 v12, v10;
	v63 =	vmul.f32 v6, v50  }
0x3e: {  	[tilespmem:$0x1FFC0] =	vst v4;
	v4 =	vld [tilespmem:s31+$0x4280];
	v10 =	vadd.f32 v27, v26;
	v26 =	vimm.f32 $+Inf;
	v27 =	vimm.s32 $0x0  }
0x3f: {  	v6 =	vadd.f32 v36, v35;
	v36 =	vimm.f32 $+Inf;
	v8 =	vmul.f32 v2, v38  }
0x40: {  	v35 =	vimm.s32 $0x0;
	v16 =	vmul.f32 v2, v42;
	v28 =	vmul.f32 v2, v46  }
0x41: {  	[tilespmem:$0x1FFB0] =	vst v3;
	v3 =	vmul.f32 v2, v50;
	v2 =	vmul.f32 v7, v51;
	v11 =	vadd.f32 v9, v8  }
0x42: {  	v9 =	vadd.f32 v25, v16;
	v7 =	vadd.f32 v33, v28;
	v8 =	vmul.f32 v34, v30  }
0x43: {  	s26 =	simm.s32 $0x2;
	s28 =	simm.s32 $0x0;
	s23 =	simm.s32 $0x0;
	[tilespmem:$0x1FFE0] =	vst v4;
	v25 =	vimm.f32 $+Inf;
	v33 =	vimm.s32 $0x0;
	v28 =	vimm.s32 $0x0  }
.LBB2_3:
0x44: {  	p0 =	sne.s32 s26, $0x7E;
	v13 =	vmul.f32 v32, v30;
	v3 =	vadd.f32 v5, v3;
	v2 =	vadd.f32 v2, v63;
	s24 =	sadd.s32 $0x100, s24;
	s28 =	sadd.s32 $0x20, s28  }
0x45: {  	v0 =	vadd.f32 v0, v11;
	v1 =	vadd.f32 v1, v12;
	v11 =	vmul.f32 v34, v24;
	s29 =	sand.u32 $0x60, s28;
	s30 =	sand.u32 $0x3C00, s24;
	v5 =	vld [tilespmem:s25+$0x200]  }
0x46: {  	v9 =	vadd.f32 v61, v9;
	v10 =	vadd.f32 v62, v10;
	v32 =	vmul.f32 v32, v24;
	v12 =	vld [tilespmem:s25+$0x210];
	s25 =	sor.u32 s29, s30  }
0x47: {  	v7 =	vadd.f32 v8, v7;
	v8 =	vmul.f32 v21, v29;
	v6 =	vadd.f32 v13, v6;
	v34 =	vld [tilespmem:s25+$0x180]  }
0x48: {  	v61 =	vmul.f32 v22, v29;
	v3 =	vadd.f32 v11, v3;
	v2 =	vadd.f32 v32, v2;
	v13 =	vld [tilespmem:s25+$0x190]  }
0x49: {  	v0 =	vadd.f32 v55, v0;
	v1 =	vadd.f32 v58, v1;
	v11 =	vmul.f32 v21, v23  }
0x4a: {  	v4 =	vmul.f32 v22, v23;
	v9 =	vadd.f32 v54, v9;
	v10 =	vadd.f32 v56, v10  }
0x4b: {  	v7 =	vadd.f32 v8, v7;
	v6 =	vadd.f32 v61, v6  }
0x4c: {  	v3 =	vadd.f32 v11, v3;
	v2 =	vadd.f32 v4, v2;
	v55 =	vmul.f32 v34, v41;
	v21 =	vmovc v34  }
0x4d: {  	v0 =	vsub.f32 v5, v0;
	v1 =	vsub.f32 v12, v1;
	v58 =	vmul.f32 v13, v41;
	v22 =	vmovc v13  }
0x4e: {  	v8 =	vsub.f32 v5, v9;
	v9 =	vsub.f32 v12, v10;
	v54 =	vmul.f32 v21, v45  }
0x4f: {  	v7 =	vsub.f32 v5, v7;
	v6 =	vsub.f32 v12, v6;
	v56 =	vmul.f32 v22, v45;
	v34 =	vld [tilespmem:s25+$0x100]  }
0x50: {  	v3 =	vsub.f32 v5, v3;
	vm4 =	vlt.f32 v0, v57;
	vm2 =	vlt.f32 v1, v60;
	v32 =	vld [tilespmem:s25+$0x110]  }
0x51: {  	v57 =	vsel vm4, v0, v57;
	v0 =	vsub.f32 v12, v2;
	v60 =	vsel vm2, v1, v60;
	v5 =	vld [tilespmem:s25+$0x0]  }
0x52: {  	vm5 =	vlt.f32 v8, v53;
	vm1 =	vlt.f32 v7, v37;
	vm6 =	vlt.f32 v9, v52;
	v2 =	vld [tilespmem:s25+$0x80]  }
0x53: {  	v53 =	vsel vm5, v8, v53;
	v37 =	vsel vm1, v7, v37;
	v52 =	vsel vm6, v9, v52;
	v10 =	vld [tilespmem:s25+$0x10]  }
0x54: {  	vm3 =	vlt.f32 v3, v26;
	vm7 =	vlt.f32 v6, v36;
	vm0 =	vlt.f32 v0, v25;
	v7 =	vld [tilespmem:s25+$0x90]  }
0x55: {  	v26 =	vsel vm3, v3, v26;
	v36 =	vsel vm7, v6, v36;
	v25 =	vsel vm0, v0, v25  }
0x56: {  	s29 =	sadd.s32 $0x1, s23;
	v31 =	vsel vm4, s23, v31;
	v0 =	vmul.f32 v34, v40;
	v1 =	vmul.f32 v32, v40  }
0x57: {  	v59 =	vsel vm2, s29, v59;
	v61 =	vmul.f32 v34, v44;
	v62 =	vmul.f32 v32, v44  }
0x58: {  	v48 =	vsel vm5, s23, v48;
	v6 =	vmul.f32 v5, v38;
	v8 =	vmul.f32 v2, v39  }
0x59: {  	v49 =	vsel vm6, s29, v49;
	v9 =	vmul.f32 v10, v38;
	v12 =	vmul.f32 v7, v39  }
0x5a: {  	v33 =	vsel vm1, s23, v33;
	v13 =	vmul.f32 v5, v42;
	v14 =	vmul.f32 v2, v43  }
0x5b: {  	v35 =	vsel vm7, s29, v35;
	v15 =	vmul.f32 v10, v42;
	v4 =	vmul.f32 v7, v43  }
0x5c: {  	v27 =	vsel vm3, s23, v27;
	s23 =	smov.u32 s26;
	v16 =	vmul.f32 v5, v46;
	v17 =	vmul.f32 v2, v47  }
.Ltmp0:
0x5d: {  	v28 =	vsel vm0, s29, v28;
	v18 =	vmul.f32 v10, v46;
	v19 =	vmul.f32 v7, v47;
	(pc) =	sbr.rel @p0 .LBB2_3-.Ltmp0, $4  }
0x5e: {  	v3 =	vmul.f32 v5, v50;
	v5 =	vmul.f32 v2, v51  }
0x5f: {  	v63 =	vmul.f32 v10, v50;
	v11 =	vadd.f32 v8, v6;
	v12 =	vadd.f32 v12, v9  }
0x60: {  	v2 =	vmul.f32 v7, v51;
	v9 =	vadd.f32 v14, v13;
	v10 =	vadd.f32 v4, v15  }
0x61: {  	s26 =	sadd.s32 $0x2, s26;
	v7 =	vadd.f32 v17, v16;
	v8 =	vmul.f32 v34, v30;
	v6 =	vadd.f32 v19, v18  }
0x62: {  	v4 =	vld [tilespmem:s25+$0x200]  }
0x63: {  	v13 =	vld [tilespmem:s25+$0x210]  }
0x64: {  	v0 =	vadd.f32 v0, v11;
	v1 =	vadd.f32 v1, v12;
	_ =	sdelay $0x1  }
0x65: {  	v0 =	vadd.f32 v55, v0;
	v1 =	vadd.f32 v58, v1;
	_ =	sdelay $0x1  }
0x66: {  	v0 =	vsub.f32 v4, v0;
	v1 =	vsub.f32 v13, v1;
	_ =	sdelay $0x1  }
0x67: {  	vm0 =	vlt.f32 v0, v57;
	vm1 =	vlt.f32 v1, v60  }
0x68: {  	v0 =	vsel vm0, v0, v57;
	v1 =	vsel vm1, v1, v60  }
0x69: {  	vm2 =	vlt.f32 v1, v0  }
0x6a: {  	v11 =	vsel vm2, v1, v0  }
0x6b: {  	(xrf0) =	vmin.scan.msk.f32 $0xffff, v11;
	_ =	sdelay $0x2  }
0x6c: {  	s24 =	sadd.s32 $0x1, s23;
	v12 =	vsel vm0, s23, v31  }
0x6d: {  	v14 =	vsel vm1, s24, v59  }
0x6e: {  	v9 =	vadd.f32 v61, v9;
	vm0 =	vlt.s32 v12, v14  }
0x6f: {  	vm11 =	veq.f32 v1, v0;
	v0 =	vsel vm2, v14, v12;
	v1 =	vsel vm0, v12, v14;
	v12, _, _ =	vpop (xrf0)  }
0x70: {  	v10 =	vadd.f32 v62, v10;
	v0 =	vsel vm11, v1, v0;
	v1 =	vbroadcast v12, $0xF;
	_ =	sdelay $0x1  }
0x71: {  	v9 =	vadd.f32 v54, v9;
	v10 =	vadd.f32 v56, v10;
	vm14 =	veq.f32 v11, v1;
	v11 =	vld [tilespmem:$0x1FFF0];
	_ =	sdelay $0x1  }
0x72: {  	v9 =	vsub.f32 v4, v9;
	v10 =	vsub.f32 v13, v10;
	_ =	sdelay $0x1  }
0x73: {  	vm12 =	vlt.f32 v9, v53;
	vm13 =	vlt.f32 v10, v52;
	v0 =	vshll.u32 v0, $0x4  }
0x74: {  	v9 =	vsel vm12, v9, v53;
	v10 =	vsel vm13, v10, v52;
	v0 =	vxor.u32 v11, v0  }
0x75: {  	vm15 =	vlt.f32 v10, v9;
	v0 =	vnsel vm14, $0x80000800, v0  }
0x76: {  	v1 =	vmul.f32 v32, v30;
	(xrf0) =	vmin.scan.msk.u32 $0xffff, v0;
	v0 =	vsel vm15, v10, v9  }
0x77: {  	v7 =	vadd.f32 v8, v7;
	(xrf0) =	vmin.scan.msk.f32 $0xffff, v0  }
0x78: {  	v8 =	vmul.f32 v21, v29;
	v1 =	vadd.f32 v1, v6;
	v6 =	vmul.f32 v22, v29;
	_ =	sdelay $0x1  }
0x79: {  	v7 =	vadd.f32 v8, v7;
	v1 =	vadd.f32 v6, v1;
	v6 =	vsel vm13, s24, v49  }
0x7a: {  	v3 =	vadd.f32 v5, v3;
	v5 =	vsel vm12, s23, v48  }
0x7b: {  	v7 =	vsub.f32 v4, v7;
	vm4 =	veq.f32 v10, v9;
	vm0 =	vlt.s32 v5, v6;
	v8, _, _ =	vpop (xrf0)  }
0x7c: {  	v1 =	vsub.f32 v13, v1;
	v9 =	vsel vm15, v6, v5;
	v5 =	vsel vm0, v5, v6;
	v6, _, _ =	vpop (xrf0)  }
0x7d: {  	vm5 =	vlt.f32 v7, v37;
	v5 =	vsel vm4, v5, v9;
	v9 =	vbroadcast v6, $0xF  }
0x7e: {  	v7 =	vsel vm5, v7, v37;
	vm6 =	vlt.f32 v1, v36;
	v5 =	vshll.u32 v5, $0x4  }
0x7f: {  	v1 =	vsel vm6, v1, v36;
	vm7 =	veq.f32 v0, v9;
	v0 =	vxor.u32 v11, v5  }
0x80: {  	vm8 =	vlt.f32 v1, v7;
	v0 =	vnsel vm7, $0x80000800, v0  }
0x81: {  	v5 =	vmul.f32 v34, v24;
	(xrf0) =	vmin.scan.msk.u32 $0xffff, v0;
	v0 =	vsel vm8, v1, v7  }
0x82: {  	v2 =	vadd.f32 v2, v63;
	v9 =	vmul.f32 v32, v24;
	(xrf0) =	vmin.scan.msk.f32 $0xffff, v0  }
0x83: {  	v3 =	vadd.f32 v5, v3;
	v5 =	vmul.f32 v21, v23  }
0x84: {  	v2 =	vadd.f32 v9, v2;
	v9 =	vmul.f32 v22, v23  }
0x85: {  	v3 =	vadd.f32 v5, v3  }
0x86: {  	v2 =	vadd.f32 v9, v2;
	v5 =	vsel vm5, s23, v33;
	v9 =	vsel vm6, s24, v35  }
0x87: {  	vm9 =	veq.f32 v1, v7;
	vm0 =	vlt.s32 v5, v9;
	v3 =	vsub.f32 v4, v3;
	v4, _, _ =	vpop (xrf0)  }
0x88: {  	v1 =	vsel vm8, v9, v5;
	v2 =	vsub.f32 v13, v2;
	v5 =	vsel vm0, v5, v9;
	v7, _, _ =	vpop (xrf0)  }
0x89: {  	v1 =	vsel vm9, v5, v1;
	vm10 =	vlt.f32 v3, v26;
	v5 =	vbroadcast v7, $0xF  }
0x8a: {  	vm11 =	vlt.f32 v2, v25;
	v1 =	vshll.u32 v1, $0x4;
	v3 =	vsel vm10, v3, v26  }
0x8b: {  	v2 =	vsel vm11, v2, v25;
	vm12 =	veq.f32 v0, v5;
	v0 =	vxor.u32 v11, v1  }
0x8c: {  	vm13 =	vlt.f32 v2, v3;
	v0 =	vnsel vm12, $0x80000800, v0  }
0x8d: {  	(xrf0) =	vmin.scan.msk.u32 $0xffff, v0;
	v0 =	vsel vm13, v2, v3  }
0x8e: {  	(xrf0) =	vmin.scan.msk.f32 $0xffff, v0;
	_ =	sdelay $0x3  }
0x8f: {  	v1 =	vsel vm10, s23, v27;
	v5 =	vsel vm11, s24, v28  }
0x90: {  	vm0 =	vlt.s32 v1, v5;
	v9, _, _ =	vpop (xrf0)  }
0x91: {  	vm14 =	veq.f32 v2, v3;
	v2 =	vsel vm13, v5, v1;
	v1 =	vsel vm0, v1, v5;
	v3, _, _ =	vpop (xrf0)  }
0x92: {  	v1 =	vsel vm14, v1, v2;
	v2 =	vbroadcast v3, $0xF  }
0x93: {  	v1 =	vshll.u32 v1, $0x4  }
0x94: {  	vm15 =	veq.f32 v0, v2;
	v0 =	vxor.u32 v11, v1;
	v1 =	vld [tilespmem:$0x1FFE0];
	_ =	sdelay $0x2  }
0x95: {  	(v2sf) =	vpush v12, $0xF  }
0x96: {  	(v2sf) =	vpush v8, $0xF  }
0x97: {  	v0 =	vnsel vm15, $0x80000800, v0;
	(v2sf) =	vpush v1, $0x0  }
0x98: {  	(xrf0) =	vmin.scan.msk.u32 $0xffff, v0;
	(v2sf) =	vpush v6, $0xF  }
0x99: {  	(v2sf) =	vpush v4, $0xF  }
0x9a: {  	(v2sf) =	vpush v1, $0x1  }
0x9b: {  	(v2sf) =	vpush v7, $0xF  }
0x9c: {  	(v2sf) =	vpush v9, $0xF  }
0x9d: {  	(v2sf) =	vpush v1, $0x2  }
0x9e: {  	v0, _, _ =	vpop (xrf0);
	(v2sf) =	vpush v3, $0xF  }
0x9f: {  	(v2sf) =	vpush v0, $0xF  }
0xa0: {  	(v2sf) =	vpush v1, $0x3;
	_ =	sdelay $0x3  }
0xa1: {  	s23 =	spop (v2sf);
	v0 =	vmov s22  }
0xa2: {  	s30 =	sor.u32 $0x1, s22;
	s24 =	spop (v2sf);
	v0 =	vand.u32 $0xFFFFFFF0, v0  }
0xa3: {  	v1 =	vmov s30;
	v0 =	vbroadcast v0, $0x0;
	s26 =	spop (v2sf)  }
0xa4: {  	s28 =	sor.u32 $0x2, s22;
	v1 =	vand.u32 $0xFFFFFFF1, v1;
	s31 =	spop (v2sf)  }
0xa5: {  	v2 =	vmov s28;
	v1 =	vbroadcast v1, $0x0;
	s29 =	spop (v2sf)  }
0xa6: {  	v2 =	vand.u32 $0xFFFFFFF2, v2;
	s30 =	sor.u32 $0x3, s22;
	s28 =	spop (v2sf)  }
0xa7: {  	s24 =	sxor.u32 $0x80000000, s24;
	v2 =	vbroadcast v2, $0x0;
	v3 =	vmov s30;
	s23 =	sadd.f32 s23, s26;
	s26 =	spop (v2sf)  }
0xa8: {  	v4 =	vmov s24;
	v3 =	vand.u32 $0xFFFFFFF3, v3;
	s24 =	spop (v2sf)  }
0xa9: {  	v3 =	vbroadcast v3, $0x0;
	[tilespmem:v0+s18+$0x0] =	vst.idx.msk $0x1, v4;
	v5 =	vmov s23;
	s25 =	sadd.f32 s31, s28;
	s28 =	sxor.u32 $0x80000000, s29;
	s30 =	spop (v2sf)  }
0xaa: {  	[tilespmem:v0+s19+$0x0] =	vst.idx.msk $0x1, v5;
	v4 =	vmov s28;
	s28 =	spop (v2sf)  }
0xab: {  	v0 =	vmov s25;
	[tilespmem:v1+s18+$0x0] =	vst.idx.msk $0x1, v4;
	s24 =	sxor.u32 $0x80000000, s24;
	s25 =	sadd.f32 s26, s30;
	s31 =	spop (v2sf)  }
0xac: {  	v5 =	vld [tilespmem:$0x1FFC0];
	[tilespmem:v1+s19+$0x0] =	vst.idx.msk $0x1, v0;
	v0 =	vmov s24;
	s26 =	spop (v2sf)  }
0xad: {  	v4 =	vld [tilespmem:$0x1FFB0];
	[tilespmem:v2+s18+$0x0] =	vst.idx.msk $0x1, v0;
	v0 =	vmov s25;
	s23 =	sxor.u32 $0x80000000, s31;
	s29 =	sadd.f32 s28, s26  }
0xae: {  	[tilespmem:v2+s19+$0x0] =	vst.idx.msk $0x1, v0;
	v0 =	vmov s23  }
0xaf: {  	s24 =	simm.s32 $0x0;
	v2 =	vld [tilespmem:$0x1FFA0];
	[tilespmem:v3+s18+$0x0] =	vst.idx.msk $0x1, v0;
	v0 =	vmov s29  }
0xb0: {  	v51 =	vimm.f32 $+Inf;
	s30 =	sand.u32 $0x60, s24;
	s31 =	sand.u32 $0x3C00, s24;
	[tilespmem:v3+s19+$0x0] =	vst.idx.msk $0x1, v0;
	v3 =	vld [tilespmem:$0x1FFD0]  }
0xb1: {  	v47 =	vimm.s32 $0x0;
	v54 =	vimm.f32 $+Inf;
	v1 =	vimm.s32 $0x4;
	s25 =	sor.u32 s30, s31  }
0xb2: {  	v39 =	vperm.xlane v5, v1;
	v38 =	vperm.xlane v4, v1;
	v0 =	vimm.s32 $0x5;
	v33 =	vld [tilespmem:s25+$0x100]  }
0xb3: {  	v57 =	vimm.f32 $+Inf;
	v42 =	vperm.xlane v4, v0;
	v43 =	vperm.xlane v5, v0;
	v31 =	vld [tilespmem:s25+$0x110]  }
0xb4: {  	v52 =	vimm.s32 $0x0;
	v6 =	vld [tilespmem:s25+$0x10];
	v37 =	vperm.xlane v2, v1;
	v41 =	vperm.xlane v2, v0  }
0xb5: {  	v7 =	vld [tilespmem:s25+$0x90];
	v40 =	vperm.xlane v3, v1;
	v44 =	vperm.xlane v3, v0;
	v0 =	vimm.s32 $0x6  }
0xb6: {  	v60 =	vimm.f32 $+Inf;
	v45 =	vperm.xlane v2, v0;
	v46 =	vperm.xlane v4, v0  }
0xb7: {  	v59 =	vimm.s32 $0x0;
	v30 =	vperm.xlane v5, v0;
	v29 =	vperm.xlane v3, v0  }
0xb8: {  	v48 =	vimm.s32 $0x0;
	v21 =	vld [tilespmem:s25+$0x180];
	v1 =	vmul.f32 v31, v39;
	v61 =	vmul.f32 v33, v43  }
0xb9: {  	v36 =	vimm.f32 $+Inf;
	v22 =	vld [tilespmem:s25+$0x190];
	v62 =	vmul.f32 v31, v43;
	v10 =	vmul.f32 v6, v37  }
0xba: {  	v0 =	vimm.s32 $0x7;
	v12 =	vmul.f32 v7, v38;
	v15 =	vmul.f32 v6, v41  }
0xbb: {  	v32 =	vimm.s32 $0x0;
	v16 =	vmul.f32 v7, v42;
	v49 =	vperm.xlane v2, v0  }
0xbc: {  	v34 =	vimm.s32 $0x0;
	v2 =	vld [tilespmem:s25+$0x0];
	v50 =	vperm.xlane v4, v0;
	v24 =	vperm.xlane v5, v0  }
0xbd: {  	v35 =	vimm.f32 $+Inf;
	v4 =	vld [tilespmem:s25+$0x80];
	v23 =	vperm.xlane v3, v0;
	v55 =	vmul.f32 v21, v40  }
0xbe: {  	v26 =	vimm.f32 $+Inf;
	v58 =	vmul.f32 v22, v40;
	v53 =	vmul.f32 v21, v44  }
0xbf: {  	v27 =	vimm.s32 $0x0;
	v56 =	vmul.f32 v22, v44;
	v0 =	vmul.f32 v33, v39  }
0xc0: {  	v28 =	vimm.s32 $0x0;
	v19 =	vmul.f32 v6, v45;
	v25 =	vmul.f32 v7, v46  }
0xc1: {  	v12 =	vadd.f32 v12, v10;
	v63 =	vmul.f32 v6, v49;
	v8 =	vmul.f32 v2, v37  }
0xc2: {  	v10 =	vadd.f32 v16, v15;
	v9 =	vmul.f32 v4, v38;
	v13 =	vmul.f32 v2, v41  }
0xc3: {  	v6 =	vadd.f32 v25, v19;
	v14 =	vmul.f32 v4, v42;
	v17 =	vmul.f32 v2, v45  }
0xc4: {  	v25 =	vimm.f32 $+Inf;
	v18 =	vmul.f32 v4, v46;
	v3 =	vmul.f32 v2, v49  }
0xc5: {  	v5 =	vmul.f32 v4, v50;
	v2 =	vmul.f32 v7, v50;
	v11 =	vadd.f32 v9, v8  }
0xc6: {  	s26 =	simm.s32 $0x2;
	s28 =	simm.s32 $0x0;
	s23 =	simm.s32 $0x0;
	v9 =	vadd.f32 v14, v13;
	v7 =	vadd.f32 v18, v17;
	v8 =	vmul.f32 v33, v30  }
.LBB2_5:
0xc7: {  	p0 =	sne.s32 s26, $0x7E;
	v4 =	vmul.f32 v31, v30;
	v3 =	vadd.f32 v5, v3;
	v2 =	vadd.f32 v2, v63;
	s24 =	sadd.s32 $0x100, s24;
	s28 =	sadd.s32 $0x20, s28  }
0xc8: {  	v0 =	vadd.f32 v0, v11;
	v1 =	vadd.f32 v1, v12;
	v11 =	vmul.f32 v33, v24;
	s29 =	sand.u32 $0x60, s28;
	s30 =	sand.u32 $0x3C00, s24;
	v5 =	vld [tilespmem:s25+$0x200]  }
0xc9: {  	v9 =	vadd.f32 v61, v9;
	v10 =	vadd.f32 v62, v10;
	v13 =	vmul.f32 v31, v24;
	v12 =	vld [tilespmem:s25+$0x210];
	s25 =	sor.u32 s29, s30  }
0xca: {  	v7 =	vadd.f32 v8, v7;
	v8 =	vmul.f32 v21, v29;
	v4 =	vadd.f32 v4, v6;
	v14 =	vld [tilespmem:s25+$0x180]  }
0xcb: {  	v15 =	vmul.f32 v22, v29;
	v3 =	vadd.f32 v11, v3;
	v2 =	vadd.f32 v13, v2;
	v6 =	vld [tilespmem:s25+$0x190]  }
0xcc: {  	v0 =	vadd.f32 v55, v0;
	v1 =	vadd.f32 v58, v1;
	v11 =	vmul.f32 v21, v23  }
0xcd: {  	v9 =	vadd.f32 v53, v9;
	v10 =	vadd.f32 v56, v10;
	v13 =	vmul.f32 v22, v23  }
0xce: {  	v7 =	vadd.f32 v8, v7;
	v4 =	vadd.f32 v15, v4  }
0xcf: {  	v3 =	vadd.f32 v11, v3;
	v2 =	vadd.f32 v13, v2;
	v55 =	vmul.f32 v14, v40;
	v21 =	vmovc v14  }
0xd0: {  	v0 =	vsub.f32 v5, v0;
	v1 =	vsub.f32 v12, v1;
	v58 =	vmul.f32 v6, v40;
	v22 =	vmovc v6  }
0xd1: {  	v8 =	vsub.f32 v12, v10;
	v53 =	vmul.f32 v21, v44;
	v6 =	vsub.f32 v5, v9  }
0xd2: {  	v7 =	vsub.f32 v5, v7;
	v4 =	vsub.f32 v12, v4;
	v56 =	vmul.f32 v22, v44;
	v33 =	vld [tilespmem:s25+$0x100]  }
0xd3: {  	v3 =	vsub.f32 v5, v3;
	vm4 =	vlt.f32 v0, v57;
	vm2 =	vlt.f32 v1, v60;
	v31 =	vld [tilespmem:s25+$0x110]  }
0xd4: {  	v57 =	vsel vm4, v0, v57;
	v0 =	vsub.f32 v12, v2;
	v60 =	vsel vm2, v1, v60;
	v5 =	vld [tilespmem:s25+$0x0]  }
0xd5: {  	vm1 =	vlt.f32 v7, v36;
	vm6 =	vlt.f32 v8, v51;
	vm5 =	vlt.f32 v6, v54;
	v2 =	vld [tilespmem:s25+$0x80]  }
0xd6: {  	v36 =	vsel vm1, v7, v36;
	v51 =	vsel vm6, v8, v51;
	v54 =	vsel vm5, v6, v54;
	v9 =	vld [tilespmem:s25+$0x10]  }
0xd7: {  	vm3 =	vlt.f32 v3, v26;
	vm7 =	vlt.f32 v4, v35;
	vm0 =	vlt.f32 v0, v25;
	v6 =	vld [tilespmem:s25+$0x90]  }
0xd8: {  	v26 =	vsel vm3, v3, v26;
	v35 =	vsel vm7, v4, v35;
	v25 =	vsel vm0, v0, v25  }
0xd9: {  	s29 =	sadd.s32 $0x1, s23;
	v52 =	vsel vm4, s23, v52;
	v0 =	vmul.f32 v33, v39;
	v1 =	vmul.f32 v31, v39  }
0xda: {  	v59 =	vsel vm2, s29, v59;
	v61 =	vmul.f32 v33, v43;
	v62 =	vmul.f32 v31, v43  }
0xdb: {  	v47 =	vsel vm5, s23, v47;
	v4 =	vmul.f32 v5, v37;
	v7 =	vmul.f32 v2, v38  }
0xdc: {  	v48 =	vsel vm6, s29, v48;
	v8 =	vmul.f32 v9, v37;
	v10 =	vmul.f32 v6, v38  }
0xdd: {  	v32 =	vsel vm1, s23, v32;
	v13 =	vmul.f32 v5, v41;
	v14 =	vmul.f32 v2, v42  }
0xde: {  	v34 =	vsel vm7, s29, v34;
	v15 =	vmul.f32 v9, v41;
	v16 =	vmul.f32 v6, v42  }
0xdf: {  	v27 =	vsel vm3, s23, v27;
	s23 =	smov.u32 s26;
	v17 =	vmul.f32 v5, v45;
	v18 =	vmul.f32 v2, v46  }
.Ltmp1:
0xe0: {  	v28 =	vsel vm0, s29, v28;
	v19 =	vmul.f32 v9, v45;
	v20 =	vmul.f32 v6, v46;
	(pc) =	sbr.rel @p0 .LBB2_5-.Ltmp1, $4  }
0xe1: {  	v3 =	vmul.f32 v5, v49;
	v5 =	vmul.f32 v2, v50  }
0xe2: {  	v63 =	vmul.f32 v9, v49;
	v11 =	vadd.f32 v7, v4;
	v12 =	vadd.f32 v10, v8  }
0xe3: {  	v9 =	vadd.f32 v14, v13;
	v2 =	vmul.f32 v6, v50;
	v10 =	vadd.f32 v16, v15  }
0xe4: {  	s26 =	sadd.s32 $0x2, s26;
	v7 =	vadd.f32 v18, v17;
	v8 =	vmul.f32 v33, v30;
	v6 =	vadd.f32 v20, v19  }
0xe5: {  	v4 =	vld [tilespmem:s25+$0x200]  }
0xe6: {  	v13 =	vld [tilespmem:s25+$0x210]  }
0xe7: {  	v0 =	vadd.f32 v0, v11;
	v1 =	vadd.f32 v1, v12;
	_ =	sdelay $0x1  }
0xe8: {  	v0 =	vadd.f32 v55, v0;
	v1 =	vadd.f32 v58, v1;
	_ =	sdelay $0x1  }
0xe9: {  	v0 =	vsub.f32 v4, v0;
	v1 =	vsub.f32 v13, v1;
	_ =	sdelay $0x1  }
0xea: {  	vm0 =	vlt.f32 v0, v57;
	vm1 =	vlt.f32 v1, v60  }
0xeb: {  	v0 =	vsel vm0, v0, v57;
	v1 =	vsel vm1, v1, v60  }
0xec: {  	vm2 =	vlt.f32 v1, v0  }
0xed: {  	v11 =	vsel vm2, v1, v0  }
0xee: {  	(xrf0) =	vmin.scan.msk.f32 $0xffff, v11;
	_ =	sdelay $0x2  }
0xef: {  	s24 =	sadd.s32 $0x1, s23;
	v12 =	vsel vm0, s23, v52  }
0xf0: {  	v14 =	vsel vm1, s24, v59  }
0xf1: {  	v9 =	vadd.f32 v61, v9;
	vm0 =	vlt.s32 v12, v14  }
0xf2: {  	vm11 =	veq.f32 v1, v0;
	v0 =	vsel vm2, v14, v12;
	v1 =	vsel vm0, v12, v14;
	v12, _, _ =	vpop (xrf0)  }
0xf3: {  	v10 =	vadd.f32 v62, v10;
	v0 =	vsel vm11, v1, v0;
	v1 =	vbroadcast v12, $0xF;
	_ =	sdelay $0x1  }
0xf4: {  	v9 =	vadd.f32 v53, v9;
	v10 =	vadd.f32 v56, v10;
	vm14 =	veq.f32 v11, v1;
	v11 =	vld [tilespmem:$0x1FFF0];
	_ =	sdelay $0x1  }
0xf5: {  	v9 =	vsub.f32 v4, v9;
	v10 =	vsub.f32 v13, v10;
	_ =	sdelay $0x1  }
0xf6: {  	vm12 =	vlt.f32 v9, v54;
	vm13 =	vlt.f32 v10, v51;
	v0 =	vshll.u32 v0, $0x4  }
0xf7: {  	v9 =	vsel vm12, v9, v54;
	v10 =	vsel vm13, v10, v51;
	v0 =	vxor.u32 v11, v0  }
0xf8: {  	vm15 =	vlt.f32 v10, v9;
	v0 =	vnsel vm14, $0x80000800, v0  }
0xf9: {  	v1 =	vmul.f32 v31, v30;
	(xrf0) =	vmin.scan.msk.u32 $0xffff, v0;
	v0 =	vsel vm15, v10, v9  }
0xfa: {  	v7 =	vadd.f32 v8, v7;
	(xrf0) =	vmin.scan.msk.f32 $0xffff, v0  }
0xfb: {  	v8 =	vmul.f32 v21, v29;
	v1 =	vadd.f32 v1, v6;
	v6 =	vmul.f32 v22, v29;
	_ =	sdelay $0x1  }
0xfc: {  	v7 =	vadd.f32 v8, v7;
	v1 =	vadd.f32 v6, v1;
	v6 =	vsel vm13, s24, v48  }
0xfd: {  	v3 =	vadd.f32 v5, v3;
	v5 =	vsel vm12, s23, v47  }
0xfe: {  	v7 =	vsub.f32 v4, v7;
	vm4 =	veq.f32 v10, v9;
	vm0 =	vlt.s32 v5, v6;
	v8, _, _ =	vpop (xrf0)  }
0xff: {  	v1 =	vsub.f32 v13, v1;
	v9 =	vsel vm15, v6, v5;
	v5 =	vsel vm0, v5, v6;
	v6, _, _ =	vpop (xrf0)  }
0x100: {  	vm5 =	vlt.f32 v7, v36;
	v5 =	vsel vm4, v5, v9;
	v9 =	vbroadcast v6, $0xF  }
0x101: {  	v7 =	vsel vm5, v7, v36;
	vm6 =	vlt.f32 v1, v35;
	v5 =	vshll.u32 v5, $0x4  }
0x102: {  	v1 =	vsel vm6, v1, v35;
	vm7 =	veq.f32 v0, v9;
	v0 =	vxor.u32 v11, v5  }
0x103: {  	vm8 =	vlt.f32 v1, v7;
	v0 =	vnsel vm7, $0x80000800, v0  }
0x104: {  	v5 =	vmul.f32 v33, v24;
	(xrf0) =	vmin.scan.msk.u32 $0xffff, v0;
	v0 =	vsel vm8, v1, v7  }
0x105: {  	v2 =	vadd.f32 v2, v63;
	v9 =	vmul.f32 v31, v24;
	(xrf0) =	vmin.scan.msk.f32 $0xffff, v0  }
0x106: {  	v3 =	vadd.f32 v5, v3;
	v5 =	vmul.f32 v21, v23  }
0x107: {  	v2 =	vadd.f32 v9, v2;
	v9 =	vmul.f32 v22, v23  }
0x108: {  	v3 =	vadd.f32 v5, v3  }
0x109: {  	v2 =	vadd.f32 v9, v2;
	v5 =	vsel vm5, s23, v32;
	v9 =	vsel vm6, s24, v34  }
0x10a: {  	vm9 =	veq.f32 v1, v7;
	vm0 =	vlt.s32 v5, v9;
	v3 =	vsub.f32 v4, v3;
	v4, _, _ =	vpop (xrf0)  }
0x10b: {  	v1 =	vsel vm8, v9, v5;
	v2 =	vsub.f32 v13, v2;
	v5 =	vsel vm0, v5, v9;
	v7, _, _ =	vpop (xrf0)  }
0x10c: {  	v1 =	vsel vm9, v5, v1;
	vm10 =	vlt.f32 v3, v26;
	v5 =	vbroadcast v7, $0xF  }
0x10d: {  	vm11 =	vlt.f32 v2, v25;
	v1 =	vshll.u32 v1, $0x4;
	v3 =	vsel vm10, v3, v26  }
0x10e: {  	v2 =	vsel vm11, v2, v25;
	vm12 =	veq.f32 v0, v5;
	v0 =	vxor.u32 v11, v1  }
0x10f: {  	vm13 =	vlt.f32 v2, v3;
	v0 =	vnsel vm12, $0x80000800, v0  }
0x110: {  	(xrf0) =	vmin.scan.msk.u32 $0xffff, v0;
	v0 =	vsel vm13, v2, v3  }
0x111: {  	(xrf0) =	vmin.scan.msk.f32 $0xffff, v0;
	_ =	sdelay $0x3  }
0x112: {  	v1 =	vsel vm10, s23, v27;
	v5 =	vsel vm11, s24, v28  }
0x113: {  	vm0 =	vlt.s32 v1, v5;
	v9, _, _ =	vpop (xrf0)  }
0x114: {  	vm14 =	veq.f32 v2, v3;
	v2 =	vsel vm13, v5, v1;
	v1 =	vsel vm0, v1, v5;
	v3, _, _ =	vpop (xrf0)  }
0x115: {  	v1 =	vsel vm14, v1, v2;
	v2 =	vbroadcast v3, $0xF  }
0x116: {  	v1 =	vshll.u32 v1, $0x4  }
0x117: {  	vm15 =	veq.f32 v0, v2;
	v0 =	vxor.u32 v11, v1;
	v1 =	vld [tilespmem:$0x1FFE0];
	_ =	sdelay $0x2  }
0x118: {  	(v2sf) =	vpush v12, $0xF  }
0x119: {  	(v2sf) =	vpush v8, $0xF  }
0x11a: {  	v0 =	vnsel vm15, $0x80000800, v0;
	(v2sf) =	vpush v1, $0x4  }
0x11b: {  	(xrf0) =	vmin.scan.msk.u32 $0xffff, v0;
	(v2sf) =	vpush v6, $0xF  }
0x11c: {  	(v2sf) =	vpush v4, $0xF  }
0x11d: {  	(v2sf) =	vpush v1, $0x5  }
0x11e: {  	(v2sf) =	vpush v7, $0xF  }
0x11f: {  	(v2sf) =	vpush v9, $0xF  }
0x120: {  	(v2sf) =	vpush v1, $0x6  }
0x121: {  	v0, _, _ =	vpop (xrf0);
	(v2sf) =	vpush v3, $0xF  }
0x122: {  	(v2sf) =	vpush v0, $0xF  }
0x123: {  	(v2sf) =	vpush v1, $0x7;
	_ =	sdelay $0x2  }
0x124: {  	s29 =	sor.u32 $0x4, s22  }
0x125: {  	s24 =	spop (v2sf);
	v0 =	vmov s29  }
0x126: {  	s30 =	sor.u32 $0x5, s22;
	s23 =	spop (v2sf);
	v0 =	vand.u32 $0xFFFFFFF4, v0  }
0x127: {  	v1 =	vmov s30;
	v0 =	vbroadcast v0, $0x0;
	s26 =	spop (v2sf)  }
0x128: {  	s28 =	sor.u32 $0x6, s22;
	v1 =	vand.u32 $0xFFFFFFF5, v1;
	s31 =	spop (v2sf)  }
0x129: {  	v2 =	vmov s28;
	v1 =	vbroadcast v1, $0x0;
	s29 =	spop (v2sf)  }
0x12a: {  	v2 =	vand.u32 $0xFFFFFFF6, v2;
	s30 =	sor.u32 $0x7, s22;
	s28 =	spop (v2sf)  }
0x12b: {  	s23 =	sxor.u32 $0x80000000, s23;
	v2 =	vbroadcast v2, $0x0;
	v3 =	vmov s30;
	s24 =	sadd.f32 s24, s26;
	s26 =	spop (v2sf)  }
0x12c: {  	v4 =	vmov s23;
	v3 =	vand.u32 $0xFFFFFFF7, v3;
	s23 =	spop (v2sf)  }
0x12d: {  	v3 =	vbroadcast v3, $0x0;
	[tilespmem:v0+s18+$0x0] =	vst.idx.msk $0x1, v4;
	v5 =	vmov s24;
	s25 =	sadd.f32 s31, s28;
	s28 =	sxor.u32 $0x80000000, s29;
	s30 =	spop (v2sf)  }
0x12e: {  	[tilespmem:v0+s19+$0x0] =	vst.idx.msk $0x1, v5;
	v4 =	vmov s28;
	s28 =	spop (v2sf)  }
0x12f: {  	v0 =	vmov s25;
	[tilespmem:v1+s18+$0x0] =	vst.idx.msk $0x1, v4;
	s23 =	sxor.u32 $0x80000000, s23;
	s25 =	sadd.f32 s26, s30;
	s31 =	spop (v2sf)  }
0x130: {  	v5 =	vld [tilespmem:$0x1FFC0];
	[tilespmem:v1+s19+$0x0] =	vst.idx.msk $0x1, v0;
	v0 =	vmov s23;
	s29 =	spop (v2sf)  }
0x131: {  	v4 =	vld [tilespmem:$0x1FFB0];
	[tilespmem:v2+s18+$0x0] =	vst.idx.msk $0x1, v0;
	v0 =	vmov s25;
	s24 =	sxor.u32 $0x80000000, s31;
	s23 =	sadd.f32 s28, s29  }
0x132: {  	[tilespmem:v2+s19+$0x0] =	vst.idx.msk $0x1, v0;
	v0 =	vmov s24  }
0x133: {  	s24 =	simm.s32 $0x0;
	v2 =	vld [tilespmem:$0x1FFA0];
	[tilespmem:v3+s18+$0x0] =	vst.idx.msk $0x1, v0;
	v0 =	vmov s23  }
0x134: {  	v57 =	vimm.f32 $+Inf;
	s30 =	sand.u32 $0x60, s24;
	s31 =	sand.u32 $0x3C00, s24;
	[tilespmem:v3+s19+$0x0] =	vst.idx.msk $0x1, v0;
	v3 =	vld [tilespmem:$0x1FFD0]  }
0x135: {  	v52 =	vimm.s32 $0x0;
	v60 =	vimm.f32 $+Inf;
	v1 =	vimm.s32 $0x8;
	s25 =	sor.u32 s30, s31  }
0x136: {  	v39 =	vperm.xlane v5, v1;
	v38 =	vperm.xlane v4, v1;
	v0 =	vimm.s32 $0x9;
	v33 =	vld [tilespmem:s25+$0x100]  }
0x137: {  	v54 =	vimm.f32 $+Inf;
	v42 =	vperm.xlane v4, v0;
	v43 =	vperm.xlane v5, v0;
	v31 =	vld [tilespmem:s25+$0x110]  }
0x138: {  	v51 =	vimm.f32 $+Inf;
	v6 =	vld [tilespmem:s25+$0x10];
	v37 =	vperm.xlane v2, v1;
	v41 =	vperm.xlane v2, v0  }
0x139: {  	v7 =	vld [tilespmem:s25+$0x90];
	v40 =	vperm.xlane v3, v1;
	v44 =	vperm.xlane v3, v0;
	v0 =	vimm.s32 $0xA  }
0x13a: {  	v36 =	vimm.f32 $+Inf;
	v45 =	vperm.xlane v2, v0;
	v46 =	vperm.xlane v4, v0  }
0x13b: {  	v59 =	vimm.s32 $0x0;
	v30 =	vperm.xlane v5, v0;
	v29 =	vperm.xlane v3, v0  }
0x13c: {  	v47 =	vimm.s32 $0x0;
	v21 =	vld [tilespmem:s25+$0x180];
	v1 =	vmul.f32 v31, v39;
	v61 =	vmul.f32 v33, v43  }
0x13d: {  	v48 =	vimm.s32 $0x0;
	v22 =	vld [tilespmem:s25+$0x190];
	v62 =	vmul.f32 v31, v43;
	v10 =	vmul.f32 v6, v37  }
0x13e: {  	v0 =	vimm.s32 $0xB;
	v12 =	vmul.f32 v7, v38;
	v15 =	vmul.f32 v6, v41  }
0x13f: {  	v35 =	vimm.f32 $+Inf;
	v16 =	vmul.f32 v7, v42;
	v49 =	vperm.xlane v2, v0  }
0x140: {  	v32 =	vimm.s32 $0x0;
	v2 =	vld [tilespmem:s25+$0x0];
	v50 =	vperm.xlane v4, v0;
	v24 =	vperm.xlane v5, v0  }
0x141: {  	v34 =	vimm.s32 $0x0;
	v4 =	vld [tilespmem:s25+$0x80];
	v23 =	vperm.xlane v3, v0;
	v55 =	vmul.f32 v21, v40  }
0x142: {  	v26 =	vimm.f32 $+Inf;
	v58 =	vmul.f32 v22, v40;
	v53 =	vmul.f32 v21, v44  }
0x143: {  	v25 =	vimm.f32 $+Inf;
	v56 =	vmul.f32 v22, v44;
	v0 =	vmul.f32 v33, v39  }
0x144: {  	v27 =	vimm.s32 $0x0;
	v19 =	vmul.f32 v6, v45;
	v20 =	vmul.f32 v7, v46  }
0x145: {  	v28 =	vimm.s32 $0x0;
	v63 =	vmul.f32 v6, v49;
	v8 =	vmul.f32 v2, v37  }
0x146: {  	v12 =	vadd.f32 v12, v10;
	v9 =	vmul.f32 v4, v38;
	v13 =	vmul.f32 v2, v41  }
0x147: {  	v10 =	vadd.f32 v16, v15;
	v14 =	vmul.f32 v4, v42;
	v17 =	vmul.f32 v2, v45  }
0x148: {  	v6 =	vadd.f32 v20, v19;
	v18 =	vmul.f32 v4, v46;
	v3 =	vmul.f32 v2, v49  }
0x149: {  	v5 =	vmul.f32 v4, v50;
	v2 =	vmul.f32 v7, v50;
	v11 =	vadd.f32 v9, v8  }
0x14a: {  	s26 =	simm.s32 $0x2;
	s28 =	simm.s32 $0x0;
	s23 =	simm.s32 $0x0;
	v9 =	vadd.f32 v14, v13;
	v7 =	vadd.f32 v18, v17;
	v8 =	vmul.f32 v33, v30  }
.LBB2_7:
0x14b: {  	p0 =	sne.s32 s26, $0x7E;
	v4 =	vmul.f32 v31, v30;
	v3 =	vadd.f32 v5, v3;
	v2 =	vadd.f32 v2, v63;
	s24 =	sadd.s32 $0x100, s24;
	s28 =	sadd.s32 $0x20, s28  }
0x14c: {  	v0 =	vadd.f32 v0, v11;
	v1 =	vadd.f32 v1, v12;
	v11 =	vmul.f32 v33, v24;
	s29 =	sand.u32 $0x60, s28;
	s30 =	sand.u32 $0x3C00, s24;
	v5 =	vld [tilespmem:s25+$0x200]  }
0x14d: {  	v9 =	vadd.f32 v61, v9;
	v10 =	vadd.f32 v62, v10;
	v13 =	vmul.f32 v31, v24;
	v12 =	vld [tilespmem:s25+$0x210];
	s25 =	sor.u32 s29, s30  }
0x14e: {  	v7 =	vadd.f32 v8, v7;
	v8 =	vmul.f32 v21, v29;
	v4 =	vadd.f32 v4, v6;
	v14 =	vld [tilespmem:s25+$0x180]  }
0x14f: {  	v15 =	vmul.f32 v22, v29;
	v3 =	vadd.f32 v11, v3;
	v2 =	vadd.f32 v13, v2;
	v6 =	vld [tilespmem:s25+$0x190]  }
0x150: {  	v0 =	vadd.f32 v55, v0;
	v1 =	vadd.f32 v58, v1;
	v11 =	vmul.f32 v21, v23  }
0x151: {  	v9 =	vadd.f32 v53, v9;
	v10 =	vadd.f32 v56, v10;
	v13 =	vmul.f32 v22, v23  }
0x152: {  	v7 =	vadd.f32 v8, v7;
	v4 =	vadd.f32 v15, v4  }
0x153: {  	v3 =	vadd.f32 v11, v3;
	v2 =	vadd.f32 v13, v2;
	v55 =	vmul.f32 v14, v40;
	v21 =	vmovc v14  }
0x154: {  	v0 =	vsub.f32 v5, v0;
	v1 =	vsub.f32 v12, v1;
	v58 =	vmul.f32 v6, v40;
	v22 =	vmovc v6  }
0x155: {  	v8 =	vsub.f32 v12, v10;
	v53 =	vmul.f32 v21, v44;
	v6 =	vsub.f32 v5, v9  }
0x156: {  	v7 =	vsub.f32 v5, v7;
	v4 =	vsub.f32 v12, v4;
	v56 =	vmul.f32 v22, v44;
	v33 =	vld [tilespmem:s25+$0x100]  }
0x157: {  	v3 =	vsub.f32 v5, v3;
	vm4 =	vlt.f32 v0, v57;
	vm2 =	vlt.f32 v1, v60;
	v31 =	vld [tilespmem:s25+$0x110]  }
0x158: {  	v57 =	vsel vm4, v0, v57;
	v0 =	vsub.f32 v12, v2;
	v60 =	vsel vm2, v1, v60;
	v5 =	vld [tilespmem:s25+$0x0]  }
0x159: {  	vm1 =	vlt.f32 v7, v36;
	vm6 =	vlt.f32 v8, v51;
	vm5 =	vlt.f32 v6, v54;
	v2 =	vld [tilespmem:s25+$0x80]  }
0x15a: {  	v36 =	vsel vm1, v7, v36;
	v51 =	vsel vm6, v8, v51;
	v54 =	vsel vm5, v6, v54;
	v9 =	vld [tilespmem:s25+$0x10]  }
0x15b: {  	vm3 =	vlt.f32 v3, v26;
	vm7 =	vlt.f32 v4, v35;
	vm0 =	vlt.f32 v0, v25;
	v6 =	vld [tilespmem:s25+$0x90]  }
0x15c: {  	v26 =	vsel vm3, v3, v26;
	v35 =	vsel vm7, v4, v35;
	v25 =	vsel vm0, v0, v25  }
0x15d: {  	s29 =	sadd.s32 $0x1, s23;
	v52 =	vsel vm4, s23, v52;
	v0 =	vmul.f32 v33, v39;
	v1 =	vmul.f32 v31, v39  }
0x15e: {  	v59 =	vsel vm2, s29, v59;
	v61 =	vmul.f32 v33, v43;
	v62 =	vmul.f32 v31, v43  }
0x15f: {  	v47 =	vsel vm5, s23, v47;
	v4 =	vmul.f32 v5, v37;
	v7 =	vmul.f32 v2, v38  }
0x160: {  	v48 =	vsel vm6, s29, v48;
	v8 =	vmul.f32 v9, v37;
	v10 =	vmul.f32 v6, v38  }
0x161: {  	v32 =	vsel vm1, s23, v32;
	v13 =	vmul.f32 v5, v41;
	v14 =	vmul.f32 v2, v42  }
0x162: {  	v34 =	vsel vm7, s29, v34;
	v15 =	vmul.f32 v9, v41;
	v16 =	vmul.f32 v6, v42  }
0x163: {  	v27 =	vsel vm3, s23, v27;
	s23 =	smov.u32 s26;
	v17 =	vmul.f32 v5, v45;
	v18 =	vmul.f32 v2, v46  }
.Ltmp2:
0x164: {  	v28 =	vsel vm0, s29, v28;
	v19 =	vmul.f32 v9, v45;
	v20 =	vmul.f32 v6, v46;
	(pc) =	sbr.rel @p0 .LBB2_7-.Ltmp2, $4  }
0x165: {  	v3 =	vmul.f32 v5, v49;
	v5 =	vmul.f32 v2, v50  }
0x166: {  	v63 =	vmul.f32 v9, v49;
	v11 =	vadd.f32 v7, v4;
	v12 =	vadd.f32 v10, v8  }
0x167: {  	v9 =	vadd.f32 v14, v13;
	v2 =	vmul.f32 v6, v50;
	v10 =	vadd.f32 v16, v15  }
0x168: {  	s26 =	sadd.s32 $0x2, s26;
	v7 =	vadd.f32 v18, v17;
	v8 =	vmul.f32 v33, v30;
	v6 =	vadd.f32 v20, v19  }
0x169: {  	v4 =	vld [tilespmem:s25+$0x200]  }
0x16a: {  	v13 =	vld [tilespmem:s25+$0x210]  }
0x16b: {  	v0 =	vadd.f32 v0, v11;
	v1 =	vadd.f32 v1, v12;
	_ =	sdelay $0x1  }
0x16c: {  	v0 =	vadd.f32 v55, v0;
	v1 =	vadd.f32 v58, v1;
	_ =	sdelay $0x1  }
0x16d: {  	v0 =	vsub.f32 v4, v0;
	v1 =	vsub.f32 v13, v1;
	_ =	sdelay $0x1  }
0x16e: {  	vm0 =	vlt.f32 v0, v57;
	vm1 =	vlt.f32 v1, v60  }
0x16f: {  	v0 =	vsel vm0, v0, v57;
	v1 =	vsel vm1, v1, v60  }
0x170: {  	vm2 =	vlt.f32 v1, v0  }
0x171: {  	v11 =	vsel vm2, v1, v0  }
0x172: {  	(xrf0) =	vmin.scan.msk.f32 $0xffff, v11;
	_ =	sdelay $0x2  }
0x173: {  	s24 =	sadd.s32 $0x1, s23;
	v12 =	vsel vm0, s23, v52  }
0x174: {  	v14 =	vsel vm1, s24, v59  }
0x175: {  	v9 =	vadd.f32 v61, v9;
	vm0 =	vlt.s32 v12, v14  }
0x176: {  	vm11 =	veq.f32 v1, v0;
	v0 =	vsel vm2, v14, v12;
	v1 =	vsel vm0, v12, v14;
	v12, _, _ =	vpop (xrf0)  }
0x177: {  	v10 =	vadd.f32 v62, v10;
	v0 =	vsel vm11, v1, v0;
	v1 =	vbroadcast v12, $0xF;
	_ =	sdelay $0x1  }
0x178: {  	v9 =	vadd.f32 v53, v9;
	v10 =	vadd.f32 v56, v10;
	vm14 =	veq.f32 v11, v1;
	v11 =	vld [tilespmem:$0x1FFF0];
	_ =	sdelay $0x1  }
0x179: {  	v9 =	vsub.f32 v4, v9;
	v10 =	vsub.f32 v13, v10;
	_ =	sdelay $0x1  }
0x17a: {  	vm12 =	vlt.f32 v9, v54;
	vm13 =	vlt.f32 v10, v51;
	v0 =	vshll.u32 v0, $0x4  }
0x17b: {  	v9 =	vsel vm12, v9, v54;
	v10 =	vsel vm13, v10, v51;
	v0 =	vxor.u32 v11, v0  }
0x17c: {  	vm15 =	vlt.f32 v10, v9;
	v0 =	vnsel vm14, $0x80000800, v0  }
0x17d: {  	v1 =	vmul.f32 v31, v30;
	(xrf0) =	vmin.scan.msk.u32 $0xffff, v0;
	v0 =	vsel vm15, v10, v9  }
0x17e: {  	v7 =	vadd.f32 v8, v7;
	(xrf0) =	vmin.scan.msk.f32 $0xffff, v0  }
0x17f: {  	v8 =	vmul.f32 v21, v29;
	v1 =	vadd.f32 v1, v6;
	v6 =	vmul.f32 v22, v29;
	_ =	sdelay $0x1  }
0x180: {  	v7 =	vadd.f32 v8, v7;
	v1 =	vadd.f32 v6, v1;
	v6 =	vsel vm13, s24, v48  }
0x181: {  	v3 =	vadd.f32 v5, v3;
	v5 =	vsel vm12, s23, v47  }
0x182: {  	v7 =	vsub.f32 v4, v7;
	vm4 =	veq.f32 v10, v9;
	vm0 =	vlt.s32 v5, v6;
	v8, _, _ =	vpop (xrf0)  }
0x183: {  	v1 =	vsub.f32 v13, v1;
	v9 =	vsel vm15, v6, v5;
	v5 =	vsel vm0, v5, v6;
	v6, _, _ =	vpop (xrf0)  }
0x184: {  	vm5 =	vlt.f32 v7, v36;
	v5 =	vsel vm4, v5, v9;
	v9 =	vbroadcast v6, $0xF  }
0x185: {  	v7 =	vsel vm5, v7, v36;
	vm6 =	vlt.f32 v1, v35;
	v5 =	vshll.u32 v5, $0x4  }
0x186: {  	v1 =	vsel vm6, v1, v35;
	vm7 =	veq.f32 v0, v9;
	v0 =	vxor.u32 v11, v5  }
0x187: {  	vm8 =	vlt.f32 v1, v7;
	v0 =	vnsel vm7, $0x80000800, v0  }
0x188: {  	v5 =	vmul.f32 v33, v24;
	(xrf0) =	vmin.scan.msk.u32 $0xffff, v0;
	v0 =	vsel vm8, v1, v7  }
0x189: {  	v2 =	vadd.f32 v2, v63;
	v9 =	vmul.f32 v31, v24;
	(xrf0) =	vmin.scan.msk.f32 $0xffff, v0  }
0x18a: {  	v3 =	vadd.f32 v5, v3;
	v5 =	vmul.f32 v21, v23  }
0x18b: {  	v2 =	vadd.f32 v9, v2;
	v9 =	vmul.f32 v22, v23  }
0x18c: {  	v3 =	vadd.f32 v5, v3  }
0x18d: {  	v2 =	vadd.f32 v9, v2;
	v5 =	vsel vm5, s23, v32;
	v9 =	vsel vm6, s24, v34  }
0x18e: {  	vm9 =	veq.f32 v1, v7;
	vm0 =	vlt.s32 v5, v9;
	v3 =	vsub.f32 v4, v3;
	v4, _, _ =	vpop (xrf0)  }
0x18f: {  	v1 =	vsel vm8, v9, v5;
	v2 =	vsub.f32 v13, v2;
	v5 =	vsel vm0, v5, v9;
	v7, _, _ =	vpop (xrf0)  }
0x190: {  	v1 =	vsel vm9, v5, v1;
	vm10 =	vlt.f32 v3, v26;
	v5 =	vbroadcast v7, $0xF  }
0x191: {  	vm11 =	vlt.f32 v2, v25;
	v1 =	vshll.u32 v1, $0x4;
	v3 =	vsel vm10, v3, v26  }
0x192: {  	v2 =	vsel vm11, v2, v25;
	vm12 =	veq.f32 v0, v5;
	v0 =	vxor.u32 v11, v1  }
0x193: {  	vm13 =	vlt.f32 v2, v3;
	v0 =	vnsel vm12, $0x80000800, v0  }
0x194: {  	(xrf0) =	vmin.scan.msk.u32 $0xffff, v0;
	v0 =	vsel vm13, v2, v3  }
0x195: {  	(xrf0) =	vmin.scan.msk.f32 $0xffff, v0;
	_ =	sdelay $0x3  }
0x196: {  	v1 =	vsel vm10, s23, v27;
	v5 =	vsel vm11, s24, v28  }
0x197: {  	vm0 =	vlt.s32 v1, v5;
	v9, _, _ =	vpop (xrf0)  }
0x198: {  	vm14 =	veq.f32 v2, v3;
	v2 =	vsel vm13, v5, v1;
	v1 =	vsel vm0, v1, v5;
	v3, _, _ =	vpop (xrf0)  }
0x199: {  	v1 =	vsel vm14, v1, v2;
	v2 =	vbroadcast v3, $0xF  }
0x19a: {  	v1 =	vshll.u32 v1, $0x4  }
0x19b: {  	vm15 =	veq.f32 v0, v2;
	v0 =	vxor.u32 v11, v1;
	v1 =	vld [tilespmem:$0x1FFE0];
	_ =	sdelay $0x2  }
0x19c: {  	(v2sf) =	vpush v12, $0xF  }
0x19d: {  	(v2sf) =	vpush v8, $0xF  }
0x19e: {  	v0 =	vnsel vm15, $0x80000800, v0;
	(v2sf) =	vpush v1, $0x8  }
0x19f: {  	(xrf0) =	vmin.scan.msk.u32 $0xffff, v0;
	(v2sf) =	vpush v6, $0xF  }
0x1a0: {  	(v2sf) =	vpush v4, $0xF  }
0x1a1: {  	(v2sf) =	vpush v1, $0x9  }
0x1a2: {  	(v2sf) =	vpush v7, $0xF  }
0x1a3: {  	(v2sf) =	vpush v9, $0xF  }
0x1a4: {  	(v2sf) =	vpush v1, $0xA  }
0x1a5: {  	v0, _, _ =	vpop (xrf0);
	(v2sf) =	vpush v3, $0xF  }
0x1a6: {  	(v2sf) =	vpush v0, $0xF  }
0x1a7: {  	(v2sf) =	vpush v1, $0xB;
	_ =	sdelay $0x2  }
0x1a8: {  	s29 =	sor.u32 $0x8, s22  }
0x1a9: {  	s24 =	spop (v2sf);
	v0 =	vmov s29  }
0x1aa: {  	s30 =	sor.u32 $0x9, s22;
	s23 =	spop (v2sf);
	v0 =	vand.u32 $0xFFFFFFF8, v0  }
0x1ab: {  	v1 =	vmov s30;
	v0 =	vbroadcast v0, $0x0;
	s26 =	spop (v2sf)  }
0x1ac: {  	s28 =	sor.u32 $0xA, s22;
	v1 =	vand.u32 $0xFFFFFFF9, v1;
	s31 =	spop (v2sf)  }
0x1ad: {  	v2 =	vmov s28;
	v1 =	vbroadcast v1, $0x0;
	s29 =	spop (v2sf)  }
0x1ae: {  	v2 =	vand.u32 $0xFFFFFFFA, v2;
	s30 =	sor.u32 $0xB, s22;
	s28 =	spop (v2sf)  }
0x1af: {  	s23 =	sxor.u32 $0x80000000, s23;
	v2 =	vbroadcast v2, $0x0;
	v3 =	vmov s30;
	s24 =	sadd.f32 s24, s26;
	s26 =	spop (v2sf)  }
0x1b0: {  	v4 =	vmov s23;
	v3 =	vand.u32 $0xFFFFFFFB, v3;
	s23 =	spop (v2sf)  }
0x1b1: {  	v3 =	vbroadcast v3, $0x0;
	[tilespmem:v0+s18+$0x0] =	vst.idx.msk $0x1, v4;
	v5 =	vmov s24;
	s25 =	sadd.f32 s31, s28;
	s28 =	sxor.u32 $0x80000000, s29;
	s30 =	spop (v2sf)  }
0x1b2: {  	[tilespmem:v0+s19+$0x0] =	vst.idx.msk $0x1, v5;
	v4 =	vmov s28;
	s28 =	spop (v2sf)  }
0x1b3: {  	v0 =	vmov s25;
	[tilespmem:v1+s18+$0x0] =	vst.idx.msk $0x1, v4;
	s23 =	sxor.u32 $0x80000000, s23;
	s25 =	sadd.f32 s26, s30;
	s31 =	spop (v2sf)  }
0x1b4: {  	v5 =	vld [tilespmem:$0x1FFC0];
	[tilespmem:v1+s19+$0x0] =	vst.idx.msk $0x1, v0;
	v0 =	vmov s23;
	s29 =	spop (v2sf)  }
0x1b5: {  	v4 =	vld [tilespmem:$0x1FFB0];
	[tilespmem:v2+s18+$0x0] =	vst.idx.msk $0x1, v0;
	v0 =	vmov s25;
	s24 =	sxor.u32 $0x80000000, s31;
	s23 =	sadd.f32 s28, s29  }
0x1b6: {  	[tilespmem:v2+s19+$0x0] =	vst.idx.msk $0x1, v0;
	v0 =	vmov s24  }
0x1b7: {  	s24 =	simm.s32 $0x0;
	v2 =	vld [tilespmem:$0x1FFA0];
	[tilespmem:v3+s18+$0x0] =	vst.idx.msk $0x1, v0;
	v0 =	vmov s23  }
0x1b8: {  	s30 =	sand.u32 $0x60, s24;
	s31 =	sand.u32 $0x3C00, s24;
	[tilespmem:v3+s19+$0x0] =	vst.idx.msk $0x1, v0;
	v3 =	vld [tilespmem:$0x1FFD0]  }
0x1b9: {  	v1 =	vimm.s32 $0xC;
	s25 =	sor.u32 s30, s31  }
0x1ba: {  	v35 =	vperm.xlane v5, v1;
	v34 =	vperm.xlane v4, v1;
	v0 =	vimm.s32 $0xD;
	v29 =	vld [tilespmem:s25+$0x100]  }
0x1bb: {  	v50 =	vimm.f32 $+Inf;
	v38 =	vperm.xlane v4, v0;
	v39 =	vperm.xlane v5, v0;
	v27 =	vld [tilespmem:s25+$0x110]  }
0x1bc: {  	v43 =	vimm.s32 $0x0;
	v6 =	vld [tilespmem:s25+$0x10];
	v33 =	vperm.xlane v2, v1;
	v37 =	vperm.xlane v2, v0  }
0x1bd: {  	v7 =	vld [tilespmem:s25+$0x90];
	v36 =	vperm.xlane v3, v1;
	v40 =	vperm.xlane v3, v0;
	v0 =	vimm.s32 $0xE  }
0x1be: {  	v44 =	vimm.s32 $0x0;
	v41 =	vperm.xlane v2, v0;
	v42 =	vperm.xlane v4, v0  }
0x1bf: {  	v53 =	vimm.f32 $+Inf;
	v26 =	vperm.xlane v5, v0;
	v25 =	vperm.xlane v3, v0  }
0x1c0: {  	v56 =	vimm.f32 $+Inf;
	v21 =	vld [tilespmem:s25+$0x180];
	v1 =	vmul.f32 v27, v35;
	v57 =	vmul.f32 v29, v39  }
0x1c1: {  	v55 =	vimm.s32 $0x0;
	v22 =	vld [tilespmem:s25+$0x190];
	v58 =	vmul.f32 v27, v39;
	v10 =	vmul.f32 v6, v33  }
0x1c2: {  	v0 =	vimm.s32 $0xF;
	v12 =	vmul.f32 v7, v34;
	v15 =	vmul.f32 v6, v37  }
0x1c3: {  	v47 =	vimm.f32 $+Inf;
	v16 =	vmul.f32 v7, v38;
	v45 =	vperm.xlane v2, v0  }
0x1c4: {  	v30 =	vimm.s32 $0x0;
	v2 =	vld [tilespmem:s25+$0x0];
	v46 =	vperm.xlane v4, v0;
	v18 =	vperm.xlane v5, v0  }
0x1c5: {  	v48 =	vimm.s32 $0x0;
	v4 =	vld [tilespmem:s25+$0x80];
	v17 =	vperm.xlane v3, v0;
	v51 =	vmul.f32 v21, v36  }
0x1c6: {  	v31 =	vimm.f32 $+Inf;
	v54 =	vmul.f32 v22, v36;
	v49 =	vmul.f32 v21, v40  }
0x1c7: {  	v32 =	vimm.f32 $+Inf;
	v52 =	vmul.f32 v22, v40;
	v0 =	vmul.f32 v29, v35  }
0x1c8: {  	v28 =	vimm.s32 $0x0;
	v23 =	vmul.f32 v6, v41;
	v24 =	vmul.f32 v7, v42  }
0x1c9: {  	v12 =	vadd.f32 v12, v10;
	v10 =	vadd.f32 v16, v15;
	v59 =	vmul.f32 v6, v45  }
0x1ca: {  	v6 =	vadd.f32 v24, v23;
	v8 =	vmul.f32 v2, v33;
	v9 =	vmul.f32 v4, v34  }
0x1cb: {  	v23 =	vimm.s32 $0x0;
	v13 =	vmul.f32 v2, v37;
	v14 =	vmul.f32 v4, v38  }
0x1cc: {  	v24 =	vimm.s32 $0x0;
	v19 =	vmul.f32 v2, v41;
	v20 =	vmul.f32 v4, v42  }
0x1cd: {  	v3 =	vmul.f32 v2, v45;
	v5 =	vmul.f32 v4, v46;
	v11 =	vadd.f32 v9, v8  }
0x1ce: {  	v2 =	vmul.f32 v7, v46;
	v9 =	vadd.f32 v14, v13;
	v7 =	vadd.f32 v20, v19  }
0x1cf: {  	s26 =	simm.s32 $0x2;
	s28 =	simm.s32 $0x0;
	s23 =	simm.s32 $0x0;
	v8 =	vmul.f32 v29, v26;
	v20 =	vimm.f32 $+Inf;
	v19 =	vimm.f32 $+Inf  }
.LBB2_9:
0x1d0: {  	p0 =	sne.s32 s26, $0x7E;
	v4 =	vmul.f32 v27, v26;
	v3 =	vadd.f32 v5, v3;
	v2 =	vadd.f32 v2, v59;
	s24 =	sadd.s32 $0x100, s24;
	s28 =	sadd.s32 $0x20, s28  }
0x1d1: {  	v0 =	vadd.f32 v0, v11;
	v1 =	vadd.f32 v1, v12;
	v11 =	vmul.f32 v29, v18;
	s29 =	sand.u32 $0x60, s28;
	s30 =	sand.u32 $0x3C00, s24;
	v5 =	vld [tilespmem:s25+$0x200]  }
0x1d2: {  	v9 =	vadd.f32 v57, v9;
	v10 =	vadd.f32 v58, v10;
	v13 =	vmul.f32 v27, v18;
	v12 =	vld [tilespmem:s25+$0x210];
	s25 =	sor.u32 s29, s30  }
0x1d3: {  	v7 =	vadd.f32 v8, v7;
	v8 =	vmul.f32 v21, v25;
	v4 =	vadd.f32 v4, v6;
	v14 =	vld [tilespmem:s25+$0x180]  }
0x1d4: {  	v15 =	vmul.f32 v22, v25;
	v3 =	vadd.f32 v11, v3;
	v2 =	vadd.f32 v13, v2;
	v6 =	vld [tilespmem:s25+$0x190]  }
0x1d5: {  	v0 =	vadd.f32 v51, v0;
	v1 =	vadd.f32 v54, v1;
	v11 =	vmul.f32 v21, v17  }
0x1d6: {  	v9 =	vadd.f32 v49, v9;
	v10 =	vadd.f32 v52, v10;
	v13 =	vmul.f32 v22, v17  }
0x1d7: {  	v7 =	vadd.f32 v8, v7;
	v4 =	vadd.f32 v15, v4  }
0x1d8: {  	v3 =	vadd.f32 v11, v3;
	v2 =	vadd.f32 v13, v2;
	v51 =	vmul.f32 v14, v36;
	v21 =	vmovc v14  }
0x1d9: {  	v0 =	vsub.f32 v5, v0;
	v1 =	vsub.f32 v12, v1;
	v54 =	vmul.f32 v6, v36;
	v22 =	vmovc v6  }
0x1da: {  	v8 =	vsub.f32 v12, v10;
	v49 =	vmul.f32 v21, v40;
	v6 =	vsub.f32 v5, v9  }
0x1db: {  	v7 =	vsub.f32 v5, v7;
	v4 =	vsub.f32 v12, v4;
	v52 =	vmul.f32 v22, v40;
	v29 =	vld [tilespmem:s25+$0x100]  }
0x1dc: {  	v3 =	vsub.f32 v5, v3;
	vm4 =	vlt.f32 v0, v53;
	vm2 =	vlt.f32 v1, v56;
	v27 =	vld [tilespmem:s25+$0x110]  }
0x1dd: {  	v53 =	vsel vm4, v0, v53;
	v0 =	vsub.f32 v12, v2;
	v56 =	vsel vm2, v1, v56;
	v5 =	vld [tilespmem:s25+$0x0]  }
0x1de: {  	vm1 =	vlt.f32 v7, v32;
	vm6 =	vlt.f32 v8, v47;
	vm5 =	vlt.f32 v6, v50;
	v2 =	vld [tilespmem:s25+$0x80]  }
0x1df: {  	v32 =	vsel vm1, v7, v32;
	v47 =	vsel vm6, v8, v47;
	v50 =	vsel vm5, v6, v50;
	v9 =	vld [tilespmem:s25+$0x10]  }
0x1e0: {  	vm3 =	vlt.f32 v3, v20;
	vm7 =	vlt.f32 v4, v31;
	vm0 =	vlt.f32 v0, v19;
	v6 =	vld [tilespmem:s25+$0x90]  }
0x1e1: {  	v20 =	vsel vm3, v3, v20;
	v31 =	vsel vm7, v4, v31;
	v19 =	vsel vm0, v0, v19  }
0x1e2: {  	s29 =	sadd.s32 $0x1, s23;
	v48 =	vsel vm4, s23, v48;
	v0 =	vmul.f32 v29, v35;
	v1 =	vmul.f32 v27, v35  }
0x1e3: {  	v55 =	vsel vm2, s29, v55;
	v57 =	vmul.f32 v29, v39;
	v58 =	vmul.f32 v27, v39  }
0x1e4: {  	v43 =	vsel vm5, s23, v43;
	v4 =	vmul.f32 v5, v33;
	v7 =	vmul.f32 v2, v34  }
0x1e5: {  	v44 =	vsel vm6, s29, v44;
	v8 =	vmul.f32 v9, v33;
	v10 =	vmul.f32 v6, v34  }
0x1e6: {  	v28 =	vsel vm1, s23, v28;
	v13 =	vmul.f32 v5, v37;
	v14 =	vmul.f32 v2, v38  }
0x1e7: {  	v30 =	vsel vm7, s29, v30;
	v15 =	vmul.f32 v9, v37;
	v16 =	vmul.f32 v6, v38  }
0x1e8: {  	v23 =	vsel vm3, s23, v23;
	s23 =	smov.u32 s26;
	v60 =	vmul.f32 v5, v41;
	v61 =	vmul.f32 v2, v42  }
.Ltmp3:
0x1e9: {  	v24 =	vsel vm0, s29, v24;
	v62 =	vmul.f32 v9, v41;
	v63 =	vmul.f32 v6, v42;
	(pc) =	sbr.rel @p0 .LBB2_9-.Ltmp3, $4  }
0x1ea: {  	v3 =	vmul.f32 v5, v45;
	v5 =	vmul.f32 v2, v46  }
0x1eb: {  	v59 =	vmul.f32 v9, v45;
	v11 =	vadd.f32 v7, v4;
	v12 =	vadd.f32 v10, v8  }
0x1ec: {  	v9 =	vadd.f32 v14, v13;
	v2 =	vmul.f32 v6, v46;
	v10 =	vadd.f32 v16, v15  }
0x1ed: {  	s26 =	sadd.s32 $0x2, s26;
	v7 =	vadd.f32 v61, v60;
	v8 =	vmul.f32 v29, v26;
	v6 =	vadd.f32 v63, v62  }
0x1ee: {  	v4 =	vld [tilespmem:s25+$0x200]  }
0x1ef: {  	v13 =	vld [tilespmem:s25+$0x210]  }
0x1f0: {  	v0 =	vadd.f32 v0, v11;
	v1 =	vadd.f32 v1, v12;
	_ =	sdelay $0x1  }
0x1f1: {  	v0 =	vadd.f32 v51, v0;
	v1 =	vadd.f32 v54, v1;
	_ =	sdelay $0x1  }
0x1f2: {  	v0 =	vsub.f32 v4, v0;
	v1 =	vsub.f32 v13, v1;
	_ =	sdelay $0x1  }
0x1f3: {  	vm0 =	vlt.f32 v0, v53;
	vm1 =	vlt.f32 v1, v56  }
0x1f4: {  	v0 =	vsel vm0, v0, v53;
	v1 =	vsel vm1, v1, v56  }
0x1f5: {  	vm2 =	vlt.f32 v1, v0  }
0x1f6: {  	v46 =	vsel vm2, v1, v0  }
0x1f7: {  	(xrf0) =	vmin.scan.msk.f32 $0xffff, v46  }
0x1f8: {  	v9 =	vadd.f32 v57, v9;
	v10 =	vadd.f32 v58, v10;
	_ =	sdelay $0x1  }
0x1f9: {  	s24 =	sadd.s32 $0x1, s23;
	v9 =	vadd.f32 v49, v9;
	v10 =	vadd.f32 v52, v10  }
0x1fa: {  	v51 =	vsel vm0, s23, v48;
	v14 =	vsel vm1, s24, v55;
	v56 =	vld [tilespmem:$0x1FFF0]  }
0x1fb: {  	v9 =	vsub.f32 v4, v9;
	v10 =	vsub.f32 v13, v10;
	vm0 =	vlt.s32 v51, v14  }
0x1fc: {  	vm11 =	veq.f32 v1, v0;
	v52 =	vsel vm2, v14, v51;
	v53 =	vsel vm0, v51, v14;
	v54, _, _ =	vpop (xrf0)  }
0x1fd: {  	vm12 =	vlt.f32 v9, v50;
	v0 =	vsel vm11, v53, v52;
	v55 =	vbroadcast v54, $0xF  }
0x1fe: {  	vm13 =	vlt.f32 v10, v47;
	v9 =	vsel vm12, v9, v50;
	v0 =	vshll.u32 v0, $0x4  }
0x1ff: {  	v10 =	vsel vm13, v10, v47;
	v0 =	vxor.u32 v56, v0;
	vm14 =	veq.f32 v46, v55  }
0x200: {  	vm15 =	vlt.f32 v10, v9;
	v0 =	vnsel vm14, $0x80000800, v0  }
0x201: {  	v58 =	vsel vm15, v10, v9;
	(xrf0) =	vmin.scan.msk.u32 $0xffff, v0  }
0x202: {  	v57 =	vmul.f32 v27, v26;
	(xrf0) =	vmin.scan.msk.f32 $0xffff, v58  }
0x203: {  	v60 =	vmul.f32 v21, v25;
	v7 =	vadd.f32 v8, v7  }
0x204: {  	v61 =	vmul.f32 v22, v25;
	v1 =	vadd.f32 v57, v6  }
0x205: {  	v3 =	vadd.f32 v5, v3;
	v7 =	vadd.f32 v60, v7  }
0x206: {  	v62 =	vsel vm12, s23, v43;
	v63 =	vsel vm13, s24, v44;
	v1 =	vadd.f32 v61, v1  }
0x207: {  	v7 =	vsub.f32 v4, v7;
	vm4 =	veq.f32 v10, v9;
	vm0 =	vlt.s32 v62, v63;
	v14, _, _ =	vpop (xrf0)  }
0x208: {  	v15 =	vsel vm15, v63, v62;
	v5 =	vsel vm0, v62, v63;
	v1 =	vsub.f32 v13, v1;
	v16, _, _ =	vpop (xrf0)  }
0x209: {  	vm5 =	vlt.f32 v7, v32;
	v5 =	vsel vm4, v5, v15;
	v25 =	vbroadcast v16, $0xF  }
0x20a: {  	v7 =	vsel vm5, v7, v32;
	v5 =	vshll.u32 v5, $0x4;
	vm6 =	vlt.f32 v1, v31  }
0x20b: {  	v26 =	vxor.u32 v56, v5;
	v1 =	vsel vm6, v1, v31;
	vm7 =	veq.f32 v58, v25  }
0x20c: {  	vm8 =	vlt.f32 v1, v7;
	v0 =	vnsel vm7, $0x80000800, v26  }
0x20d: {  	v2 =	vadd.f32 v2, v59;
	v32 =	vmul.f32 v27, v18;
	v33 =	vsel vm8, v1, v7;
	(xrf0) =	vmin.scan.msk.u32 $0xffff, v0  }
0x20e: {  	v31 =	vmul.f32 v29, v18;
	(xrf0) =	vmin.scan.msk.f32 $0xffff, v33  }
0x20f: {  	v35 =	vmul.f32 v22, v17;
	v2 =	vadd.f32 v32, v2  }
0x210: {  	v34 =	vmul.f32 v21, v17;
	v3 =	vadd.f32 v31, v3  }
0x211: {  	v2 =	vadd.f32 v35, v2  }
0x212: {  	v36 =	vsel vm5, s23, v28;
	v37 =	vsel vm6, s24, v30;
	v3 =	vadd.f32 v34, v3  }
0x213: {  	v2 =	vsub.f32 v13, v2;
	vm0 =	vlt.s32 v36, v37;
	vm9 =	veq.f32 v1, v7;
	v38, _, _ =	vpop (xrf0)  }
0x214: {  	v39 =	vsel vm8, v37, v36;
	v5 =	vsel vm0, v36, v37;
	v3 =	vsub.f32 v4, v3;
	v40, _, _ =	vpop (xrf0)  }
0x215: {  	vm11 =	vlt.f32 v2, v19;
	v1 =	vsel vm9, v5, v39;
	v41 =	vbroadcast v40, $0xF  }
0x216: {  	v2 =	vsel vm11, v2, v19;
	v1 =	vshll.u32 v1, $0x4;
	vm10 =	vlt.f32 v3, v20  }
0x217: {  	v42 =	vxor.u32 v56, v1;
	v3 =	vsel vm10, v3, v20;
	vm12 =	veq.f32 v33, v41  }
0x218: {  	vm13 =	vlt.f32 v2, v3;
	v0 =	vnsel vm12, $0x80000800, v42  }
0x219: {  	v43 =	vsel vm13, v2, v3;
	(xrf0) =	vmin.scan.msk.u32 $0xffff, v0  }
0x21a: {  	(xrf0) =	vmin.scan.msk.f32 $0xffff, v43;
	_ =	sdelay $0x3  }
0x21b: {  	v45 =	vsel vm11, s24, v24;
	v44 =	vsel vm10, s23, v23  }
0x21c: {  	v51 =	vld [tilespmem:$0x1FFE0];
	vm0 =	vlt.s32 v44, v45;
	v46, _, _ =	vpop (xrf0)  }
0x21d: {  	vm14 =	veq.f32 v2, v3;
	v47 =	vsel vm13, v45, v44;
	v1 =	vsel vm0, v44, v45;
	v48, _, _ =	vpop (xrf0)  }
0x21e: {  	v1 =	vsel vm14, v1, v47;
	v49 =	vbroadcast v48, $0xF  }
0x21f: {  	(v2sf) =	vpush v54, $0xF;
	v1 =	vshll.u32 v1, $0x4  }
0x220: {  	(v2sf) =	vpush v14, $0xF;
	v50 =	vxor.u32 v56, v1;
	vm15 =	veq.f32 v43, v49  }
0x221: {  	(v2sf) =	vpush v51, $0xC;
	v0 =	vnsel vm15, $0x80000800, v50  }
0x222: {  	(v2sf) =	vpush v16, $0xF;
	(xrf0) =	vmin.scan.msk.u32 $0xffff, v0  }
0x223: {  	(v2sf) =	vpush v38, $0xF  }
0x224: {  	(v2sf) =	vpush v51, $0xD  }
0x225: {  	(v2sf) =	vpush v40, $0xF  }
0x226: {  	(v2sf) =	vpush v46, $0xF  }
0x227: {  	(v2sf) =	vpush v51, $0xE  }
0x228: {  	(v2sf) =	vpush v48, $0xF;
	v0, _, _ =	vpop (xrf0)  }
0x229: {  	(v2sf) =	vpush v0, $0xF  }
0x22a: {  	(v2sf) =	vpush v51, $0xF;
	_ =	sdelay $0x2  }
0x22b: {  	s28 =	sor.u32 $0xC, s22  }
0x22c: {  	v52 =	vmov s28;
	s24 =	spop (v2sf)  }
0x22d: {  	s29 =	sor.u32 $0xD, s22;
	s23 =	spop (v2sf);
	v0 =	vand.u32 $0xFFFFFFFC, v52  }
0x22e: {  	v53 =	vmov s29;
	s26 =	spop (v2sf);
	v0 =	vbroadcast v0, $0x0  }
0x22f: {  	s28 =	sor.u32 $0xE, s22;
	v1 =	vand.u32 $0xFFFFFFFD, v53;
	s30 =	spop (v2sf)  }
0x230: {  	v54 =	vmov s28;
	v1 =	vbroadcast v1, $0x0;
	s29 =	spop (v2sf)  }
0x231: {  	v2 =	vand.u32 $0xFFFFFFFE, v54;
	s31 =	spop (v2sf)  }
0x232: {  	v2 =	vbroadcast v2, $0x0;
	s23 =	sxor.u32 $0x80000000, s23;
	s24 =	sadd.f32 s24, s26;
	s26 =	spop (v2sf)  }
0x233: {  	s21 =	sadd.s32 $0x1, s21;
	v55 =	vmov s23;
	s23 =	sadd.f32 s30, s31;
	s25 =	spop (v2sf)  }
0x234: {  	v56 =	vmov s24;
	s30 =	sxor.u32 $0x80000000, s29;
	s31 =	sor.u32 $0xF, s22;
	s24 =	spop (v2sf);
	[tilespmem:v0+s18+$0x0] =	vst.idx.msk $0x1, v55  }
0x235: {  	p0 =	sne.s32 s21, $0xA;
	v57 =	vmov s30;
	v58 =	vmov s31;
	s22 =	spop (v2sf);
	[tilespmem:v0+s19+$0x0] =	vst.idx.msk $0x1, v56  }
0x236: {  	v59 =	vmov s23;
	s25 =	sxor.u32 $0x80000000, s25;
	s28 =	sadd.f32 s26, s24;
	[tilespmem:v1+s18+$0x0] =	vst.idx.msk $0x1, v57;
	s29 =	spop (v2sf)  }
.Ltmp4:
0x237: {  	v60 =	vmov s25;
	[tilespmem:v1+s19+$0x0] =	vst.idx.msk $0x1, v59;
	s30 =	spop (v2sf);
	(pc) =	sbr.rel @p0 .LBB2_2-.Ltmp4, $4  }
0x238: {  	v61 =	vmov s28;
	[tilespmem:v2+s18+$0x0] =	vst.idx.msk $0x1, v60;
	s31 =	sxor.u32 $0x80000000, s29;
	s22 =	sadd.f32 s22, s30  }
0x239: {  	[tilespmem:v2+s19+$0x0] =	vst.idx.msk $0x1, v61;
	v62 =	vmov s31  }
0x23a: {  	[tilespmem:v58+s18+$0x0] =	vst.idx.msk $0x1, v62;
	v63 =	vmov s22  }
0x23b: {  	[tilespmem:v58+s19+$0x0] =	vst.idx.msk $0x1, v63  }
0x23c: {  	[hbm4b:s9+s3] =	stream.linear.scatter [tilespmem:s18], [sflag:$0x1], $0xA0, $0x38;
	[tilespmem:$0x4580] =	vst v63  }
0x23d: {  	s20 =	sadd.s32 $0x1, s20;
	_ =	swait.ge [sflag:s12], $0xA0  }
0x23e: {  	p0 =	sne.s32 s20, s11;
	[sflag:s12] =	ssyncset.done $0x0  }
.Ltmp5:
0x23f: {  	[sflag:s12] =	ssyncadd.s32 $0xFFFFFF60;
	(pc) =	sbr.rel @p0 .LBB2_1-.Ltmp5, $4  }
0x240: {  	[hbm4b:s10+s3] =	stream.linear.scatter [tilespmem:s19], [sflag:$0x1], $0xA0, $0x38;
	[tilespmem:$0x4580] =	vst v63  }
0x241: {  	_ =	swait.ge [sflag:s12], $0xA0  }
0x242: {  	[sflag:s12] =	ssyncset.done $0x0  }
0x243: {  	[sflag:s12] =	ssyncadd.s32 $0xFFFFFF60  }
0x244: {  	_ =	sfence.sel $0x180000  }
0x245: {  	[bflag:$0x0] =	sbarrier.arrive $0xFFFF  }
0x246: {  	p0 =	sne.s32 s0, $0x0;
	_ =	strace $0x90000047  }
0x247: {  	s0 =	sadd.s32 @!p0 $0x100000, s2;
	[bflag:$0x2] =	sbarrier.arrive $0xFFFF  }
0x248: {  	[sflag:s0] =	ssyncadd.tile.s32 @!p0 $0x1;
	_ =	shalt  }
.Lfunc_end2:
_tile_overlayer_lowered:
.L_overlay_start_2:
0x249: {  	(tag) =	ssettag $0x2  }
0x24a: {  	s0 =	rddreg [dreg:$0x0];
	s2 =	stileid.u32  }
0x24b: {  	s1 =	rddreg [dreg:$0x1];
	p0 =	sne.s32 s2, $0x0  }
0x24c: {  	s3 =	rddreg [dreg:$0x2];
	[bflag:$0x3] =	sbarrier.arrive $0xFFFF;
	s2 =	simm.s32 @!p0 $0x1C01  }
0x24d: {  	[timem:s3], [sflag:s2] =	dma.local @!p0 [hbm:s0], s1  }
0x24e: {  	s0 =	simm.s32 @!p0 $0x1  }
0x24f: {  	_ =	swait.ge @!p0 [sflag:s0], s1  }
0x250: {  	s1 =	ssub.s32 @!p0 $0x0, s1;
	[sflag:s0] =	ssyncset.done @!p0 $0x0  }
0x251: {  	[sflag:s0] =	ssyncadd.s32 @!p0 s1  }
0x252: {  	[bflag:$0x3] =	sbarrier.arrive $0xFFFF  }
0x253: {  	_ =	shalt  }

</sc_bundles>
